<compile_context>
chip_gen: v7x
topology: tpu7x:2x2x1
jax: 0.10.2.dev20260603
libtpu: 0.0.44.dev20260713+nightly
codegen_flags: <defaults>
</compile_context>

<pallas_src>
import functools

import jax
import jax.numpy as jnp
from jax import lax
from jax.experimental import pallas as pl
from jax.experimental.pallas import tpu as pltpu
from jax.experimental.pallas import tpu_sc as plsc

_NT = 16384
_S = 50
_D = 32
_V = 1000000

_INFO = plsc.get_sparse_core_info()
_NC = _INFO.num_cores
_NS = _INFO.num_subcores
_NW = _NC * _NS
_TPW = _NT // _NW
_HC = _TPW // 2
_KC = _HC // 16


@functools.partial(
    pl.kernel,
    mesh=plsc.VectorSubcoreMesh(core_axis_name="c", subcore_axis_name="s"),
    out_type=jax.ShapeDtypeStruct((_S, _D, _NT), jnp.float32),
    scratch_types=[
        pltpu.VMEM((_TPW * _S,), jnp.int32),
        pltpu.VMEM((_HC,), jnp.int32),
        pltpu.VMEM((_HC,), jnp.int32),
        pltpu.VMEM((_HC,), jnp.int32),
        pltpu.VMEM((_HC,), jnp.int32),
        pltpu.VMEM((_HC, 128), jnp.float32),
        pltpu.VMEM((_HC, 128), jnp.float32),
        pltpu.VMEM((_D, _HC), jnp.float32),
        pltpu.VMEM((_D, _HC), jnp.float32),
        pltpu.SemaphoreType.DMA,
        pltpu.SemaphoreType.DMA,
        pltpu.SemaphoreType.DMA,
        pltpu.SemaphoreType.DMA,
    ],
    compiler_params=pltpu.CompilerParams(
        use_tc_tiling_on_sc=True, needs_layout_passes=False),
)
def _sc_embed(idx_hbm, w128_hbm, out_hbm, ids_v, idga_v, idma_v, idgb_v,
              idmb_v, ga_v, gb_v, oa_v, ob_v, gsa, gsb, ssa, ssb):
    wid = lax.axis_index("s") * _NC + lax.axis_index("c")
    t0 = pl.multiple_of(wid * _TPW, _TPW)
    pltpu.sync_copy(idx_hbm.at[pl.ds(t0 * _S, _TPW * _S)], ids_v)

    iota = lax.iota(jnp.int32, 16)
    stride_s = iota * _S

    def build(s, h, idg_v, idm_v):
        for k in range(_KC):
            idxvec = stride_s + ((_HC * h + 16 * k) * _S + s)
            ids = plsc.load_gather(ids_v, [idxvec])
            idg_v[pl.ds(16 * k, 16)] = ids >> 2
            idm_v[pl.ds(16 * k, 16)] = (ids & 3) << 5

    def extract(g_v, idm_v, o_v):
        def kbody(k, _):
            rows = iota + 16 * k
            kk = pl.multiple_of(16 * k, 16)
            cols0 = idm_v[pl.ds(kk, 16)]
            for d in range(_D):
                o_v[d, pl.ds(kk, 16)] = plsc.load_gather(
                    g_v, [rows, cols0 + d])
            return ()
        lax.fori_loop(0, _KC, kbody, (), unroll=False)

    build(0, 0, idga_v, idma_v)
    pltpu.async_copy(w128_hbm.at[idga_v], ga_v, gsa)

    def body(s, _):
        build(s, 1, idgb_v, idmb_v)
        pltpu.async_copy(w128_hbm.at[idgb_v], gb_v, gsb)
        pltpu.make_async_copy(w128_hbm.at[idga_v], ga_v, gsa).wait()

        @pl.when(s > 0)
        def _():
            pltpu.make_async_copy(
                oa_v, out_hbm.at[0, :, pl.ds(t0, _HC)], ssa).wait()
        extract(ga_v, idma_v, oa_v)
        pltpu.async_copy(oa_v, out_hbm.at[s, :, pl.ds(t0, _HC)], ssa)

        @pl.when(s < _S - 1)
        def _():
            build(s + 1, 0, idga_v, idma_v)
            pltpu.async_copy(w128_hbm.at[idga_v], ga_v, gsa)

        pltpu.make_async_copy(w128_hbm.at[idgb_v], gb_v, gsb).wait()

        @pl.when(s > 0)
        def _():
            pltpu.make_async_copy(
                ob_v, out_hbm.at[0, :, pl.ds(t0 + _HC, _HC)], ssb).wait()
        extract(gb_v, idmb_v, ob_v)
        pltpu.async_copy(ob_v, out_hbm.at[s, :, pl.ds(t0 + _HC, _HC)], ssb)
        return ()

    lax.fori_loop(0, _S, body, (), unroll=False)
    pltpu.make_async_copy(oa_v, out_hbm.at[0, :, pl.ds(t0, _HC)], ssa).wait()
    pltpu.make_async_copy(
        ob_v, out_hbm.at[0, :, pl.ds(t0 + _HC, _HC)], ssb).wait()


def kernel(token_ids, weight):
    flat = token_ids.reshape(-1).astype(jnp.int32)
    w128 = weight.reshape(_V // 4, 128)
    out = _sc_embed(flat, w128)
    return jnp.transpose(out, (2, 0, 1))

# --- scband reference (transcript-rebuilt; emitter-appended) ---
"""Pipeline reference for scband-embedding-21131239096583 (READ-ONLY COPY).

The authoritative reference and input builder live on the scoring server;
editing this copy changes nothing except your own understanding.
"""

import jax, jax.numpy as jnp
import numpy as np

NUM_EMBEDDINGS = 1000000
EMBEDDING_DIM = 32

def setup_inputs(seed: int = 0) -> dict:
    key = jax.random.key(seed)
    k1, k2 = jax.random.split(key)
    token_ids = jax.random.randint(k1, (16384, 50), 0, NUM_EMBEDDINGS, dtype=jnp.int64 if jax.config.jax_enable_x64 else jnp.int32)
    # trunc_normal_(mean=0, std=1, a=-3, b=3)
    w = jax.random.truncated_normal(k2, -3.0, 3.0, (NUM_EMBEDDINGS, EMBEDDING_DIM), dtype=jnp.float32)
    return {"token_ids": token_ids, "weight": w}

def reference(token_ids, weight):
    # Embedding lookup: weight[token_ids]
    return jnp.take(weight, token_ids, axis=0)

if __name__ == "__main__":
    import jax
    _d = setup_inputs()
    print(jax.jit(kernel)(*tuple(_d.values())))

</pallas_src>

<mosaic_0001>
#map = affine_map<(d0, d1) -> (0)>
#map1 = affine_map<(d0, d1) -> (0, 0)>
#map2 = affine_map<(d0, d1) -> (0, 0, 0)>
module attributes {stable_mosaic.version = 14 : i64} {
  func.func @_sc_embed(%arg0: i32, %arg1: i32, %arg2: memref<819200xi32, #tpu.memory_space<hbm>>, %arg3: memref<250000x128xf32, #tpu.memory_space<hbm>>, %arg4: memref<50x32x16384xf32, #tpu.memory_space<hbm>>, %arg5: memref<25600xi32, #tpu.memory_space<vmem>>, %arg6: memref<256xi32, #tpu.memory_space<vmem>>, %arg7: memref<256xi32, #tpu.memory_space<vmem>>, %arg8: memref<256xi32, #tpu.memory_space<vmem>>, %arg9: memref<256xi32, #tpu.memory_space<vmem>>, %arg10: memref<256x128xf32, #tpu.memory_space<vmem>>, %arg11: memref<256x128xf32, #tpu.memory_space<vmem>>, %arg12: memref<32x256xf32, #tpu.memory_space<vmem>>, %arg13: memref<32x256xf32, #tpu.memory_space<vmem>>, %arg14: memref<!tpu.dma_semaphore, #tpu.memory_space<semaphore_mem>>, %arg15: memref<!tpu.dma_semaphore, #tpu.memory_space<semaphore_mem>>, %arg16: memref<!tpu.dma_semaphore, #tpu.memory_space<semaphore_mem>>, %arg17: memref<!tpu.dma_semaphore, #tpu.memory_space<semaphore_mem>>) attributes {dimension_semantics = [#tpu.dimension_semantics<core_parallel>, #tpu.dimension_semantics<subcore_parallel>], iteration_bounds = array<i64: 2, 16>, scalar_prefetch = 0 : i64, scratch_operands = 13 : i64, tpu.core_type = #tpu.core_type<sc_vector_subcore>, window_params = [{transform_indices = #map}, {transform_indices = #map1}, {transform_indices = #map2}]} {
    %mul3A = arith.constant 2 : i32
    %mul3A_0 = arith.muli %arg1, %mul3A : i32
    %add3A = arith.addi %mul3A_0, %arg0 : i32
    %mul3A_1 = arith.constant 512 : i32
    %mul3A_2 = arith.muli %add3A, %mul3A_1 : i32
    %multiple_of3A = tpu.assume_multiple %mul3A_2, 512 : i32
    %mul3A_3 = arith.constant 50 : i32
    %mul3A_4 = arith.muli %multiple_of3A, %mul3A_3 : i32
    "tpu.region"() ({
      %run_scoped3A = tpu.sem_alloc : memref<!tpu.dma_semaphore, #tpu.memory_space<semaphore_mem>>
      %dma_start3A_296 = tpu.memref_slice %arg2[%mul3A_4] : memref<819200xi32, #tpu.memory_space<hbm>> -> memref<25600xi32, #tpu.memory_space<hbm>>
      %dma_start3A_297 = tpu.memref_slice %arg2[%mul3A_4] : memref<819200xi32, #tpu.memory_space<hbm>> -> memref<25600xi32, #tpu.memory_space<hbm>>
      tpu.enqueue_dma source(%dma_start3A_297 : memref<25600xi32, #tpu.memory_space<hbm>>) target(%arg5 : memref<25600xi32, #tpu.memory_space<vmem>>) target_semaphore(%run_scoped3A : memref<!tpu.dma_semaphore, #tpu.memory_space<semaphore_mem>>)
      %dma_wait3A_298 = tpu.memref_slice %arg2[%mul3A_4] : memref<819200xi32, #tpu.memory_space<hbm>> -> memref<25600xi32, #tpu.memory_space<hbm>>
      %dma_wait3A_299 = tpu.memref_slice %arg2[%mul3A_4] : memref<819200xi32, #tpu.memory_space<hbm>> -> memref<25600xi32, #tpu.memory_space<hbm>>
      tpu.wait_dma2 semaphore(%run_scoped3A : memref<!tpu.dma_semaphore, #tpu.memory_space<semaphore_mem>>) src(%dma_wait3A_299 : memref<25600xi32, #tpu.memory_space<hbm>>) dst(%arg5 : memref<25600xi32, #tpu.memory_space<vmem>>)
      tpu.yield
    }) : () -> ()
    %iota3A = tpu.iota {dimensions = array<i32: 0>} : vector<16xi32>
    %mul3A_5 = arith.constant 50 : i32
    %mul3A_6 = vector.broadcast %mul3A_5 : i32 to vector<16xi32>
    %mul3A_7 = arith.muli %iota3A, %mul3A_6 : vector<16xi32>
    %add3A_8 = arith.constant 0 : i32
    %add3A_9 = vector.broadcast %add3A_8 : i32 to vector<16xi32>
    %add3A_10 = arith.addi %mul3A_7, %add3A_9 : vector<16xi32>
    %gather3A = tpu.vector_load_idx %arg5[%add3A_10] : memref<25600xi32, #tpu.memory_space<vmem>>[vector<16xi32>], vector<16xi32>,
    %shift_right_arithmetic3A = arith.constant 2 : i32
    %shift_right_arithmetic3A_11 = vector.broadcast %shift_right_arithmetic3A : i32 to vector<16xi32>
    %shift_right_arithmetic3A_12 = arith.shrsi %gather3A, %shift_right_arithmetic3A_11 : vector<16xi32>
    %swap3A = arith.constant 0 : index
    %swap3A_13 = tpu.vector_load %arg6[%swap3A] {strides = array<i32>} : memref<256xi32, #tpu.memory_space<vmem>>, vector<16xi32>,
    tpu.vector_store %arg6[%swap3A], %shift_right_arithmetic3A_12 {strides = array<i32>} : memref<256xi32, #tpu.memory_space<vmem>>, vector<16xi32>,
    %and3A = arith.constant 3 : i32
    %and3A_14 = vector.broadcast %and3A : i32 to vector<16xi32>
    %and3A_15 = arith.andi %gather3A, %and3A_14 : vector<16xi32>
    %shift_left3A = arith.constant 5 : i32
    %shift_left3A_16 = vector.broadcast %shift_left3A : i32 to vector<16xi32>
    %shift_left3A_17 = arith.shli %and3A_15, %shift_left3A_16 : vector<16xi32>
    %swap3A_18 = arith.constant 0 : index
    %swap3A_19 = tpu.vector_load %arg7[%swap3A_18] {strides = array<i32>} : memref<256xi32, #tpu.memory_space<vmem>>, vector<16xi32>,
    tpu.vector_store %arg7[%swap3A_18], %shift_left3A_17 {strides = array<i32>} : memref<256xi32, #tpu.memory_space<vmem>>, vector<16xi32>,
    %add3A_20 = arith.constant 800 : i32
    %add3A_21 = vector.broadcast %add3A_20 : i32 to vector<16xi32>
    %add3A_22 = arith.addi %mul3A_7, %add3A_21 : vector<16xi32>
    %gather3A_23 = tpu.vector_load_idx %arg5[%add3A_22] : memref<25600xi32, #tpu.memory_space<vmem>>[vector<16xi32>], vector<16xi32>,
    %shift_right_arithmetic3A_24 = arith.constant 2 : i32
    %shift_right_arithmetic3A_25 = vector.broadcast %shift_right_arithmetic3A_24 : i32 to vector<16xi32>
    %shift_right_arithmetic3A_26 = arith.shrsi %gather3A_23, %shift_right_arithmetic3A_25 : vector<16xi32>
    %swap3A_27 = arith.constant 16 : index
    %swap3A_28 = tpu.vector_load %arg6[%swap3A_27] {strides = array<i32>} : memref<256xi32, #tpu.memory_space<vmem>>, vector<16xi32>,
    tpu.vector_store %arg6[%swap3A_27], %shift_right_arithmetic3A_26 {strides = array<i32>} : memref<256xi32, #tpu.memory_space<vmem>>, vector<16xi32>,
    %and3A_29 = arith.constant 3 : i32
    %and3A_30 = vector.broadcast %and3A_29 : i32 to vector<16xi32>
    %and3A_31 = arith.andi %gather3A_23, %and3A_30 : vector<16xi32>
    %shift_left3A_32 = arith.constant 5 : i32
    %shift_left3A_33 = vector.broadcast %shift_left3A_32 : i32 to vector<16xi32>
    %shift_left3A_34 = arith.shli %and3A_31, %shift_left3A_33 : vector<16xi32>
    %swap3A_35 = arith.constant 16 : index
    %swap3A_36 = tpu.vector_load %arg7[%swap3A_35] {strides = array<i32>} : memref<256xi32, #tpu.memory_space<vmem>>, vector<16xi32>,
    tpu.vector_store %arg7[%swap3A_35], %shift_left3A_34 {strides = array<i32>} : memref<256xi32, #tpu.memory_space<vmem>>, vector<16xi32>,
    %add3A_37 = arith.constant 1600 : i32
    %add3A_38 = vector.broadcast %add3A_37 : i32 to vector<16xi32>
    %add3A_39 = arith.addi %mul3A_7, %add3A_38 : vector<16xi32>
    %gather3A_40 = tpu.vector_load_idx %arg5[%add3A_39] : memref<25600xi32, #tpu.memory_space<vmem>>[vector<16xi32>], vector<16xi32>,
    %shift_right_arithmetic3A_41 = arith.constant 2 : i32
    %shift_right_arithmetic3A_42 = vector.broadcast %shift_right_arithmetic3A_41 : i32 to vector<16xi32>
    %shift_right_arithmetic3A_43 = arith.shrsi %gather3A_40, %shift_right_arithmetic3A_42 : vector<16xi32>
    %swap3A_44 = arith.constant 32 : index
    %swap3A_45 = tpu.vector_load %arg6[%swap3A_44] {strides = array<i32>} : memref<256xi32, #tpu.memory_space<vmem>>, vector<16xi32>,
    tpu.vector_store %arg6[%swap3A_44], %shift_right_arithmetic3A_43 {strides = array<i32>} : memref<256xi32, #tpu.memory_space<vmem>>, vector<16xi32>,
    %and3A_46 = arith.constant 3 : i32
    %and3A_47 = vector.broadcast %and3A_46 : i32 to vector<16xi32>
    %and3A_48 = arith.andi %gather3A_40, %and3A_47 : vector<16xi32>
    %shift_left3A_49 = arith.constant 5 : i32
    %shift_left3A_50 = vector.broadcast %shift_left3A_49 : i32 to vector<16xi32>
    %shift_left3A_51 = arith.shli %and3A_48, %shift_left3A_50 : vector<16xi32>
    %swap3A_52 = arith.constant 32 : index
    %swap3A_53 = tpu.vector_load %arg7[%swap3A_52] {strides = array<i32>} : memref<256xi32, #tpu.memory_space<vmem>>, vector<16xi32>,
    tpu.vector_store %arg7[%swap3A_52], %shift_left3A_51 {strides = array<i32>} : memref<256xi32, #tpu.memory_space<vmem>>, vector<16xi32>,
    %add3A_54 = arith.constant 2400 : i32
    %add3A_55 = vector.broadcast %add3A_54 : i32 to vector<16xi32>
    %add3A_56 = arith.addi %mul3A_7, %add3A_55 : vector<16xi32>
    %gather3A_57 = tpu.vector_load_idx %arg5[%add3A_56] : memref<25600xi32, #tpu.memory_space<vmem>>[vector<16xi32>], vector<16xi32>,
    %shift_right_arithmetic3A_58 = arith.constant 2 : i32
    %shift_right_arithmetic3A_59 = vector.broadcast %shift_right_arithmetic3A_58 : i32 to vector<16xi32>
    %shift_right_arithmetic3A_60 = arith.shrsi %gather3A_57, %shift_right_arithmetic3A_59 : vector<16xi32>
    %swap3A_61 = arith.constant 48 : index
    %swap3A_62 = tpu.vector_load %arg6[%swap3A_61] {strides = array<i32>} : memref<256xi32, #tpu.memory_space<vmem>>, vector<16xi32>,
    tpu.vector_store %arg6[%swap3A_61], %shift_right_arithmetic3A_60 {strides = array<i32>} : memref<256xi32, #tpu.memory_space<vmem>>, vector<16xi32>,
    %and3A_63 = arith.constant 3 : i32
    %and3A_64 = vector.broadcast %and3A_63 : i32 to vector<16xi32>
    %and3A_65 = arith.andi %gather3A_57, %and3A_64 : vector<16xi32>
    %shift_left3A_66 = arith.constant 5 : i32
    %shift_left3A_67 = vector.broadcast %shift_left3A_66 : i32 to vector<16xi32>
    %shift_left3A_68 = arith.shli %and3A_65, %shift_left3A_67 : vector<16xi32>
    %swap3A_69 = arith.constant 48 : index
    %swap3A_70 = tpu.vector_load %arg7[%swap3A_69] {strides = array<i32>} : memref<256xi32, #tpu.memory_space<vmem>>, vector<16xi32>,
    tpu.vector_store %arg7[%swap3A_69], %shift_left3A_68 {strides = array<i32>} : memref<256xi32, #tpu.memory_space<vmem>>, vector<16xi32>,
    %add3A_71 = arith.constant 3200 : i32
    %add3A_72 = vector.broadcast %add3A_71 : i32 to vector<16xi32>
    %add3A_73 = arith.addi %mul3A_7, %add3A_72 : vector<16xi32>
    %gather3A_74 = tpu.vector_load_idx %arg5[%add3A_73] : memref<25600xi32, #tpu.memory_space<vmem>>[vector<16xi32>], vector<16xi32>,
    %shift_right_arithmetic3A_75 = arith.constant 2 : i32
    %shift_right_arithmetic3A_76 = vector.broadcast %shift_right_arithmetic3A_75 : i32 to vector<16xi32>
    %shift_right_arithmetic3A_77 = arith.shrsi %gather3A_74, %shift_right_arithmetic3A_76 : vector<16xi32>
    %swap3A_78 = arith.constant 64 : index
    %swap3A_79 = tpu.vector_load %arg6[%swap3A_78] {strides = array<i32>} : memref<256xi32, #tpu.memory_space<vmem>>, vector<16xi32>,
    tpu.vector_store %arg6[%swap3A_78], %shift_right_arithmetic3A_77 {strides = array<i32>} : memref<256xi32, #tpu.memory_space<vmem>>, vector<16xi32>,
    %and3A_80 = arith.constant 3 : i32
    %and3A_81 = vector.broadcast %and3A_80 : i32 to vector<16xi32>
    %and3A_82 = arith.andi %gather3A_74, %and3A_81 : vector<16xi32>
    %shift_left3A_83 = arith.constant 5 : i32
    %shift_left3A_84 = vector.broadcast %shift_left3A_83 : i32 to vector<16xi32>
    %shift_left3A_85 = arith.shli %and3A_82, %shift_left3A_84 : vector<16xi32>
    %swap3A_86 = arith.constant 64 : index
    %swap3A_87 = tpu.vector_load %arg7[%swap3A_86] {strides = array<i32>} : memref<256xi32, #tpu.memory_space<vmem>>, vector<16xi32>,
    tpu.vector_store %arg7[%swap3A_86], %shift_left3A_85 {strides = array<i32>} : memref<256xi32, #tpu.memory_space<vmem>>, vector<16xi32>,
    %add3A_88 = arith.constant 4000 : i32
    %add3A_89 = vector.broadcast %add3A_88 : i32 to vector<16xi32>
    %add3A_90 = arith.addi %mul3A_7, %add3A_89 : vector<16xi32>
    %gather3A_91 = tpu.vector_load_idx %arg5[%add3A_90] : memref<25600xi32, #tpu.memory_space<vmem>>[vector<16xi32>], vector<16xi32>,
    %shift_right_arithmetic3A_92 = arith.constant 2 : i32
    %shift_right_arithmetic3A_93 = vector.broadcast %shift_right_arithmetic3A_92 : i32 to vector<16xi32>
    %shift_right_arithmetic3A_94 = arith.shrsi %gather3A_91, %shift_right_arithmetic3A_93 : vector<16xi32>
    %swap3A_95 = arith.constant 80 : index
    %swap3A_96 = tpu.vector_load %arg6[%swap3A_95] {strides = array<i32>} : memref<256xi32, #tpu.memory_space<vmem>>, vector<16xi32>,
    tpu.vector_store %arg6[%swap3A_95], %shift_right_arithmetic3A_94 {strides = array<i32>} : memref<256xi32, #tpu.memory_space<vmem>>, vector<16xi32>,
    %and3A_97 = arith.constant 3 : i32
    %and3A_98 = vector.broadcast %and3A_97 : i32 to vector<16xi32>
    %and3A_99 = arith.andi %gather3A_91, %and3A_98 : vector<16xi32>
    %shift_left3A_100 = arith.constant 5 : i32
    %shift_left3A_101 = vector.broadcast %shift_left3A_100 : i32 to vector<16xi32>
    %shift_left3A_102 = arith.shli %and3A_99, %shift_left3A_101 : vector<16xi32>
    %swap3A_103 = arith.constant 80 : index
    %swap3A_104 = tpu.vector_load %arg7[%swap3A_103] {strides = array<i32>} : memref<256xi32, #tpu.memory_space<vmem>>, vector<16xi32>,
    tpu.vector_store %arg7[%swap3A_103], %shift_left3A_102 {strides = array<i32>} : memref<256xi32, #tpu.memory_space<vmem>>, vector<16xi32>,
    %add3A_105 = arith.constant 4800 : i32
    %add3A_106 = vector.broadcast %add3A_105 : i32 to vector<16xi32>
    %add3A_107 = arith.addi %mul3A_7, %add3A_106 : vector<16xi32>
    %gather3A_108 = tpu.vector_load_idx %arg5[%add3A_107] : memref<25600xi32, #tpu.memory_space<vmem>>[vector<16xi32>], vector<16xi32>,
    %shift_right_arithmetic3A_109 = arith.constant 2 : i32
    %shift_right_arithmetic3A_110 = vector.broadcast %shift_right_arithmetic3A_109 : i32 to vector<16xi32>
    %shift_right_arithmetic3A_111 = arith.shrsi %gather3A_108, %shift_right_arithmetic3A_110 : vector<16xi32>
    %swap3A_112 = arith.constant 96 : index
    %swap3A_113 = tpu.vector_load %arg6[%swap3A_112] {strides = array<i32>} : memref<256xi32, #tpu.memory_space<vmem>>, vector<16xi32>,
    tpu.vector_store %arg6[%swap3A_112], %shift_right_arithmetic3A_111 {strides = array<i32>} : memref<256xi32, #tpu.memory_space<vmem>>, vector<16xi32>,
    %and3A_114 = arith.constant 3 : i32
    %and3A_115 = vector.broadcast %and3A_114 : i32 to vector<16xi32>
    %and3A_116 = arith.andi %gather3A_108, %and3A_115 : vector<16xi32>
    %shift_left3A_117 = arith.constant 5 : i32
    %shift_left3A_118 = vector.broadcast %shift_left3A_117 : i32 to vector<16xi32>
    %shift_left3A_119 = arith.shli %and3A_116, %shift_left3A_118 : vector<16xi32>
    %swap3A_120 = arith.constant 96 : index
    %swap3A_121 = tpu.vector_load %arg7[%swap3A_120] {strides = array<i32>} : memref<256xi32, #tpu.memory_space<vmem>>, vector<16xi32>,
    tpu.vector_store %arg7[%swap3A_120], %shift_left3A_119 {strides = array<i32>} : memref<256xi32, #tpu.memory_space<vmem>>, vector<16xi32>,
    %add3A_122 = arith.constant 5600 : i32
    %add3A_123 = vector.broadcast %add3A_122 : i32 to vector<16xi32>
    %add3A_124 = arith.addi %mul3A_7, %add3A_123 : vector<16xi32>
    %gather3A_125 = tpu.vector_load_idx %arg5[%add3A_124] : memref<25600xi32, #tpu.memory_space<vmem>>[vector<16xi32>], vector<16xi32>,
    %shift_right_arithmetic3A_126 = arith.constant 2 : i32
    %shift_right_arithmetic3A_127 = vector.broadcast %shift_right_arithmetic3A_126 : i32 to vector<16xi32>
    %shift_right_arithmetic3A_128 = arith.shrsi %gather3A_125, %shift_right_arithmetic3A_127 : vector<16xi32>
    %swap3A_129 = arith.constant 112 : index
    %swap3A_130 = tpu.vector_load %arg6[%swap3A_129] {strides = array<i32>} : memref<256xi32, #tpu.memory_space<vmem>>, vector<16xi32>,
    tpu.vector_store %arg6[%swap3A_129], %shift_right_arithmetic3A_128 {strides = array<i32>} : memref<256xi32, #tpu.memory_space<vmem>>, vector<16xi32>,
    %and3A_131 = arith.constant 3 : i32
    %and3A_132 = vector.broadcast %and3A_131 : i32 to vector<16xi32>
    %and3A_133 = arith.andi %gather3A_125, %and3A_132 : vector<16xi32>
    %shift_left3A_134 = arith.constant 5 : i32
    %shift_left3A_135 = vector.broadcast %shift_left3A_134 : i32 to vector<16xi32>
    %shift_left3A_136 = arith.shli %and3A_133, %shift_left3A_135 : vector<16xi32>
    %swap3A_137 = arith.constant 112 : index
    %swap3A_138 = tpu.vector_load %arg7[%swap3A_137] {strides = array<i32>} : memref<256xi32, #tpu.memory_space<vmem>>, vector<16xi32>,
    tpu.vector_store %arg7[%swap3A_137], %shift_left3A_136 {strides = array<i32>} : memref<256xi32, #tpu.memory_space<vmem>>, vector<16xi32>,
    %add3A_139 = arith.constant 6400 : i32
    %add3A_140 = vector.broadcast %add3A_139 : i32 to vector<16xi32>
    %add3A_141 = arith.addi %mul3A_7, %add3A_140 : vector<16xi32>
    %gather3A_142 = tpu.vector_load_idx %arg5[%add3A_141] : memref<25600xi32, #tpu.memory_space<vmem>>[vector<16xi32>], vector<16xi32>,
    %shift_right_arithmetic3A_143 = arith.constant 2 : i32
    %shift_right_arithmetic3A_144 = vector.broadcast %shift_right_arithmetic3A_143 : i32 to vector<16xi32>
    %shift_right_arithmetic3A_145 = arith.shrsi %gather3A_142, %shift_right_arithmetic3A_144 : vector<16xi32>
    %swap3A_146 = arith.constant 128 : index
    %swap3A_147 = tpu.vector_load %arg6[%swap3A_146] {strides = array<i32>} : memref<256xi32, #tpu.memory_space<vmem>>, vector<16xi32>,
    tpu.vector_store %arg6[%swap3A_146], %shift_right_arithmetic3A_145 {strides = array<i32>} : memref<256xi32, #tpu.memory_space<vmem>>, vector<16xi32>,
    %and3A_148 = arith.constant 3 : i32
    %and3A_149 = vector.broadcast %and3A_148 : i32 to vector<16xi32>
    %and3A_150 = arith.andi %gather3A_142, %and3A_149 : vector<16xi32>
    %shift_left3A_151 = arith.constant 5 : i32
    %shift_left3A_152 = vector.broadcast %shift_left3A_151 : i32 to vector<16xi32>
    %shift_left3A_153 = arith.shli %and3A_150, %shift_left3A_152 : vector<16xi32>
    %swap3A_154 = arith.constant 128 : index
    %swap3A_155 = tpu.vector_load %arg7[%swap3A_154] {strides = array<i32>} : memref<256xi32, #tpu.memory_space<vmem>>, vector<16xi32>,
    tpu.vector_store %arg7[%swap3A_154], %shift_left3A_153 {strides = array<i32>} : memref<256xi32, #tpu.memory_space<vmem>>, vector<16xi32>,
    %add3A_156 = arith.constant 7200 : i32
    %add3A_157 = vector.broadcast %add3A_156 : i32 to vector<16xi32>
    %add3A_158 = arith.addi %mul3A_7, %add3A_157 : vector<16xi32>
    %gather3A_159 = tpu.vector_load_idx %arg5[%add3A_158] : memref<25600xi32, #tpu.memory_space<vmem>>[vector<16xi32>], vector<16xi32>,
    %shift_right_arithmetic3A_160 = arith.constant 2 : i32
    %shift_right_arithmetic3A_161 = vector.broadcast %shift_right_arithmetic3A_160 : i32 to vector<16xi32>
    %shift_right_arithmetic3A_162 = arith.shrsi %gather3A_159, %shift_right_arithmetic3A_161 : vector<16xi32>
    %swap3A_163 = arith.constant 144 : index
    %swap3A_164 = tpu.vector_load %arg6[%swap3A_163] {strides = array<i32>} : memref<256xi32, #tpu.memory_space<vmem>>, vector<16xi32>,
    tpu.vector_store %arg6[%swap3A_163], %shift_right_arithmetic3A_162 {strides = array<i32>} : memref<256xi32, #tpu.memory_space<vmem>>, vector<16xi32>,
    %and3A_165 = arith.constant 3 : i32
    %and3A_166 = vector.broadcast %and3A_165 : i32 to vector<16xi32>
    %and3A_167 = arith.andi %gather3A_159, %and3A_166 : vector<16xi32>
    %shift_left3A_168 = arith.constant 5 : i32
    %shift_left3A_169 = vector.broadcast %shift_left3A_168 : i32 to vector<16xi32>
    %shift_left3A_170 = arith.shli %and3A_167, %shift_left3A_169 : vector<16xi32>
    %swap3A_171 = arith.constant 144 : index
    %swap3A_172 = tpu.vector_load %arg7[%swap3A_171] {strides = array<i32>} : memref<256xi32, #tpu.memory_space<vmem>>, vector<16xi32>,
    tpu.vector_store %arg7[%swap3A_171], %shift_left3A_170 {strides = array<i32>} : memref<256xi32, #tpu.memory_space<vmem>>, vector<16xi32>,
    %add3A_173 = arith.constant 8000 : i32
    %add3A_174 = vector.broadcast %add3A_173 : i32 to vector<16xi32>
    %add3A_175 = arith.addi %mul3A_7, %add3A_174 : vector<16xi32>
    %gather3A_176 = tpu.vector_load_idx %arg5[%add3A_175] : memref<25600xi32, #tpu.memory_space<vmem>>[vector<16xi32>], vector<16xi32>,
    %shift_right_arithmetic3A_177 = arith.constant 2 : i32
    %shift_right_arithmetic3A_178 = vector.broadcast %shift_right_arithmetic3A_177 : i32 to vector<16xi32>
    %shift_right_arithmetic3A_179 = arith.shrsi %gather3A_176, %shift_right_arithmetic3A_178 : vector<16xi32>
    %swap3A_180 = arith.constant 160 : index
    %swap3A_181 = tpu.vector_load %arg6[%swap3A_180] {strides = array<i32>} : memref<256xi32, #tpu.memory_space<vmem>>, vector<16xi32>,
    tpu.vector_store %arg6[%swap3A_180], %shift_right_arithmetic3A_179 {strides = array<i32>} : memref<256xi32, #tpu.memory_space<vmem>>, vector<16xi32>,
    %and3A_182 = arith.constant 3 : i32
    %and3A_183 = vector.broadcast %and3A_182 : i32 to vector<16xi32>
    %and3A_184 = arith.andi %gather3A_176, %and3A_183 : vector<16xi32>
    %shift_left3A_185 = arith.constant 5 : i32
    %shift_left3A_186 = vector.broadcast %shift_left3A_185 : i32 to vector<16xi32>
    %shift_left3A_187 = arith.shli %and3A_184, %shift_left3A_186 : vector<16xi32>
    %swap3A_188 = arith.constant 160 : index
    %swap3A_189 = tpu.vector_load %arg7[%swap3A_188] {strides = array<i32>} : memref<256xi32, #tpu.memory_space<vmem>>, vector<16xi32>,
    tpu.vector_store %arg7[%swap3A_188], %shift_left3A_187 {strides = array<i32>} : memref<256xi32, #tpu.memory_space<vmem>>, vector<16xi32>,
    %add3A_190 = arith.constant 8800 : i32
    %add3A_191 = vector.broadcast %add3A_190 : i32 to vector<16xi32>
    %add3A_192 = arith.addi %mul3A_7, %add3A_191 : vector<16xi32>
    %gather3A_193 = tpu.vector_load_idx %arg5[%add3A_192] : memref<25600xi32, #tpu.memory_space<vmem>>[vector<16xi32>], vector<16xi32>,
    %shift_right_arithmetic3A_194 = arith.constant 2 : i32
    %shift_right_arithmetic3A_195 = vector.broadcast %shift_right_arithmetic3A_194 : i32 to vector<16xi32>
    %shift_right_arithmetic3A_196 = arith.shrsi %gather3A_193, %shift_right_arithmetic3A_195 : vector<16xi32>
    %swap3A_197 = arith.constant 176 : index
    %swap3A_198 = tpu.vector_load %arg6[%swap3A_197] {strides = array<i32>} : memref<256xi32, #tpu.memory_space<vmem>>, vector<16xi32>,
    tpu.vector_store %arg6[%swap3A_197], %shift_right_arithmetic3A_196 {strides = array<i32>} : memref<256xi32, #tpu.memory_space<vmem>>, vector<16xi32>,
    %and3A_199 = arith.constant 3 : i32
    %and3A_200 = vector.broadcast %and3A_199 : i32 to vector<16xi32>
    %and3A_201 = arith.andi %gather3A_193, %and3A_200 : vector<16xi32>
    %shift_left3A_202 = arith.constant 5 : i32
    %shift_left3A_203 = vector.broadcast %shift_left3A_202 : i32 to vector<16xi32>
    %shift_left3A_204 = arith.shli %and3A_201, %shift_left3A_203 : vector<16xi32>
    %swap3A_205 = arith.constant 176 : index
    %swap3A_206 = tpu.vector_load %arg7[%swap3A_205] {strides = array<i32>} : memref<256xi32, #tpu.memory_space<vmem>>, vector<16xi32>,
    tpu.vector_store %arg7[%swap3A_205], %shift_left3A_204 {strides = array<i32>} : memref<256xi32, #tpu.memory_space<vmem>>, vector<16xi32>,
    %add3A_207 = arith.constant 9600 : i32
    %add3A_208 = vector.broadcast %add3A_207 : i32 to vector<16xi32>
    %add3A_209 = arith.addi %mul3A_7, %add3A_208 : vector<16xi32>
    %gather3A_210 = tpu.vector_load_idx %arg5[%add3A_209] : memref<25600xi32, #tpu.memory_space<vmem>>[vector<16xi32>], vector<16xi32>,
    %shift_right_arithmetic3A_211 = arith.constant 2 : i32
    %shift_right_arithmetic3A_212 = vector.broadcast %shift_right_arithmetic3A_211 : i32 to vector<16xi32>
    %shift_right_arithmetic3A_213 = arith.shrsi %gather3A_210, %shift_right_arithmetic3A_212 : vector<16xi32>
    %swap3A_214 = arith.constant 192 : index
    %swap3A_215 = tpu.vector_load %arg6[%swap3A_214] {strides = array<i32>} : memref<256xi32, #tpu.memory_space<vmem>>, vector<16xi32>,
    tpu.vector_store %arg6[%swap3A_214], %shift_right_arithmetic3A_213 {strides = array<i32>} : memref<256xi32, #tpu.memory_space<vmem>>, vector<16xi32>,
    %and3A_216 = arith.constant 3 : i32
    %and3A_217 = vector.broadcast %and3A_216 : i32 to vector<16xi32>
    %and3A_218 = arith.andi %gather3A_210, %and3A_217 : vector<16xi32>
    %shift_left3A_219 = arith.constant 5 : i32
    %shift_left3A_220 = vector.broadcast %shift_left3A_219 : i32 to vector<16xi32>
    %shift_left3A_221 = arith.shli %and3A_218, %shift_left3A_220 : vector<16xi32>
    %swap3A_222 = arith.constant 192 : index
    %swap3A_223 = tpu.vector_load %arg7[%swap3A_222] {strides = array<i32>} : memref<256xi32, #tpu.memory_space<vmem>>, vector<16xi32>,
    tpu.vector_store %arg7[%swap3A_222], %shift_left3A_221 {strides = array<i32>} : memref<256xi32, #tpu.memory_space<vmem>>, vector<16xi32>,
    %add3A_224 = arith.constant 10400 : i32
    %add3A_225 = vector.broadcast %add3A_224 : i32 to vector<16xi32>
    %add3A_226 = arith.addi %mul3A_7, %add3A_225 : vector<16xi32>
    %gather3A_227 = tpu.vector_load_idx %arg5[%add3A_226] : memref<25600xi32, #tpu.memory_space<vmem>>[vector<16xi32>], vector<16xi32>,
    %shift_right_arithmetic3A_228 = arith.constant 2 : i32
    %shift_right_arithmetic3A_229 = vector.broadcast %shift_right_arithmetic3A_228 : i32 to vector<16xi32>
    %shift_right_arithmetic3A_230 = arith.shrsi %gather3A_227, %shift_right_arithmetic3A_229 : vector<16xi32>
    %swap3A_231 = arith.constant 208 : index
    %swap3A_232 = tpu.vector_load %arg6[%swap3A_231] {strides = array<i32>} : memref<256xi32, #tpu.memory_space<vmem>>, vector<16xi32>,
    tpu.vector_store %arg6[%swap3A_231], %shift_right_arithmetic3A_230 {strides = array<i32>} : memref<256xi32, #tpu.memory_space<vmem>>, vector<16xi32>,
    %and3A_233 = arith.constant 3 : i32
    %and3A_234 = vector.broadcast %and3A_233 : i32 to vector<16xi32>
    %and3A_235 = arith.andi %gather3A_227, %and3A_234 : vector<16xi32>
    %shift_left3A_236 = arith.constant 5 : i32
    %shift_left3A_237 = vector.broadcast %shift_left3A_236 : i32 to vector<16xi32>
    %shift_left3A_238 = arith.shli %and3A_235, %shift_left3A_237 : vector<16xi32>
    %swap3A_239 = arith.constant 208 : index
    %swap3A_240 = tpu.vector_load %arg7[%swap3A_239] {strides = array<i32>} : memref<256xi32, #tpu.memory_space<vmem>>, vector<16xi32>,
    tpu.vector_store %arg7[%swap3A_239], %shift_left3A_238 {strides = array<i32>} : memref<256xi32, #tpu.memory_space<vmem>>, vector<16xi32>,
    %add3A_241 = arith.constant 11200 : i32
    %add3A_242 = vector.broadcast %add3A_241 : i32 to vector<16xi32>
    %add3A_243 = arith.addi %mul3A_7, %add3A_242 : vector<16xi32>
    %gather3A_244 = tpu.vector_load_idx %arg5[%add3A_243] : memref<25600xi32, #tpu.memory_space<vmem>>[vector<16xi32>], vector<16xi32>,
    %shift_right_arithmetic3A_245 = arith.constant 2 : i32
    %shift_right_arithmetic3A_246 = vector.broadcast %shift_right_arithmetic3A_245 : i32 to vector<16xi32>
    %shift_right_arithmetic3A_247 = arith.shrsi %gather3A_244, %shift_right_arithmetic3A_246 : vector<16xi32>
    %swap3A_248 = arith.constant 224 : index
    %swap3A_249 = tpu.vector_load %arg6[%swap3A_248] {strides = array<i32>} : memref<256xi32, #tpu.memory_space<vmem>>, vector<16xi32>,
    tpu.vector_store %arg6[%swap3A_248], %shift_right_arithmetic3A_247 {strides = array<i32>} : memref<256xi32, #tpu.memory_space<vmem>>, vector<16xi32>,
    %and3A_250 = arith.constant 3 : i32
    %and3A_251 = vector.broadcast %and3A_250 : i32 to vector<16xi32>
    %and3A_252 = arith.andi %gather3A_244, %and3A_251 : vector<16xi32>
    %shift_left3A_253 = arith.constant 5 : i32
    %shift_left3A_254 = vector.broadcast %shift_left3A_253 : i32 to vector<16xi32>
    %shift_left3A_255 = arith.shli %and3A_252, %shift_left3A_254 : vector<16xi32>
    %swap3A_256 = arith.constant 224 : index
    %swap3A_257 = tpu.vector_load %arg7[%swap3A_256] {strides = array<i32>} : memref<256xi32, #tpu.memory_space<vmem>>, vector<16xi32>,
    tpu.vector_store %arg7[%swap3A_256], %shift_left3A_255 {strides = array<i32>} : memref<256xi32, #tpu.memory_space<vmem>>, vector<16xi32>,
    %add3A_258 = arith.constant 12000 : i32
    %add3A_259 = vector.broadcast %add3A_258 : i32 to vector<16xi32>
    %add3A_260 = arith.addi %mul3A_7, %add3A_259 : vector<16xi32>
    %gather3A_261 = tpu.vector_load_idx %arg5[%add3A_260] : memref<25600xi32, #tpu.memory_space<vmem>>[vector<16xi32>], vector<16xi32>,
    %shift_right_arithmetic3A_262 = arith.constant 2 : i32
    %shift_right_arithmetic3A_263 = vector.broadcast %shift_right_arithmetic3A_262 : i32 to vector<16xi32>
    %shift_right_arithmetic3A_264 = arith.shrsi %gather3A_261, %shift_right_arithmetic3A_263 : vector<16xi32>
    %swap3A_265 = arith.constant 240 : index
    %swap3A_266 = tpu.vector_load %arg6[%swap3A_265] {strides = array<i32>} : memref<256xi32, #tpu.memory_space<vmem>>, vector<16xi32>,
    tpu.vector_store %arg6[%swap3A_265], %shift_right_arithmetic3A_264 {strides = array<i32>} : memref<256xi32, #tpu.memory_space<vmem>>, vector<16xi32>,
    %and3A_267 = arith.constant 3 : i32
    %and3A_268 = vector.broadcast %and3A_267 : i32 to vector<16xi32>
    %and3A_269 = arith.andi %gather3A_261, %and3A_268 : vector<16xi32>
    %shift_left3A_270 = arith.constant 5 : i32
    %shift_left3A_271 = vector.broadcast %shift_left3A_270 : i32 to vector<16xi32>
    %shift_left3A_272 = arith.shli %and3A_269, %shift_left3A_271 : vector<16xi32>
    %swap3A_273 = arith.constant 240 : index
    %swap3A_274 = tpu.vector_load %arg7[%swap3A_273] {strides = array<i32>} : memref<256xi32, #tpu.memory_space<vmem>>, vector<16xi32>,
    tpu.vector_store %arg7[%swap3A_273], %shift_left3A_272 {strides = array<i32>} : memref<256xi32, #tpu.memory_space<vmem>>, vector<16xi32>,
    %dma_start3A = arith.constant 0 : i32
    %dma_start3A_275 = arith.constant 0 : i32
    %dma_start3A_276 = tpu.memref_slice %arg3[%dma_start3A, %dma_start3A_275] : memref<250000x128xf32, #tpu.memory_space<hbm>> -> memref<250000x128xf32, #tpu.memory_space<hbm>>
    tpu.enqueue_indirect_dma source(%dma_start3A_276 : memref<250000x128xf32, #tpu.memory_space<hbm>>) target(%arg10 : memref<256x128xf32, #tpu.memory_space<vmem>>) offsets(%arg6 : memref<256xi32, #tpu.memory_space<vmem>>) semaphore(%arg14 : memref<!tpu.dma_semaphore, #tpu.memory_space<semaphore_mem>>)
    %scan3A = arith.constant 0 : i32
    %scan3A_277 = arith.constant 50 : i32
    %scan3A_278 = arith.addi %scan3A, %scan3A_277 : i32
    %scan3A_279 = arith.constant 1 : i32
    scf.for %scan3A_296 = %scan3A to %scan3A_278 step %scan3A_279  : i32 {
      %add3A_297 = arith.constant 12800 : i32
      %add3A_298 = arith.addi %add3A_297, %scan3A_296 : i32
      %add3A_299 = vector.broadcast %add3A_298 : i32 to vector<16xi32>
      %add3A_300 = arith.addi %mul3A_7, %add3A_299 : vector<16xi32>
      %gather3A_301 = tpu.vector_load_idx %arg5[%add3A_300] : memref<25600xi32, #tpu.memory_space<vmem>>[vector<16xi32>], vector<16xi32>,
      %shift_right_arithmetic3A_302 = arith.constant 2 : i32
      %shift_right_arithmetic3A_303 = vector.broadcast %shift_right_arithmetic3A_302 : i32 to vector<16xi32>
      %shift_right_arithmetic3A_304 = arith.shrsi %gather3A_301, %shift_right_arithmetic3A_303 : vector<16xi32>
      %swap3A_305 = arith.constant 0 : index
      %swap3A_306 = tpu.vector_load %arg8[%swap3A_305] {strides = array<i32>} : memref<256xi32, #tpu.memory_space<vmem>>, vector<16xi32>,
      tpu.vector_store %arg8[%swap3A_305], %shift_right_arithmetic3A_304 {strides = array<i32>} : memref<256xi32, #tpu.memory_space<vmem>>, vector<16xi32>,
      %and3A_307 = arith.constant 3 : i32
      %and3A_308 = vector.broadcast %and3A_307 : i32 to vector<16xi32>
      %and3A_309 = arith.andi %gather3A_301, %and3A_308 : vector<16xi32>
      %shift_left3A_310 = arith.constant 5 : i32
      %shift_left3A_311 = vector.broadcast %shift_left3A_310 : i32 to vector<16xi32>
      %shift_left3A_312 = arith.shli %and3A_309, %shift_left3A_311 : vector<16xi32>
      %swap3A_313 = arith.constant 0 : index
      %swap3A_314 = tpu.vector_load %arg9[%swap3A_313] {strides = array<i32>} : memref<256xi32, #tpu.memory_space<vmem>>, vector<16xi32>,
      tpu.vector_store %arg9[%swap3A_313], %shift_left3A_312 {strides = array<i32>} : memref<256xi32, #tpu.memory_space<vmem>>, vector<16xi32>,
      %add3A_315 = arith.constant 13600 : i32
      %add3A_316 = arith.addi %add3A_315, %scan3A_296 : i32
      %add3A_317 = vector.broadcast %add3A_316 : i32 to vector<16xi32>
      %add3A_318 = arith.addi %mul3A_7, %add3A_317 : vector<16xi32>
      %gather3A_319 = tpu.vector_load_idx %arg5[%add3A_318] : memref<25600xi32, #tpu.memory_space<vmem>>[vector<16xi32>], vector<16xi32>,
      %shift_right_arithmetic3A_320 = arith.constant 2 : i32
      %shift_right_arithmetic3A_321 = vector.broadcast %shift_right_arithmetic3A_320 : i32 to vector<16xi32>
      %shift_right_arithmetic3A_322 = arith.shrsi %gather3A_319, %shift_right_arithmetic3A_321 : vector<16xi32>
      %swap3A_323 = arith.constant 16 : index
      %swap3A_324 = tpu.vector_load %arg8[%swap3A_323] {strides = array<i32>} : memref<256xi32, #tpu.memory_space<vmem>>, vector<16xi32>,
      tpu.vector_store %arg8[%swap3A_323], %shift_right_arithmetic3A_322 {strides = array<i32>} : memref<256xi32, #tpu.memory_space<vmem>>, vector<16xi32>,
      %and3A_325 = arith.constant 3 : i32
      %and3A_326 = vector.broadcast %and3A_325 : i32 to vector<16xi32>
      %and3A_327 = arith.andi %gather3A_319, %and3A_326 : vector<16xi32>
      %shift_left3A_328 = arith.constant 5 : i32
      %shift_left3A_329 = vector.broadcast %shift_left3A_328 : i32 to vector<16xi32>
      %shift_left3A_330 = arith.shli %and3A_327, %shift_left3A_329 : vector<16xi32>
      %swap3A_331 = arith.constant 16 : index
      %swap3A_332 = tpu.vector_load %arg9[%swap3A_331] {strides = array<i32>} : memref<256xi32, #tpu.memory_space<vmem>>, vector<16xi32>,
      tpu.vector_store %arg9[%swap3A_331], %shift_left3A_330 {strides = array<i32>} : memref<256xi32, #tpu.memory_space<vmem>>, vector<16xi32>,
      %add3A_333 = arith.constant 14400 : i32
      %add3A_334 = arith.addi %add3A_333, %scan3A_296 : i32
      %add3A_335 = vector.broadcast %add3A_334 : i32 to vector<16xi32>
      %add3A_336 = arith.addi %mul3A_7, %add3A_335 : vector<16xi32>
      %gather3A_337 = tpu.vector_load_idx %arg5[%add3A_336] : memref<25600xi32, #tpu.memory_space<vmem>>[vector<16xi32>], vector<16xi32>,
      %shift_right_arithmetic3A_338 = arith.constant 2 : i32
      %shift_right_arithmetic3A_339 = vector.broadcast %shift_right_arithmetic3A_338 : i32 to vector<16xi32>
      %shift_right_arithmetic3A_340 = arith.shrsi %gather3A_337, %shift_right_arithmetic3A_339 : vector<16xi32>
      %swap3A_341 = arith.constant 32 : index
      %swap3A_342 = tpu.vector_load %arg8[%swap3A_341] {strides = array<i32>} : memref<256xi32, #tpu.memory_space<vmem>>, vector<16xi32>,
      tpu.vector_store %arg8[%swap3A_341], %shift_right_arithmetic3A_340 {strides = array<i32>} : memref<256xi32, #tpu.memory_space<vmem>>, vector<16xi32>,
      %and3A_343 = arith.constant 3 : i32
      %and3A_344 = vector.broadcast %and3A_343 : i32 to vector<16xi32>
      %and3A_345 = arith.andi %gather3A_337, %and3A_344 : vector<16xi32>
      %shift_left3A_346 = arith.constant 5 : i32
      %shift_left3A_347 = vector.broadcast %shift_left3A_346 : i32 to vector<16xi32>
      %shift_left3A_348 = arith.shli %and3A_345, %shift_left3A_347 : vector<16xi32>
      %swap3A_349 = arith.constant 32 : index
      %swap3A_350 = tpu.vector_load %arg9[%swap3A_349] {strides = array<i32>} : memref<256xi32, #tpu.memory_space<vmem>>, vector<16xi32>,
      tpu.vector_store %arg9[%swap3A_349], %shift_left3A_348 {strides = array<i32>} : memref<256xi32, #tpu.memory_space<vmem>>, vector<16xi32>,
      %add3A_351 = arith.constant 15200 : i32
      %add3A_352 = arith.addi %add3A_351, %scan3A_296 : i32
      %add3A_353 = vector.broadcast %add3A_352 : i32 to vector<16xi32>
      %add3A_354 = arith.addi %mul3A_7, %add3A_353 : vector<16xi32>
      %gather3A_355 = tpu.vector_load_idx %arg5[%add3A_354] : memref<25600xi32, #tpu.memory_space<vmem>>[vector<16xi32>], vector<16xi32>,
      %shift_right_arithmetic3A_356 = arith.constant 2 : i32
      %shift_right_arithmetic3A_357 = vector.broadcast %shift_right_arithmetic3A_356 : i32 to vector<16xi32>
      %shift_right_arithmetic3A_358 = arith.shrsi %gather3A_355, %shift_right_arithmetic3A_357 : vector<16xi32>
      %swap3A_359 = arith.constant 48 : index
      %swap3A_360 = tpu.vector_load %arg8[%swap3A_359] {strides = array<i32>} : memref<256xi32, #tpu.memory_space<vmem>>, vector<16xi32>,
      tpu.vector_store %arg8[%swap3A_359], %shift_right_arithmetic3A_358 {strides = array<i32>} : memref<256xi32, #tpu.memory_space<vmem>>, vector<16xi32>,
      %and3A_361 = arith.constant 3 : i32
      %and3A_362 = vector.broadcast %and3A_361 : i32 to vector<16xi32>
      %and3A_363 = arith.andi %gather3A_355, %and3A_362 : vector<16xi32>
      %shift_left3A_364 = arith.constant 5 : i32
      %shift_left3A_365 = vector.broadcast %shift_left3A_364 : i32 to vector<16xi32>
      %shift_left3A_366 = arith.shli %and3A_363, %shift_left3A_365 : vector<16xi32>
      %swap3A_367 = arith.constant 48 : index
      %swap3A_368 = tpu.vector_load %arg9[%swap3A_367] {strides = array<i32>} : memref<256xi32, #tpu.memory_space<vmem>>, vector<16xi32>,
      tpu.vector_store %arg9[%swap3A_367], %shift_left3A_366 {strides = array<i32>} : memref<256xi32, #tpu.memory_space<vmem>>, vector<16xi32>,
      %add3A_369 = arith.constant 16000 : i32
      %add3A_370 = arith.addi %add3A_369, %scan3A_296 : i32
      %add3A_371 = vector.broadcast %add3A_370 : i32 to vector<16xi32>
      %add3A_372 = arith.addi %mul3A_7, %add3A_371 : vector<16xi32>
      %gather3A_373 = tpu.vector_load_idx %arg5[%add3A_372] : memref<25600xi32, #tpu.memory_space<vmem>>[vector<16xi32>], vector<16xi32>,
      %shift_right_arithmetic3A_374 = arith.constant 2 : i32
      %shift_right_arithmetic3A_375 = vector.broadcast %shift_right_arithmetic3A_374 : i32 to vector<16xi32>
      %shift_right_arithmetic3A_376 = arith.shrsi %gather3A_373, %shift_right_arithmetic3A_375 : vector<16xi32>
      %swap3A_377 = arith.constant 64 : index
      %swap3A_378 = tpu.vector_load %arg8[%swap3A_377] {strides = array<i32>} : memref<256xi32, #tpu.memory_space<vmem>>, vector<16xi32>,
      tpu.vector_store %arg8[%swap3A_377], %shift_right_arithmetic3A_376 {strides = array<i32>} : memref<256xi32, #tpu.memory_space<vmem>>, vector<16xi32>,
      %and3A_379 = arith.constant 3 : i32
      %and3A_380 = vector.broadcast %and3A_379 : i32 to vector<16xi32>
      %and3A_381 = arith.andi %gather3A_373, %and3A_380 : vector<16xi32>
      %shift_left3A_382 = arith.constant 5 : i32
      %shift_left3A_383 = vector.broadcast %shift_left3A_382 : i32 to vector<16xi32>
      %shift_left3A_384 = arith.shli %and3A_381, %shift_left3A_383 : vector<16xi32>
      %swap3A_385 = arith.constant 64 : index
      %swap3A_386 = tpu.vector_load %arg9[%swap3A_385] {strides = array<i32>} : memref<256xi32, #tpu.memory_space<vmem>>, vector<16xi32>,
      tpu.vector_store %arg9[%swap3A_385], %shift_left3A_384 {strides = array<i32>} : memref<256xi32, #tpu.memory_space<vmem>>, vector<16xi32>,
      %add3A_387 = arith.constant 16800 : i32
      %add3A_388 = arith.addi %add3A_387, %scan3A_296 : i32
      %add3A_389 = vector.broadcast %add3A_388 : i32 to vector<16xi32>
      %add3A_390 = arith.addi %mul3A_7, %add3A_389 : vector<16xi32>
      %gather3A_391 = tpu.vector_load_idx %arg5[%add3A_390] : memref<25600xi32, #tpu.memory_space<vmem>>[vector<16xi32>], vector<16xi32>,
      %shift_right_arithmetic3A_392 = arith.constant 2 : i32
      %shift_right_arithmetic3A_393 = vector.broadcast %shift_right_arithmetic3A_392 : i32 to vector<16xi32>
      %shift_right_arithmetic3A_394 = arith.shrsi %gather3A_391, %shift_right_arithmetic3A_393 : vector<16xi32>
      %swap3A_395 = arith.constant 80 : index
      %swap3A_396 = tpu.vector_load %arg8[%swap3A_395] {strides = array<i32>} : memref<256xi32, #tpu.memory_space<vmem>>, vector<16xi32>,
      tpu.vector_store %arg8[%swap3A_395], %shift_right_arithmetic3A_394 {strides = array<i32>} : memref<256xi32, #tpu.memory_space<vmem>>, vector<16xi32>,
      %and3A_397 = arith.constant 3 : i32
      %and3A_398 = vector.broadcast %and3A_397 : i32 to vector<16xi32>
      %and3A_399 = arith.andi %gather3A_391, %and3A_398 : vector<16xi32>
      %shift_left3A_400 = arith.constant 5 : i32
      %shift_left3A_401 = vector.broadcast %shift_left3A_400 : i32 to vector<16xi32>
      %shift_left3A_402 = arith.shli %and3A_399, %shift_left3A_401 : vector<16xi32>
      %swap3A_403 = arith.constant 80 : index
      %swap3A_404 = tpu.vector_load %arg9[%swap3A_403] {strides = array<i32>} : memref<256xi32, #tpu.memory_space<vmem>>, vector<16xi32>,
      tpu.vector_store %arg9[%swap3A_403], %shift_left3A_402 {strides = array<i32>} : memref<256xi32, #tpu.memory_space<vmem>>, vector<16xi32>,
      %add3A_405 = arith.constant 17600 : i32
      %add3A_406 = arith.addi %add3A_405, %scan3A_296 : i32
      %add3A_407 = vector.broadcast %add3A_406 : i32 to vector<16xi32>
      %add3A_408 = arith.addi %mul3A_7, %add3A_407 : vector<16xi32>
      %gather3A_409 = tpu.vector_load_idx %arg5[%add3A_408] : memref<25600xi32, #tpu.memory_space<vmem>>[vector<16xi32>], vector<16xi32>,
      %shift_right_arithmetic3A_410 = arith.constant 2 : i32
      %shift_right_arithmetic3A_411 = vector.broadcast %shift_right_arithmetic3A_410 : i32 to vector<16xi32>
      %shift_right_arithmetic3A_412 = arith.shrsi %gather3A_409, %shift_right_arithmetic3A_411 : vector<16xi32>
      %swap3A_413 = arith.constant 96 : index
      %swap3A_414 = tpu.vector_load %arg8[%swap3A_413] {strides = array<i32>} : memref<256xi32, #tpu.memory_space<vmem>>, vector<16xi32>,
      tpu.vector_store %arg8[%swap3A_413], %shift_right_arithmetic3A_412 {strides = array<i32>} : memref<256xi32, #tpu.memory_space<vmem>>, vector<16xi32>,
      %and3A_415 = arith.constant 3 : i32
      %and3A_416 = vector.broadcast %and3A_415 : i32 to vector<16xi32>
      %and3A_417 = arith.andi %gather3A_409, %and3A_416 : vector<16xi32>
      %shift_left3A_418 = arith.constant 5 : i32
      %shift_left3A_419 = vector.broadcast %shift_left3A_418 : i32 to vector<16xi32>
      %shift_left3A_420 = arith.shli %and3A_417, %shift_left3A_419 : vector<16xi32>
      %swap3A_421 = arith.constant 96 : index
      %swap3A_422 = tpu.vector_load %arg9[%swap3A_421] {strides = array<i32>} : memref<256xi32, #tpu.memory_space<vmem>>, vector<16xi32>,
      tpu.vector_store %arg9[%swap3A_421], %shift_left3A_420 {strides = array<i32>} : memref<256xi32, #tpu.memory_space<vmem>>, vector<16xi32>,
      %add3A_423 = arith.constant 18400 : i32
      %add3A_424 = arith.addi %add3A_423, %scan3A_296 : i32
      %add3A_425 = vector.broadcast %add3A_424 : i32 to vector<16xi32>
      %add3A_426 = arith.addi %mul3A_7, %add3A_425 : vector<16xi32>
      %gather3A_427 = tpu.vector_load_idx %arg5[%add3A_426] : memref<25600xi32, #tpu.memory_space<vmem>>[vector<16xi32>], vector<16xi32>,
      %shift_right_arithmetic3A_428 = arith.constant 2 : i32
      %shift_right_arithmetic3A_429 = vector.broadcast %shift_right_arithmetic3A_428 : i32 to vector<16xi32>
      %shift_right_arithmetic3A_430 = arith.shrsi %gather3A_427, %shift_right_arithmetic3A_429 : vector<16xi32>
      %swap3A_431 = arith.constant 112 : index
      %swap3A_432 = tpu.vector_load %arg8[%swap3A_431] {strides = array<i32>} : memref<256xi32, #tpu.memory_space<vmem>>, vector<16xi32>,
      tpu.vector_store %arg8[%swap3A_431], %shift_right_arithmetic3A_430 {strides = array<i32>} : memref<256xi32, #tpu.memory_space<vmem>>, vector<16xi32>,
      %and3A_433 = arith.constant 3 : i32
      %and3A_434 = vector.broadcast %and3A_433 : i32 to vector<16xi32>
      %and3A_435 = arith.andi %gather3A_427, %and3A_434 : vector<16xi32>
      %shift_left3A_436 = arith.constant 5 : i32
      %shift_left3A_437 = vector.broadcast %shift_left3A_436 : i32 to vector<16xi32>
      %shift_left3A_438 = arith.shli %and3A_435, %shift_left3A_437 : vector<16xi32>
      %swap3A_439 = arith.constant 112 : index
      %swap3A_440 = tpu.vector_load %arg9[%swap3A_439] {strides = array<i32>} : memref<256xi32, #tpu.memory_space<vmem>>, vector<16xi32>,
      tpu.vector_store %arg9[%swap3A_439], %shift_left3A_438 {strides = array<i32>} : memref<256xi32, #tpu.memory_space<vmem>>, vector<16xi32>,
      %add3A_441 = arith.constant 19200 : i32
      %add3A_442 = arith.addi %add3A_441, %scan3A_296 : i32
      %add3A_443 = vector.broadcast %add3A_442 : i32 to vector<16xi32>
      %add3A_444 = arith.addi %mul3A_7, %add3A_443 : vector<16xi32>
      %gather3A_445 = tpu.vector_load_idx %arg5[%add3A_444] : memref<25600xi32, #tpu.memory_space<vmem>>[vector<16xi32>], vector<16xi32>,
      %shift_right_arithmetic3A_446 = arith.constant 2 : i32
      %shift_right_arithmetic3A_447 = vector.broadcast %shift_right_arithmetic3A_446 : i32 to vector<16xi32>
      %shift_right_arithmetic3A_448 = arith.shrsi %gather3A_445, %shift_right_arithmetic3A_447 : vector<16xi32>
      %swap3A_449 = arith.constant 128 : index
      %swap3A_450 = tpu.vector_load %arg8[%swap3A_449] {strides = array<i32>} : memref<256xi32, #tpu.memory_space<vmem>>, vector<16xi32>,
      tpu.vector_store %arg8[%swap3A_449], %shift_right_arithmetic3A_448 {strides = array<i32>} : memref<256xi32, #tpu.memory_space<vmem>>, vector<16xi32>,
      %and3A_451 = arith.constant 3 : i32
      %and3A_452 = vector.broadcast %and3A_451 : i32 to vector<16xi32>
      %and3A_453 = arith.andi %gather3A_445, %and3A_452 : vector<16xi32>
      %shift_left3A_454 = arith.constant 5 : i32
      %shift_left3A_455 = vector.broadcast %shift_left3A_454 : i32 to vector<16xi32>
      %shift_left3A_456 = arith.shli %and3A_453, %shift_left3A_455 : vector<16xi32>
      %swap3A_457 = arith.constant 128 : index
      %swap3A_458 = tpu.vector_load %arg9[%swap3A_457] {strides = array<i32>} : memref<256xi32, #tpu.memory_space<vmem>>, vector<16xi32>,
      tpu.vector_store %arg9[%swap3A_457], %shift_left3A_456 {strides = array<i32>} : memref<256xi32, #tpu.memory_space<vmem>>, vector<16xi32>,
      %add3A_459 = arith.constant 20000 : i32
      %add3A_460 = arith.addi %add3A_459, %scan3A_296 : i32
      %add3A_461 = vector.broadcast %add3A_460 : i32 to vector<16xi32>
      %add3A_462 = arith.addi %mul3A_7, %add3A_461 : vector<16xi32>
      %gather3A_463 = tpu.vector_load_idx %arg5[%add3A_462] : memref<25600xi32, #tpu.memory_space<vmem>>[vector<16xi32>], vector<16xi32>,
      %shift_right_arithmetic3A_464 = arith.constant 2 : i32
      %shift_right_arithmetic3A_465 = vector.broadcast %shift_right_arithmetic3A_464 : i32 to vector<16xi32>
      %shift_right_arithmetic3A_466 = arith.shrsi %gather3A_463, %shift_right_arithmetic3A_465 : vector<16xi32>
      %swap3A_467 = arith.constant 144 : index
      %swap3A_468 = tpu.vector_load %arg8[%swap3A_467] {strides = array<i32>} : memref<256xi32, #tpu.memory_space<vmem>>, vector<16xi32>,
      tpu.vector_store %arg8[%swap3A_467], %shift_right_arithmetic3A_466 {strides = array<i32>} : memref<256xi32, #tpu.memory_space<vmem>>, vector<16xi32>,
      %and3A_469 = arith.constant 3 : i32
      %and3A_470 = vector.broadcast %and3A_469 : i32 to vector<16xi32>
      %and3A_471 = arith.andi %gather3A_463, %and3A_470 : vector<16xi32>
      %shift_left3A_472 = arith.constant 5 : i32
      %shift_left3A_473 = vector.broadcast %shift_left3A_472 : i32 to vector<16xi32>
      %shift_left3A_474 = arith.shli %and3A_471, %shift_left3A_473 : vector<16xi32>
      %swap3A_475 = arith.constant 144 : index
      %swap3A_476 = tpu.vector_load %arg9[%swap3A_475] {strides = array<i32>} : memref<256xi32, #tpu.memory_space<vmem>>, vector<16xi32>,
      tpu.vector_store %arg9[%swap3A_475], %shift_left3A_474 {strides = array<i32>} : memref<256xi32, #tpu.memory_space<vmem>>, vector<16xi32>,
      %add3A_477 = arith.constant 20800 : i32
      %add3A_478 = arith.addi %add3A_477, %scan3A_296 : i32
      %add3A_479 = vector.broadcast %add3A_478 : i32 to vector<16xi32>
      %add3A_480 = arith.addi %mul3A_7, %add3A_479 : vector<16xi32>
      %gather3A_481 = tpu.vector_load_idx %arg5[%add3A_480] : memref<25600xi32, #tpu.memory_space<vmem>>[vector<16xi32>], vector<16xi32>,
      %shift_right_arithmetic3A_482 = arith.constant 2 : i32
      %shift_right_arithmetic3A_483 = vector.broadcast %shift_right_arithmetic3A_482 : i32 to vector<16xi32>
      %shift_right_arithmetic3A_484 = arith.shrsi %gather3A_481, %shift_right_arithmetic3A_483 : vector<16xi32>
      %swap3A_485 = arith.constant 160 : index
      %swap3A_486 = tpu.vector_load %arg8[%swap3A_485] {strides = array<i32>} : memref<256xi32, #tpu.memory_space<vmem>>, vector<16xi32>,
      tpu.vector_store %arg8[%swap3A_485], %shift_right_arithmetic3A_484 {strides = array<i32>} : memref<256xi32, #tpu.memory_space<vmem>>, vector<16xi32>,
      %and3A_487 = arith.constant 3 : i32
      %and3A_488 = vector.broadcast %and3A_487 : i32 to vector<16xi32>
      %and3A_489 = arith.andi %gather3A_481, %and3A_488 : vector<16xi32>
      %shift_left3A_490 = arith.constant 5 : i32
      %shift_left3A_491 = vector.broadcast %shift_left3A_490 : i32 to vector<16xi32>
      %shift_left3A_492 = arith.shli %and3A_489, %shift_left3A_491 : vector<16xi32>
      %swap3A_493 = arith.constant 160 : index
      %swap3A_494 = tpu.vector_load %arg9[%swap3A_493] {strides = array<i32>} : memref<256xi32, #tpu.memory_space<vmem>>, vector<16xi32>,
      tpu.vector_store %arg9[%swap3A_493], %shift_left3A_492 {strides = array<i32>} : memref<256xi32, #tpu.memory_space<vmem>>, vector<16xi32>,
      %add3A_495 = arith.constant 21600 : i32
      %add3A_496 = arith.addi %add3A_495, %scan3A_296 : i32
      %add3A_497 = vector.broadcast %add3A_496 : i32 to vector<16xi32>
      %add3A_498 = arith.addi %mul3A_7, %add3A_497 : vector<16xi32>
      %gather3A_499 = tpu.vector_load_idx %arg5[%add3A_498] : memref<25600xi32, #tpu.memory_space<vmem>>[vector<16xi32>], vector<16xi32>,
      %shift_right_arithmetic3A_500 = arith.constant 2 : i32
      %shift_right_arithmetic3A_501 = vector.broadcast %shift_right_arithmetic3A_500 : i32 to vector<16xi32>
      %shift_right_arithmetic3A_502 = arith.shrsi %gather3A_499, %shift_right_arithmetic3A_501 : vector<16xi32>
      %swap3A_503 = arith.constant 176 : index
      %swap3A_504 = tpu.vector_load %arg8[%swap3A_503] {strides = array<i32>} : memref<256xi32, #tpu.memory_space<vmem>>, vector<16xi32>,
      tpu.vector_store %arg8[%swap3A_503], %shift_right_arithmetic3A_502 {strides = array<i32>} : memref<256xi32, #tpu.memory_space<vmem>>, vector<16xi32>,
      %and3A_505 = arith.constant 3 : i32
      %and3A_506 = vector.broadcast %and3A_505 : i32 to vector<16xi32>
      %and3A_507 = arith.andi %gather3A_499, %and3A_506 : vector<16xi32>
      %shift_left3A_508 = arith.constant 5 : i32
      %shift_left3A_509 = vector.broadcast %shift_left3A_508 : i32 to vector<16xi32>
      %shift_left3A_510 = arith.shli %and3A_507, %shift_left3A_509 : vector<16xi32>
      %swap3A_511 = arith.constant 176 : index
      %swap3A_512 = tpu.vector_load %arg9[%swap3A_511] {strides = array<i32>} : memref<256xi32, #tpu.memory_space<vmem>>, vector<16xi32>,
      tpu.vector_store %arg9[%swap3A_511], %shift_left3A_510 {strides = array<i32>} : memref<256xi32, #tpu.memory_space<vmem>>, vector<16xi32>,
      %add3A_513 = arith.constant 22400 : i32
      %add3A_514 = arith.addi %add3A_513, %scan3A_296 : i32
      %add3A_515 = vector.broadcast %add3A_514 : i32 to vector<16xi32>
      %add3A_516 = arith.addi %mul3A_7, %add3A_515 : vector<16xi32>
      %gather3A_517 = tpu.vector_load_idx %arg5[%add3A_516] : memref<25600xi32, #tpu.memory_space<vmem>>[vector<16xi32>], vector<16xi32>,
      %shift_right_arithmetic3A_518 = arith.constant 2 : i32
      %shift_right_arithmetic3A_519 = vector.broadcast %shift_right_arithmetic3A_518 : i32 to vector<16xi32>
      %shift_right_arithmetic3A_520 = arith.shrsi %gather3A_517, %shift_right_arithmetic3A_519 : vector<16xi32>
      %swap3A_521 = arith.constant 192 : index
      %swap3A_522 = tpu.vector_load %arg8[%swap3A_521] {strides = array<i32>} : memref<256xi32, #tpu.memory_space<vmem>>, vector<16xi32>,
      tpu.vector_store %arg8[%swap3A_521], %shift_right_arithmetic3A_520 {strides = array<i32>} : memref<256xi32, #tpu.memory_space<vmem>>, vector<16xi32>,
      %and3A_523 = arith.constant 3 : i32
      %and3A_524 = vector.broadcast %and3A_523 : i32 to vector<16xi32>
      %and3A_525 = arith.andi %gather3A_517, %and3A_524 : vector<16xi32>
      %shift_left3A_526 = arith.constant 5 : i32
      %shift_left3A_527 = vector.broadcast %shift_left3A_526 : i32 to vector<16xi32>
      %shift_left3A_528 = arith.shli %and3A_525, %shift_left3A_527 : vector<16xi32>
      %swap3A_529 = arith.constant 192 : index
      %swap3A_530 = tpu.vector_load %arg9[%swap3A_529] {strides = array<i32>} : memref<256xi32, #tpu.memory_space<vmem>>, vector<16xi32>,
      tpu.vector_store %arg9[%swap3A_529], %shift_left3A_528 {strides = array<i32>} : memref<256xi32, #tpu.memory_space<vmem>>, vector<16xi32>,
      %add3A_531 = arith.constant 23200 : i32
      %add3A_532 = arith.addi %add3A_531, %scan3A_296 : i32
      %add3A_533 = vector.broadcast %add3A_532 : i32 to vector<16xi32>
      %add3A_534 = arith.addi %mul3A_7, %add3A_533 : vector<16xi32>
      %gather3A_535 = tpu.vector_load_idx %arg5[%add3A_534] : memref<25600xi32, #tpu.memory_space<vmem>>[vector<16xi32>], vector<16xi32>,
      %shift_right_arithmetic3A_536 = arith.constant 2 : i32
      %shift_right_arithmetic3A_537 = vector.broadcast %shift_right_arithmetic3A_536 : i32 to vector<16xi32>
      %shift_right_arithmetic3A_538 = arith.shrsi %gather3A_535, %shift_right_arithmetic3A_537 : vector<16xi32>
      %swap3A_539 = arith.constant 208 : index
      %swap3A_540 = tpu.vector_load %arg8[%swap3A_539] {strides = array<i32>} : memref<256xi32, #tpu.memory_space<vmem>>, vector<16xi32>,
      tpu.vector_store %arg8[%swap3A_539], %shift_right_arithmetic3A_538 {strides = array<i32>} : memref<256xi32, #tpu.memory_space<vmem>>, vector<16xi32>,
      %and3A_541 = arith.constant 3 : i32
      %and3A_542 = vector.broadcast %and3A_541 : i32 to vector<16xi32>
      %and3A_543 = arith.andi %gather3A_535, %and3A_542 : vector<16xi32>
      %shift_left3A_544 = arith.constant 5 : i32
      %shift_left3A_545 = vector.broadcast %shift_left3A_544 : i32 to vector<16xi32>
      %shift_left3A_546 = arith.shli %and3A_543, %shift_left3A_545 : vector<16xi32>
      %swap3A_547 = arith.constant 208 : index
      %swap3A_548 = tpu.vector_load %arg9[%swap3A_547] {strides = array<i32>} : memref<256xi32, #tpu.memory_space<vmem>>, vector<16xi32>,
      tpu.vector_store %arg9[%swap3A_547], %shift_left3A_546 {strides = array<i32>} : memref<256xi32, #tpu.memory_space<vmem>>, vector<16xi32>,
      %add3A_549 = arith.constant 24000 : i32
      %add3A_550 = arith.addi %add3A_549, %scan3A_296 : i32
      %add3A_551 = vector.broadcast %add3A_550 : i32 to vector<16xi32>
      %add3A_552 = arith.addi %mul3A_7, %add3A_551 : vector<16xi32>
      %gather3A_553 = tpu.vector_load_idx %arg5[%add3A_552] : memref<25600xi32, #tpu.memory_space<vmem>>[vector<16xi32>], vector<16xi32>,
      %shift_right_arithmetic3A_554 = arith.constant 2 : i32
      %shift_right_arithmetic3A_555 = vector.broadcast %shift_right_arithmetic3A_554 : i32 to vector<16xi32>
      %shift_right_arithmetic3A_556 = arith.shrsi %gather3A_553, %shift_right_arithmetic3A_555 : vector<16xi32>
      %swap3A_557 = arith.constant 224 : index
      %swap3A_558 = tpu.vector_load %arg8[%swap3A_557] {strides = array<i32>} : memref<256xi32, #tpu.memory_space<vmem>>, vector<16xi32>,
      tpu.vector_store %arg8[%swap3A_557], %shift_right_arithmetic3A_556 {strides = array<i32>} : memref<256xi32, #tpu.memory_space<vmem>>, vector<16xi32>,
      %and3A_559 = arith.constant 3 : i32
      %and3A_560 = vector.broadcast %and3A_559 : i32 to vector<16xi32>
      %and3A_561 = arith.andi %gather3A_553, %and3A_560 : vector<16xi32>
      %shift_left3A_562 = arith.constant 5 : i32
      %shift_left3A_563 = vector.broadcast %shift_left3A_562 : i32 to vector<16xi32>
      %shift_left3A_564 = arith.shli %and3A_561, %shift_left3A_563 : vector<16xi32>
      %swap3A_565 = arith.constant 224 : index
      %swap3A_566 = tpu.vector_load %arg9[%swap3A_565] {strides = array<i32>} : memref<256xi32, #tpu.memory_space<vmem>>, vector<16xi32>,
      tpu.vector_store %arg9[%swap3A_565], %shift_left3A_564 {strides = array<i32>} : memref<256xi32, #tpu.memory_space<vmem>>, vector<16xi32>,
      %add3A_567 = arith.constant 24800 : i32
      %add3A_568 = arith.addi %add3A_567, %scan3A_296 : i32
      %add3A_569 = vector.broadcast %add3A_568 : i32 to vector<16xi32>
      %add3A_570 = arith.addi %mul3A_7, %add3A_569 : vector<16xi32>
      %gather3A_571 = tpu.vector_load_idx %arg5[%add3A_570] : memref<25600xi32, #tpu.memory_space<vmem>>[vector<16xi32>], vector<16xi32>,
      %shift_right_arithmetic3A_572 = arith.constant 2 : i32
      %shift_right_arithmetic3A_573 = vector.broadcast %shift_right_arithmetic3A_572 : i32 to vector<16xi32>
      %shift_right_arithmetic3A_574 = arith.shrsi %gather3A_571, %shift_right_arithmetic3A_573 : vector<16xi32>
      %swap3A_575 = arith.constant 240 : index
      %swap3A_576 = tpu.vector_load %arg8[%swap3A_575] {strides = array<i32>} : memref<256xi32, #tpu.memory_space<vmem>>, vector<16xi32>,
      tpu.vector_store %arg8[%swap3A_575], %shift_right_arithmetic3A_574 {strides = array<i32>} : memref<256xi32, #tpu.memory_space<vmem>>, vector<16xi32>,
      %and3A_577 = arith.constant 3 : i32
      %and3A_578 = vector.broadcast %and3A_577 : i32 to vector<16xi32>
      %and3A_579 = arith.andi %gather3A_571, %and3A_578 : vector<16xi32>
      %shift_left3A_580 = arith.constant 5 : i32
      %shift_left3A_581 = vector.broadcast %shift_left3A_580 : i32 to vector<16xi32>
      %shift_left3A_582 = arith.shli %and3A_579, %shift_left3A_581 : vector<16xi32>
      %swap3A_583 = arith.constant 240 : index
      %swap3A_584 = tpu.vector_load %arg9[%swap3A_583] {strides = array<i32>} : memref<256xi32, #tpu.memory_space<vmem>>, vector<16xi32>,
      tpu.vector_store %arg9[%swap3A_583], %shift_left3A_582 {strides = array<i32>} : memref<256xi32, #tpu.memory_space<vmem>>, vector<16xi32>,
      %dma_start3A_585 = arith.constant 0 : i32
      %dma_start3A_586 = arith.constant 0 : i32
      %dma_start3A_587 = tpu.memref_slice %arg3[%dma_start3A_585, %dma_start3A_586] : memref<250000x128xf32, #tpu.memory_space<hbm>> -> memref<250000x128xf32, #tpu.memory_space<hbm>>
      tpu.enqueue_indirect_dma source(%dma_start3A_587 : memref<250000x128xf32, #tpu.memory_space<hbm>>) target(%arg11 : memref<256x128xf32, #tpu.memory_space<vmem>>) offsets(%arg8 : memref<256xi32, #tpu.memory_space<vmem>>) semaphore(%arg15 : memref<!tpu.dma_semaphore, #tpu.memory_space<semaphore_mem>>)
      %dma_wait3A_588 = arith.constant 0 : i32
      %dma_wait3A_589 = arith.constant 0 : i32
      %dma_wait3A_590 = tpu.memref_slice %arg3[%dma_wait3A_588, %dma_wait3A_589] : memref<250000x128xf32, #tpu.memory_space<hbm>> -> memref<250000x128xf32, #tpu.memory_space<hbm>>
      tpu.wait_indirect_dma semaphore(%arg14 : memref<!tpu.dma_semaphore, #tpu.memory_space<semaphore_mem>>) src(%dma_wait3A_590 : memref<250000x128xf32, #tpu.memory_space<hbm>>) dst(%arg10 : memref<256x128xf32, #tpu.memory_space<vmem>>)
      %gt3A = arith.constant 0 : i32
      %gt3A_591 = arith.cmpi sgt, %scan3A_296, %gt3A : i32
      %convert_element_type3A = arith.extui %gt3A_591 : i1 to i32
      %cond3A = arith.constant 0 : i32
      %cond3A_592 = arith.cmpi ne, %convert_element_type3A, %cond3A : i32
      scf.if %cond3A_592 {
        %dma_wait3A_629 = arith.constant 0 : i32
        %dma_wait3A_630 = arith.constant 0 : i32
        %dma_wait3A_631 = tpu.memref_slice %arg4[%dma_wait3A_629, %dma_wait3A_630, %multiple_of3A] : memref<50x32x16384xf32, #tpu.memory_space<hbm>> -> memref<1x32x256xf32, #tpu.memory_space<hbm>>
        %dma_wait3A_632 = tpu.memref_squeeze %dma_wait3A_631 : memref<1x32x256xf32, #tpu.memory_space<hbm>> -> memref<32x256xf32, #tpu.memory_space<hbm>>
        %dma_wait3A_633 = arith.constant 0 : i32
        %dma_wait3A_634 = tpu.memref_slice %arg4[%dma_wait3A_629, %dma_wait3A_633, %multiple_of3A] : memref<50x32x16384xf32, #tpu.memory_space<hbm>> -> memref<1x32x256xf32, #tpu.memory_space<hbm>>
        %dma_wait3A_635 = tpu.memref_squeeze %dma_wait3A_634 : memref<1x32x256xf32, #tpu.memory_space<hbm>> -> memref<32x256xf32, #tpu.memory_space<hbm>>
        tpu.wait_dma2 semaphore(%arg16 : memref<!tpu.dma_semaphore, #tpu.memory_space<semaphore_mem>>) src(%arg12 : memref<32x256xf32, #tpu.memory_space<vmem>>) dst(%dma_wait3A_635 : memref<32x256xf32, #tpu.memory_space<hbm>>)
      } else {
      }
      %scan3A_593 = arith.constant 0 : i32
      %scan3A_594 = arith.constant 16 : i32
      %scan3A_595 = arith.addi %scan3A_593, %scan3A_594 : i32
      %scan3A_596 = arith.constant 1 : i32
      scf.for %scan3A_629 = %scan3A_593 to %scan3A_595 step %scan3A_596  : i32 {
        %mul3A_630 = arith.constant 16 : i32
        %mul3A_631 = arith.muli %mul3A_630, %scan3A_629 : i32
        %add3A_632 = vector.broadcast %mul3A_631 : i32 to vector<16xi32>
        %add3A_633 = arith.addi %iota3A, %add3A_632 : vector<16xi32>
        %mul3A_634 = arith.constant 16 : i32
        %mul3A_635 = arith.muli %mul3A_634, %scan3A_629 : i32
        %multiple_of3A_636 = tpu.assume_multiple %mul3A_635, 16 : i32
        %get3A = arith.index_cast %multiple_of3A_636 : i32 to index
        %get3A_637 = tpu.vector_load %arg7[%get3A] {strides = array<i32>} : memref<256xi32, #tpu.memory_space<vmem>>, vector<16xi32>,
        %add3A_638 = arith.constant 0 : i32
        %add3A_639 = vector.broadcast %add3A_638 : i32 to vector<16xi32>
        %add3A_640 = arith.addi %get3A_637, %add3A_639 : vector<16xi32>
        %gather3A_641 = tpu.vector_load_idx %arg10[%add3A_633, %add3A_640] : memref<256x128xf32, #tpu.memory_space<vmem>>[vector<16xi32>, vector<16xi32>], vector<16xf32>,
        %swap3A_642 = arith.constant 0 : i32
        %swap3A_643 = arith.index_cast %swap3A_642 : i32 to index
        %swap3A_644 = arith.index_cast %multiple_of3A_636 : i32 to index
        %swap3A_645 = tpu.vector_load %arg12[%swap3A_643, %swap3A_644] {strides = array<i32>} : memref<32x256xf32, #tpu.memory_space<vmem>>, vector<16xf32>,
        tpu.vector_store %arg12[%swap3A_643, %swap3A_644], %gather3A_641 {strides = array<i32>} : memref<32x256xf32, #tpu.memory_space<vmem>>, vector<16xf32>,
        %add3A_646 = arith.constant 1 : i32
        %add3A_647 = vector.broadcast %add3A_646 : i32 to vector<16xi32>
        %add3A_648 = arith.addi %get3A_637, %add3A_647 : vector<16xi32>
        %gather3A_649 = tpu.vector_load_idx %arg10[%add3A_633, %add3A_648] : memref<256x128xf32, #tpu.memory_space<vmem>>[vector<16xi32>, vector<16xi32>], vector<16xf32>,
        %swap3A_650 = arith.constant 1 : i32
        %swap3A_651 = arith.index_cast %swap3A_650 : i32 to index
        %swap3A_652 = arith.index_cast %multiple_of3A_636 : i32 to index
        %swap3A_653 = tpu.vector_load %arg12[%swap3A_651, %swap3A_652] {strides = array<i32>} : memref<32x256xf32, #tpu.memory_space<vmem>>, vector<16xf32>,
        tpu.vector_store %arg12[%swap3A_651, %swap3A_652], %gather3A_649 {strides = array<i32>} : memref<32x256xf32, #tpu.memory_space<vmem>>, vector<16xf32>,
        %add3A_654 = arith.constant 2 : i32
        %add3A_655 = vector.broadcast %add3A_654 : i32 to vector<16xi32>
        %add3A_656 = arith.addi %get3A_637, %add3A_655 : vector<16xi32>
        %gather3A_657 = tpu.vector_load_idx %arg10[%add3A_633, %add3A_656] : memref<256x128xf32, #tpu.memory_space<vmem>>[vector<16xi32>, vector<16xi32>], vector<16xf32>,
        %swap3A_658 = arith.constant 2 : i32
        %swap3A_659 = arith.index_cast %swap3A_658 : i32 to index
        %swap3A_660 = arith.index_cast %multiple_of3A_636 : i32 to index
        %swap3A_661 = tpu.vector_load %arg12[%swap3A_659, %swap3A_660] {strides = array<i32>} : memref<32x256xf32, #tpu.memory_space<vmem>>, vector<16xf32>,
        tpu.vector_store %arg12[%swap3A_659, %swap3A_660], %gather3A_657 {strides = array<i32>} : memref<32x256xf32, #tpu.memory_space<vmem>>, vector<16xf32>,
        %add3A_662 = arith.constant 3 : i32
        %add3A_663 = vector.broadcast %add3A_662 : i32 to vector<16xi32>
        %add3A_664 = arith.addi %get3A_637, %add3A_663 : vector<16xi32>
        %gather3A_665 = tpu.vector_load_idx %arg10[%add3A_633, %add3A_664] : memref<256x128xf32, #tpu.memory_space<vmem>>[vector<16xi32>, vector<16xi32>], vector<16xf32>,
        %swap3A_666 = arith.constant 3 : i32
        %swap3A_667 = arith.index_cast %swap3A_666 : i32 to index
        %swap3A_668 = arith.index_cast %multiple_of3A_636 : i32 to index
        %swap3A_669 = tpu.vector_load %arg12[%swap3A_667, %swap3A_668] {strides = array<i32>} : memref<32x256xf32, #tpu.memory_space<vmem>>, vector<16xf32>,
        tpu.vector_store %arg12[%swap3A_667, %swap3A_668], %gather3A_665 {strides = array<i32>} : memref<32x256xf32, #tpu.memory_space<vmem>>, vector<16xf32>,
        %add3A_670 = arith.constant 4 : i32
        %add3A_671 = vector.broadcast %add3A_670 : i32 to vector<16xi32>
        %add3A_672 = arith.addi %get3A_637, %add3A_671 : vector<16xi32>
        %gather3A_673 = tpu.vector_load_idx %arg10[%add3A_633, %add3A_672] : memref<256x128xf32, #tpu.memory_space<vmem>>[vector<16xi32>, vector<16xi32>], vector<16xf32>,
        %swap3A_674 = arith.constant 4 : i32
        %swap3A_675 = arith.index_cast %swap3A_674 : i32 to index
        %swap3A_676 = arith.index_cast %multiple_of3A_636 : i32 to index
        %swap3A_677 = tpu.vector_load %arg12[%swap3A_675, %swap3A_676] {strides = array<i32>} : memref<32x256xf32, #tpu.memory_space<vmem>>, vector<16xf32>,
        tpu.vector_store %arg12[%swap3A_675, %swap3A_676], %gather3A_673 {strides = array<i32>} : memref<32x256xf32, #tpu.memory_space<vmem>>, vector<16xf32>,
        %add3A_678 = arith.constant 5 : i32
        %add3A_679 = vector.broadcast %add3A_678 : i32 to vector<16xi32>
        %add3A_680 = arith.addi %get3A_637, %add3A_679 : vector<16xi32>
        %gather3A_681 = tpu.vector_load_idx %arg10[%add3A_633, %add3A_680] : memref<256x128xf32, #tpu.memory_space<vmem>>[vector<16xi32>, vector<16xi32>], vector<16xf32>,
        %swap3A_682 = arith.constant 5 : i32
        %swap3A_683 = arith.index_cast %swap3A_682 : i32 to index
        %swap3A_684 = arith.index_cast %multiple_of3A_636 : i32 to index
        %swap3A_685 = tpu.vector_load %arg12[%swap3A_683, %swap3A_684] {strides = array<i32>} : memref<32x256xf32, #tpu.memory_space<vmem>>, vector<16xf32>,
        tpu.vector_store %arg12[%swap3A_683, %swap3A_684], %gather3A_681 {strides = array<i32>} : memref<32x256xf32, #tpu.memory_space<vmem>>, vector<16xf32>,
        %add3A_686 = arith.constant 6 : i32
        %add3A_687 = vector.broadcast %add3A_686 : i32 to vector<16xi32>
        %add3A_688 = arith.addi %get3A_637, %add3A_687 : vector<16xi32>
        %gather3A_689 = tpu.vector_load_idx %arg10[%add3A_633, %add3A_688] : memref<256x128xf32, #tpu.memory_space<vmem>>[vector<16xi32>, vector<16xi32>], vector<16xf32>,
        %swap3A_690 = arith.constant 6 : i32
        %swap3A_691 = arith.index_cast %swap3A_690 : i32 to index
        %swap3A_692 = arith.index_cast %multiple_of3A_636 : i32 to index
        %swap3A_693 = tpu.vector_load %arg12[%swap3A_691, %swap3A_692] {strides = array<i32>} : memref<32x256xf32, #tpu.memory_space<vmem>>, vector<16xf32>,
        tpu.vector_store %arg12[%swap3A_691, %swap3A_692], %gather3A_689 {strides = array<i32>} : memref<32x256xf32, #tpu.memory_space<vmem>>, vector<16xf32>,
        %add3A_694 = arith.constant 7 : i32
        %add3A_695 = vector.broadcast %add3A_694 : i32 to vector<16xi32>
        %add3A_696 = arith.addi %get3A_637, %add3A_695 : vector<16xi32>
        %gather3A_697 = tpu.vector_load_idx %arg10[%add3A_633, %add3A_696] : memref<256x128xf32, #tpu.memory_space<vmem>>[vector<16xi32>, vector<16xi32>], vector<16xf32>,
        %swap3A_698 = arith.constant 7 : i32
        %swap3A_699 = arith.index_cast %swap3A_698 : i32 to index
        %swap3A_700 = arith.index_cast %multiple_of3A_636 : i32 to index
        %swap3A_701 = tpu.vector_load %arg12[%swap3A_699, %swap3A_700] {strides = array<i32>} : memref<32x256xf32, #tpu.memory_space<vmem>>, vector<16xf32>,
        tpu.vector_store %arg12[%swap3A_699, %swap3A_700], %gather3A_697 {strides = array<i32>} : memref<32x256xf32, #tpu.memory_space<vmem>>, vector<16xf32>,
        %add3A_702 = arith.constant 8 : i32
        %add3A_703 = vector.broadcast %add3A_702 : i32 to vector<16xi32>
        %add3A_704 = arith.addi %get3A_637, %add3A_703 : vector<16xi32>
        %gather3A_705 = tpu.vector_load_idx %arg10[%add3A_633, %add3A_704] : memref<256x128xf32, #tpu.memory_space<vmem>>[vector<16xi32>, vector<16xi32>], vector<16xf32>,
        %swap3A_706 = arith.constant 8 : i32
        %swap3A_707 = arith.index_cast %swap3A_706 : i32 to index
        %swap3A_708 = arith.index_cast %multiple_of3A_636 : i32 to index
        %swap3A_709 = tpu.vector_load %arg12[%swap3A_707, %swap3A_708] {strides = array<i32>} : memref<32x256xf32, #tpu.memory_space<vmem>>, vector<16xf32>,
        tpu.vector_store %arg12[%swap3A_707, %swap3A_708], %gather3A_705 {strides = array<i32>} : memref<32x256xf32, #tpu.memory_space<vmem>>, vector<16xf32>,
        %add3A_710 = arith.constant 9 : i32
        %add3A_711 = vector.broadcast %add3A_710 : i32 to vector<16xi32>
        %add3A_712 = arith.addi %get3A_637, %add3A_711 : vector<16xi32>
        %gather3A_713 = tpu.vector_load_idx %arg10[%add3A_633, %add3A_712] : memref<256x128xf32, #tpu.memory_space<vmem>>[vector<16xi32>, vector<16xi32>], vector<16xf32>,
        %swap3A_714 = arith.constant 9 : i32
        %swap3A_715 = arith.index_cast %swap3A_714 : i32 to index
        %swap3A_716 = arith.index_cast %multiple_of3A_636 : i32 to index
        %swap3A_717 = tpu.vector_load %arg12[%swap3A_715, %swap3A_716] {strides = array<i32>} : memref<32x256xf32, #tpu.memory_space<vmem>>, vector<16xf32>,
        tpu.vector_store %arg12[%swap3A_715, %swap3A_716], %gather3A_713 {strides = array<i32>} : memref<32x256xf32, #tpu.memory_space<vmem>>, vector<16xf32>,
        %add3A_718 = arith.constant 10 : i32
        %add3A_719 = vector.broadcast %add3A_718 : i32 to vector<16xi32>
        %add3A_720 = arith.addi %get3A_637, %add3A_719 : vector<16xi32>
        %gather3A_721 = tpu.vector_load_idx %arg10[%add3A_633, %add3A_720] : memref<256x128xf32, #tpu.memory_space<vmem>>[vector<16xi32>, vector<16xi32>], vector<16xf32>,
        %swap3A_722 = arith.constant 10 : i32
        %swap3A_723 = arith.index_cast %swap3A_722 : i32 to index
        %swap3A_724 = arith.index_cast %multiple_of3A_636 : i32 to index
        %swap3A_725 = tpu.vector_load %arg12[%swap3A_723, %swap3A_724] {strides = array<i32>} : memref<32x256xf32, #tpu.memory_space<vmem>>, vector<16xf32>,
        tpu.vector_store %arg12[%swap3A_723, %swap3A_724], %gather3A_721 {strides = array<i32>} : memref<32x256xf32, #tpu.memory_space<vmem>>, vector<16xf32>,
        %add3A_726 = arith.constant 11 : i32
        %add3A_727 = vector.broadcast %add3A_726 : i32 to vector<16xi32>
        %add3A_728 = arith.addi %get3A_637, %add3A_727 : vector<16xi32>
        %gather3A_729 = tpu.vector_load_idx %arg10[%add3A_633, %add3A_728] : memref<256x128xf32, #tpu.memory_space<vmem>>[vector<16xi32>, vector<16xi32>], vector<16xf32>,
        %swap3A_730 = arith.constant 11 : i32
        %swap3A_731 = arith.index_cast %swap3A_730 : i32 to index
        %swap3A_732 = arith.index_cast %multiple_of3A_636 : i32 to index
        %swap3A_733 = tpu.vector_load %arg12[%swap3A_731, %swap3A_732] {strides = array<i32>} : memref<32x256xf32, #tpu.memory_space<vmem>>, vector<16xf32>,
        tpu.vector_store %arg12[%swap3A_731, %swap3A_732], %gather3A_729 {strides = array<i32>} : memref<32x256xf32, #tpu.memory_space<vmem>>, vector<16xf32>,
        %add3A_734 = arith.constant 12 : i32
        %add3A_735 = vector.broadcast %add3A_734 : i32 to vector<16xi32>
        %add3A_736 = arith.addi %get3A_637, %add3A_735 : vector<16xi32>
        %gather3A_737 = tpu.vector_load_idx %arg10[%add3A_633, %add3A_736] : memref<256x128xf32, #tpu.memory_space<vmem>>[vector<16xi32>, vector<16xi32>], vector<16xf32>,
        %swap3A_738 = arith.constant 12 : i32
        %swap3A_739 = arith.index_cast %swap3A_738 : i32 to index
        %swap3A_740 = arith.index_cast %multiple_of3A_636 : i32 to index
        %swap3A_741 = tpu.vector_load %arg12[%swap3A_739, %swap3A_740] {strides = array<i32>} : memref<32x256xf32, #tpu.memory_space<vmem>>, vector<16xf32>,
        tpu.vector_store %arg12[%swap3A_739, %swap3A_740], %gather3A_737 {strides = array<i32>} : memref<32x256xf32, #tpu.memory_space<vmem>>, vector<16xf32>,
        %add3A_742 = arith.constant 13 : i32
        %add3A_743 = vector.broadcast %add3A_742 : i32 to vector<16xi32>
        %add3A_744 = arith.addi %get3A_637, %add3A_743 : vector<16xi32>
        %gather3A_745 = tpu.vector_load_idx %arg10[%add3A_633, %add3A_744] : memref<256x128xf32, #tpu.memory_space<vmem>>[vector<16xi32>, vector<16xi32>], vector<16xf32>,
        %swap3A_746 = arith.constant 13 : i32
        %swap3A_747 = arith.index_cast %swap3A_746 : i32 to index
        %swap3A_748 = arith.index_cast %multiple_of3A_636 : i32 to index
        %swap3A_749 = tpu.vector_load %arg12[%swap3A_747, %swap3A_748] {strides = array<i32>} : memref<32x256xf32, #tpu.memory_space<vmem>>, vector<16xf32>,
        tpu.vector_store %arg12[%swap3A_747, %swap3A_748], %gather3A_745 {strides = array<i32>} : memref<32x256xf32, #tpu.memory_space<vmem>>, vector<16xf32>,
        %add3A_750 = arith.constant 14 : i32
        %add3A_751 = vector.broadcast %add3A_750 : i32 to vector<16xi32>
        %add3A_752 = arith.addi %get3A_637, %add3A_751 : vector<16xi32>
        %gather3A_753 = tpu.vector_load_idx %arg10[%add3A_633, %add3A_752] : memref<256x128xf32, #tpu.memory_space<vmem>>[vector<16xi32>, vector<16xi32>], vector<16xf32>,
        %swap3A_754 = arith.constant 14 : i32
        %swap3A_755 = arith.index_cast %swap3A_754 : i32 to index
        %swap3A_756 = arith.index_cast %multiple_of3A_636 : i32 to index
        %swap3A_757 = tpu.vector_load %arg12[%swap3A_755, %swap3A_756] {strides = array<i32>} : memref<32x256xf32, #tpu.memory_space<vmem>>, vector<16xf32>,
        tpu.vector_store %arg12[%swap3A_755, %swap3A_756], %gather3A_753 {strides = array<i32>} : memref<32x256xf32, #tpu.memory_space<vmem>>, vector<16xf32>,
        %add3A_758 = arith.constant 15 : i32
        %add3A_759 = vector.broadcast %add3A_758 : i32 to vector<16xi32>
        %add3A_760 = arith.addi %get3A_637, %add3A_759 : vector<16xi32>
        %gather3A_761 = tpu.vector_load_idx %arg10[%add3A_633, %add3A_760] : memref<256x128xf32, #tpu.memory_space<vmem>>[vector<16xi32>, vector<16xi32>], vector<16xf32>,
        %swap3A_762 = arith.constant 15 : i32
        %swap3A_763 = arith.index_cast %swap3A_762 : i32 to index
        %swap3A_764 = arith.index_cast %multiple_of3A_636 : i32 to index
        %swap3A_765 = tpu.vector_load %arg12[%swap3A_763, %swap3A_764] {strides = array<i32>} : memref<32x256xf32, #tpu.memory_space<vmem>>, vector<16xf32>,
        tpu.vector_store %arg12[%swap3A_763, %swap3A_764], %gather3A_761 {strides = array<i32>} : memref<32x256xf32, #tpu.memory_space<vmem>>, vector<16xf32>,
        %add3A_766 = arith.constant 16 : i32
        %add3A_767 = vector.broadcast %add3A_766 : i32 to vector<16xi32>
        %add3A_768 = arith.addi %get3A_637, %add3A_767 : vector<16xi32>
        %gather3A_769 = tpu.vector_load_idx %arg10[%add3A_633, %add3A_768] : memref<256x128xf32, #tpu.memory_space<vmem>>[vector<16xi32>, vector<16xi32>], vector<16xf32>,
        %swap3A_770 = arith.constant 16 : i32
        %swap3A_771 = arith.index_cast %swap3A_770 : i32 to index
        %swap3A_772 = arith.index_cast %multiple_of3A_636 : i32 to index
        %swap3A_773 = tpu.vector_load %arg12[%swap3A_771, %swap3A_772] {strides = array<i32>} : memref<32x256xf32, #tpu.memory_space<vmem>>, vector<16xf32>,
        tpu.vector_store %arg12[%swap3A_771, %swap3A_772], %gather3A_769 {strides = array<i32>} : memref<32x256xf32, #tpu.memory_space<vmem>>, vector<16xf32>,
        %add3A_774 = arith.constant 17 : i32
        %add3A_775 = vector.broadcast %add3A_774 : i32 to vector<16xi32>
        %add3A_776 = arith.addi %get3A_637, %add3A_775 : vector<16xi32>
        %gather3A_777 = tpu.vector_load_idx %arg10[%add3A_633, %add3A_776] : memref<256x128xf32, #tpu.memory_space<vmem>>[vector<16xi32>, vector<16xi32>], vector<16xf32>,
        %swap3A_778 = arith.constant 17 : i32
        %swap3A_779 = arith.index_cast %swap3A_778 : i32 to index
        %swap3A_780 = arith.index_cast %multiple_of3A_636 : i32 to index
        %swap3A_781 = tpu.vector_load %arg12[%swap3A_779, %swap3A_780] {strides = array<i32>} : memref<32x256xf32, #tpu.memory_space<vmem>>, vector<16xf32>,
        tpu.vector_store %arg12[%swap3A_779, %swap3A_780], %gather3A_777 {strides = array<i32>} : memref<32x256xf32, #tpu.memory_space<vmem>>, vector<16xf32>,
        %add3A_782 = arith.constant 18 : i32
        %add3A_783 = vector.broadcast %add3A_782 : i32 to vector<16xi32>
        %add3A_784 = arith.addi %get3A_637, %add3A_783 : vector<16xi32>
        %gather3A_785 = tpu.vector_load_idx %arg10[%add3A_633, %add3A_784] : memref<256x128xf32, #tpu.memory_space<vmem>>[vector<16xi32>, vector<16xi32>], vector<16xf32>,
        %swap3A_786 = arith.constant 18 : i32
        %swap3A_787 = arith.index_cast %swap3A_786 : i32 to index
        %swap3A_788 = arith.index_cast %multiple_of3A_636 : i32 to index
        %swap3A_789 = tpu.vector_load %arg12[%swap3A_787, %swap3A_788] {strides = array<i32>} : memref<32x256xf32, #tpu.memory_space<vmem>>, vector<16xf32>,
        tpu.vector_store %arg12[%swap3A_787, %swap3A_788], %gather3A_785 {strides = array<i32>} : memref<32x256xf32, #tpu.memory_space<vmem>>, vector<16xf32>,
        %add3A_790 = arith.constant 19 : i32
        %add3A_791 = vector.broadcast %add3A_790 : i32 to vector<16xi32>
        %add3A_792 = arith.addi %get3A_637, %add3A_791 : vector<16xi32>
        %gather3A_793 = tpu.vector_load_idx %arg10[%add3A_633, %add3A_792] : memref<256x128xf32, #tpu.memory_space<vmem>>[vector<16xi32>, vector<16xi32>], vector<16xf32>,
        %swap3A_794 = arith.constant 19 : i32
        %swap3A_795 = arith.index_cast %swap3A_794 : i32 to index
        %swap3A_796 = arith.index_cast %multiple_of3A_636 : i32 to index
        %swap3A_797 = tpu.vector_load %arg12[%swap3A_795, %swap3A_796] {strides = array<i32>} : memref<32x256xf32, #tpu.memory_space<vmem>>, vector<16xf32>,
        tpu.vector_store %arg12[%swap3A_795, %swap3A_796], %gather3A_793 {strides = array<i32>} : memref<32x256xf32, #tpu.memory_space<vmem>>, vector<16xf32>,
        %add3A_798 = arith.constant 20 : i32
        %add3A_799 = vector.broadcast %add3A_798 : i32 to vector<16xi32>
        %add3A_800 = arith.addi %get3A_637, %add3A_799 : vector<16xi32>
        %gather3A_801 = tpu.vector_load_idx %arg10[%add3A_633, %add3A_800] : memref<256x128xf32, #tpu.memory_space<vmem>>[vector<16xi32>, vector<16xi32>], vector<16xf32>,
        %swap3A_802 = arith.constant 20 : i32
        %swap3A_803 = arith.index_cast %swap3A_802 : i32 to index
        %swap3A_804 = arith.index_cast %multiple_of3A_636 : i32 to index
        %swap3A_805 = tpu.vector_load %arg12[%swap3A_803, %swap3A_804] {strides = array<i32>} : memref<32x256xf32, #tpu.memory_space<vmem>>, vector<16xf32>,
        tpu.vector_store %arg12[%swap3A_803, %swap3A_804], %gather3A_801 {strides = array<i32>} : memref<32x256xf32, #tpu.memory_space<vmem>>, vector<16xf32>,
        %add3A_806 = arith.constant 21 : i32
        %add3A_807 = vector.broadcast %add3A_806 : i32 to vector<16xi32>
        %add3A_808 = arith.addi %get3A_637, %add3A_807 : vector<16xi32>
        %gather3A_809 = tpu.vector_load_idx %arg10[%add3A_633, %add3A_808] : memref<256x128xf32, #tpu.memory_space<vmem>>[vector<16xi32>, vector<16xi32>], vector<16xf32>,
        %swap3A_810 = arith.constant 21 : i32
        %swap3A_811 = arith.index_cast %swap3A_810 : i32 to index
        %swap3A_812 = arith.index_cast %multiple_of3A_636 : i32 to index
        %swap3A_813 = tpu.vector_load %arg12[%swap3A_811, %swap3A_812] {strides = array<i32>} : memref<32x256xf32, #tpu.memory_space<vmem>>, vector<16xf32>,
        tpu.vector_store %arg12[%swap3A_811, %swap3A_812], %gather3A_809 {strides = array<i32>} : memref<32x256xf32, #tpu.memory_space<vmem>>, vector<16xf32>,
        %add3A_814 = arith.constant 22 : i32
        %add3A_815 = vector.broadcast %add3A_814 : i32 to vector<16xi32>
        %add3A_816 = arith.addi %get3A_637, %add3A_815 : vector<16xi32>
        %gather3A_817 = tpu.vector_load_idx %arg10[%add3A_633, %add3A_816] : memref<256x128xf32, #tpu.memory_space<vmem>>[vector<16xi32>, vector<16xi32>], vector<16xf32>,
        %swap3A_818 = arith.constant 22 : i32
        %swap3A_819 = arith.index_cast %swap3A_818 : i32 to index
        %swap3A_820 = arith.index_cast %multiple_of3A_636 : i32 to index
        %swap3A_821 = tpu.vector_load %arg12[%swap3A_819, %swap3A_820] {strides = array<i32>} : memref<32x256xf32, #tpu.memory_space<vmem>>, vector<16xf32>,
        tpu.vector_store %arg12[%swap3A_819, %swap3A_820], %gather3A_817 {strides = array<i32>} : memref<32x256xf32, #tpu.memory_space<vmem>>, vector<16xf32>,
        %add3A_822 = arith.constant 23 : i32
        %add3A_823 = vector.broadcast %add3A_822 : i32 to vector<16xi32>
        %add3A_824 = arith.addi %get3A_637, %add3A_823 : vector<16xi32>
        %gather3A_825 = tpu.vector_load_idx %arg10[%add3A_633, %add3A_824] : memref<256x128xf32, #tpu.memory_space<vmem>>[vector<16xi32>, vector<16xi32>], vector<16xf32>,
        %swap3A_826 = arith.constant 23 : i32
        %swap3A_827 = arith.index_cast %swap3A_826 : i32 to index
        %swap3A_828 = arith.index_cast %multiple_of3A_636 : i32 to index
        %swap3A_829 = tpu.vector_load %arg12[%swap3A_827, %swap3A_828] {strides = array<i32>} : memref<32x256xf32, #tpu.memory_space<vmem>>, vector<16xf32>,
        tpu.vector_store %arg12[%swap3A_827, %swap3A_828], %gather3A_825 {strides = array<i32>} : memref<32x256xf32, #tpu.memory_space<vmem>>, vector<16xf32>,
        %add3A_830 = arith.constant 24 : i32
        %add3A_831 = vector.broadcast %add3A_830 : i32 to vector<16xi32>
        %add3A_832 = arith.addi %get3A_637, %add3A_831 : vector<16xi32>
        %gather3A_833 = tpu.vector_load_idx %arg10[%add3A_633, %add3A_832] : memref<256x128xf32, #tpu.memory_space<vmem>>[vector<16xi32>, vector<16xi32>], vector<16xf32>,
        %swap3A_834 = arith.constant 24 : i32
        %swap3A_835 = arith.index_cast %swap3A_834 : i32 to index
        %swap3A_836 = arith.index_cast %multiple_of3A_636 : i32 to index
        %swap3A_837 = tpu.vector_load %arg12[%swap3A_835, %swap3A_836] {strides = array<i32>} : memref<32x256xf32, #tpu.memory_space<vmem>>, vector<16xf32>,
        tpu.vector_store %arg12[%swap3A_835, %swap3A_836], %gather3A_833 {strides = array<i32>} : memref<32x256xf32, #tpu.memory_space<vmem>>, vector<16xf32>,
        %add3A_838 = arith.constant 25 : i32
        %add3A_839 = vector.broadcast %add3A_838 : i32 to vector<16xi32>
        %add3A_840 = arith.addi %get3A_637, %add3A_839 : vector<16xi32>
        %gather3A_841 = tpu.vector_load_idx %arg10[%add3A_633, %add3A_840] : memref<256x128xf32, #tpu.memory_space<vmem>>[vector<16xi32>, vector<16xi32>], vector<16xf32>,
        %swap3A_842 = arith.constant 25 : i32
        %swap3A_843 = arith.index_cast %swap3A_842 : i32 to index
        %swap3A_844 = arith.index_cast %multiple_of3A_636 : i32 to index
        %swap3A_845 = tpu.vector_load %arg12[%swap3A_843, %swap3A_844] {strides = array<i32>} : memref<32x256xf32, #tpu.memory_space<vmem>>, vector<16xf32>,
        tpu.vector_store %arg12[%swap3A_843, %swap3A_844], %gather3A_841 {strides = array<i32>} : memref<32x256xf32, #tpu.memory_space<vmem>>, vector<16xf32>,
        %add3A_846 = arith.constant 26 : i32
        %add3A_847 = vector.broadcast %add3A_846 : i32 to vector<16xi32>
        %add3A_848 = arith.addi %get3A_637, %add3A_847 : vector<16xi32>
        %gather3A_849 = tpu.vector_load_idx %arg10[%add3A_633, %add3A_848] : memref<256x128xf32, #tpu.memory_space<vmem>>[vector<16xi32>, vector<16xi32>], vector<16xf32>,
        %swap3A_850 = arith.constant 26 : i32
        %swap3A_851 = arith.index_cast %swap3A_850 : i32 to index
        %swap3A_852 = arith.index_cast %multiple_of3A_636 : i32 to index
        %swap3A_853 = tpu.vector_load %arg12[%swap3A_851, %swap3A_852] {strides = array<i32>} : memref<32x256xf32, #tpu.memory_space<vmem>>, vector<16xf32>,
        tpu.vector_store %arg12[%swap3A_851, %swap3A_852], %gather3A_849 {strides = array<i32>} : memref<32x256xf32, #tpu.memory_space<vmem>>, vector<16xf32>,
        %add3A_854 = arith.constant 27 : i32
        %add3A_855 = vector.broadcast %add3A_854 : i32 to vector<16xi32>
        %add3A_856 = arith.addi %get3A_637, %add3A_855 : vector<16xi32>
        %gather3A_857 = tpu.vector_load_idx %arg10[%add3A_633, %add3A_856] : memref<256x128xf32, #tpu.memory_space<vmem>>[vector<16xi32>, vector<16xi32>], vector<16xf32>,
        %swap3A_858 = arith.constant 27 : i32
        %swap3A_859 = arith.index_cast %swap3A_858 : i32 to index
        %swap3A_860 = arith.index_cast %multiple_of3A_636 : i32 to index
        %swap3A_861 = tpu.vector_load %arg12[%swap3A_859, %swap3A_860] {strides = array<i32>} : memref<32x256xf32, #tpu.memory_space<vmem>>, vector<16xf32>,
        tpu.vector_store %arg12[%swap3A_859, %swap3A_860], %gather3A_857 {strides = array<i32>} : memref<32x256xf32, #tpu.memory_space<vmem>>, vector<16xf32>,
        %add3A_862 = arith.constant 28 : i32
        %add3A_863 = vector.broadcast %add3A_862 : i32 to vector<16xi32>
        %add3A_864 = arith.addi %get3A_637, %add3A_863 : vector<16xi32>
        %gather3A_865 = tpu.vector_load_idx %arg10[%add3A_633, %add3A_864] : memref<256x128xf32, #tpu.memory_space<vmem>>[vector<16xi32>, vector<16xi32>], vector<16xf32>,
        %swap3A_866 = arith.constant 28 : i32
        %swap3A_867 = arith.index_cast %swap3A_866 : i32 to index
        %swap3A_868 = arith.index_cast %multiple_of3A_636 : i32 to index
        %swap3A_869 = tpu.vector_load %arg12[%swap3A_867, %swap3A_868] {strides = array<i32>} : memref<32x256xf32, #tpu.memory_space<vmem>>, vector<16xf32>,
        tpu.vector_store %arg12[%swap3A_867, %swap3A_868], %gather3A_865 {strides = array<i32>} : memref<32x256xf32, #tpu.memory_space<vmem>>, vector<16xf32>,
        %add3A_870 = arith.constant 29 : i32
        %add3A_871 = vector.broadcast %add3A_870 : i32 to vector<16xi32>
        %add3A_872 = arith.addi %get3A_637, %add3A_871 : vector<16xi32>
        %gather3A_873 = tpu.vector_load_idx %arg10[%add3A_633, %add3A_872] : memref<256x128xf32, #tpu.memory_space<vmem>>[vector<16xi32>, vector<16xi32>], vector<16xf32>,
        %swap3A_874 = arith.constant 29 : i32
        %swap3A_875 = arith.index_cast %swap3A_874 : i32 to index
        %swap3A_876 = arith.index_cast %multiple_of3A_636 : i32 to index
        %swap3A_877 = tpu.vector_load %arg12[%swap3A_875, %swap3A_876] {strides = array<i32>} : memref<32x256xf32, #tpu.memory_space<vmem>>, vector<16xf32>,
        tpu.vector_store %arg12[%swap3A_875, %swap3A_876], %gather3A_873 {strides = array<i32>} : memref<32x256xf32, #tpu.memory_space<vmem>>, vector<16xf32>,
        %add3A_878 = arith.constant 30 : i32
        %add3A_879 = vector.broadcast %add3A_878 : i32 to vector<16xi32>
        %add3A_880 = arith.addi %get3A_637, %add3A_879 : vector<16xi32>
        %gather3A_881 = tpu.vector_load_idx %arg10[%add3A_633, %add3A_880] : memref<256x128xf32, #tpu.memory_space<vmem>>[vector<16xi32>, vector<16xi32>], vector<16xf32>,
        %swap3A_882 = arith.constant 30 : i32
        %swap3A_883 = arith.index_cast %swap3A_882 : i32 to index
        %swap3A_884 = arith.index_cast %multiple_of3A_636 : i32 to index
        %swap3A_885 = tpu.vector_load %arg12[%swap3A_883, %swap3A_884] {strides = array<i32>} : memref<32x256xf32, #tpu.memory_space<vmem>>, vector<16xf32>,
        tpu.vector_store %arg12[%swap3A_883, %swap3A_884], %gather3A_881 {strides = array<i32>} : memref<32x256xf32, #tpu.memory_space<vmem>>, vector<16xf32>,
        %add3A_886 = arith.constant 31 : i32
        %add3A_887 = vector.broadcast %add3A_886 : i32 to vector<16xi32>
        %add3A_888 = arith.addi %get3A_637, %add3A_887 : vector<16xi32>
        %gather3A_889 = tpu.vector_load_idx %arg10[%add3A_633, %add3A_888] : memref<256x128xf32, #tpu.memory_space<vmem>>[vector<16xi32>, vector<16xi32>], vector<16xf32>,
        %swap3A_890 = arith.constant 31 : i32
        %swap3A_891 = arith.index_cast %swap3A_890 : i32 to index
        %swap3A_892 = arith.index_cast %multiple_of3A_636 : i32 to index
        %swap3A_893 = tpu.vector_load %arg12[%swap3A_891, %swap3A_892] {strides = array<i32>} : memref<32x256xf32, #tpu.memory_space<vmem>>, vector<16xf32>,
        tpu.vector_store %arg12[%swap3A_891, %swap3A_892], %gather3A_889 {strides = array<i32>} : memref<32x256xf32, #tpu.memory_space<vmem>>, vector<16xf32>,
      }
      %scan3A_597 = arith.constant 16 : i32
      %dma_start3A_598 = arith.constant 0 : i32
      %dma_start3A_599 = tpu.memref_slice %arg4[%scan3A_296, %dma_start3A_598, %multiple_of3A] : memref<50x32x16384xf32, #tpu.memory_space<hbm>> -> memref<1x32x256xf32, #tpu.memory_space<hbm>>
      %dma_start3A_600 = tpu.memref_squeeze %dma_start3A_599 : memref<1x32x256xf32, #tpu.memory_space<hbm>> -> memref<32x256xf32, #tpu.memory_space<hbm>>
      %dma_start3A_601 = arith.constant 0 : i32
      %dma_start3A_602 = tpu.memref_slice %arg4[%scan3A_296, %dma_start3A_601, %multiple_of3A] : memref<50x32x16384xf32, #tpu.memory_space<hbm>> -> memref<1x32x256xf32, #tpu.memory_space<hbm>>
      %dma_start3A_603 = tpu.memref_squeeze %dma_start3A_602 : memref<1x32x256xf32, #tpu.memory_space<hbm>> -> memref<32x256xf32, #tpu.memory_space<hbm>>
      tpu.enqueue_dma source(%arg12 : memref<32x256xf32, #tpu.memory_space<vmem>>) target(%dma_start3A_603 : memref<32x256xf32, #tpu.memory_space<hbm>>) target_semaphore(%arg16 : memref<!tpu.dma_semaphore, #tpu.memory_space<semaphore_mem>>)
      %lt3A = arith.constant 49 : i32
      %lt3A_604 = arith.cmpi slt, %scan3A_296, %lt3A : i32
      %convert_element_type3A_605 = arith.extui %lt3A_604 : i1 to i32
      %cond3A_606 = arith.constant 0 : i32
      %cond3A_607 = arith.cmpi ne, %convert_element_type3A_605, %cond3A_606 : i32
      scf.if %cond3A_607 {
        %add3A_629 = arith.constant 1 : i32
        %add3A_630 = arith.addi %scan3A_296, %add3A_629 : i32
        %add3A_631 = arith.constant 0 : i32
        %add3A_632 = arith.addi %add3A_631, %add3A_630 : i32
        %add3A_633 = vector.broadcast %add3A_632 : i32 to vector<16xi32>
        %add3A_634 = arith.addi %mul3A_7, %add3A_633 : vector<16xi32>
        %gather3A_635 = tpu.vector_load_idx %arg5[%add3A_634] : memref<25600xi32, #tpu.memory_space<vmem>>[vector<16xi32>], vector<16xi32>,
        %shift_right_arithmetic3A_636 = arith.constant 2 : i32
        %shift_right_arithmetic3A_637 = vector.broadcast %shift_right_arithmetic3A_636 : i32 to vector<16xi32>
        %shift_right_arithmetic3A_638 = arith.shrsi %gather3A_635, %shift_right_arithmetic3A_637 : vector<16xi32>
        %swap3A_639 = arith.constant 0 : index
        %swap3A_640 = tpu.vector_load %arg6[%swap3A_639] {strides = array<i32>} : memref<256xi32, #tpu.memory_space<vmem>>, vector<16xi32>,
        tpu.vector_store %arg6[%swap3A_639], %shift_right_arithmetic3A_638 {strides = array<i32>} : memref<256xi32, #tpu.memory_space<vmem>>, vector<16xi32>,
        %and3A_641 = arith.constant 3 : i32
        %and3A_642 = vector.broadcast %and3A_641 : i32 to vector<16xi32>
        %and3A_643 = arith.andi %gather3A_635, %and3A_642 : vector<16xi32>
        %shift_left3A_644 = arith.constant 5 : i32
        %shift_left3A_645 = vector.broadcast %shift_left3A_644 : i32 to vector<16xi32>
        %shift_left3A_646 = arith.shli %and3A_643, %shift_left3A_645 : vector<16xi32>
        %swap3A_647 = arith.constant 0 : index
        %swap3A_648 = tpu.vector_load %arg7[%swap3A_647] {strides = array<i32>} : memref<256xi32, #tpu.memory_space<vmem>>, vector<16xi32>,
        tpu.vector_store %arg7[%swap3A_647], %shift_left3A_646 {strides = array<i32>} : memref<256xi32, #tpu.memory_space<vmem>>, vector<16xi32>,
        %add3A_649 = arith.constant 800 : i32
        %add3A_650 = arith.addi %add3A_649, %add3A_630 : i32
        %add3A_651 = vector.broadcast %add3A_650 : i32 to vector<16xi32>
        %add3A_652 = arith.addi %mul3A_7, %add3A_651 : vector<16xi32>
        %gather3A_653 = tpu.vector_load_idx %arg5[%add3A_652] : memref<25600xi32, #tpu.memory_space<vmem>>[vector<16xi32>], vector<16xi32>,
        %shift_right_arithmetic3A_654 = arith.constant 2 : i32
        %shift_right_arithmetic3A_655 = vector.broadcast %shift_right_arithmetic3A_654 : i32 to vector<16xi32>
        %shift_right_arithmetic3A_656 = arith.shrsi %gather3A_653, %shift_right_arithmetic3A_655 : vector<16xi32>
        %swap3A_657 = arith.constant 16 : index
        %swap3A_658 = tpu.vector_load %arg6[%swap3A_657] {strides = array<i32>} : memref<256xi32, #tpu.memory_space<vmem>>, vector<16xi32>,
        tpu.vector_store %arg6[%swap3A_657], %shift_right_arithmetic3A_656 {strides = array<i32>} : memref<256xi32, #tpu.memory_space<vmem>>, vector<16xi32>,
        %and3A_659 = arith.constant 3 : i32
        %and3A_660 = vector.broadcast %and3A_659 : i32 to vector<16xi32>
        %and3A_661 = arith.andi %gather3A_653, %and3A_660 : vector<16xi32>
        %shift_left3A_662 = arith.constant 5 : i32
        %shift_left3A_663 = vector.broadcast %shift_left3A_662 : i32 to vector<16xi32>
        %shift_left3A_664 = arith.shli %and3A_661, %shift_left3A_663 : vector<16xi32>
        %swap3A_665 = arith.constant 16 : index
        %swap3A_666 = tpu.vector_load %arg7[%swap3A_665] {strides = array<i32>} : memref<256xi32, #tpu.memory_space<vmem>>, vector<16xi32>,
        tpu.vector_store %arg7[%swap3A_665], %shift_left3A_664 {strides = array<i32>} : memref<256xi32, #tpu.memory_space<vmem>>, vector<16xi32>,
        %add3A_667 = arith.constant 1600 : i32
        %add3A_668 = arith.addi %add3A_667, %add3A_630 : i32
        %add3A_669 = vector.broadcast %add3A_668 : i32 to vector<16xi32>
        %add3A_670 = arith.addi %mul3A_7, %add3A_669 : vector<16xi32>
        %gather3A_671 = tpu.vector_load_idx %arg5[%add3A_670] : memref<25600xi32, #tpu.memory_space<vmem>>[vector<16xi32>], vector<16xi32>,
        %shift_right_arithmetic3A_672 = arith.constant 2 : i32
        %shift_right_arithmetic3A_673 = vector.broadcast %shift_right_arithmetic3A_672 : i32 to vector<16xi32>
        %shift_right_arithmetic3A_674 = arith.shrsi %gather3A_671, %shift_right_arithmetic3A_673 : vector<16xi32>
        %swap3A_675 = arith.constant 32 : index
        %swap3A_676 = tpu.vector_load %arg6[%swap3A_675] {strides = array<i32>} : memref<256xi32, #tpu.memory_space<vmem>>, vector<16xi32>,
        tpu.vector_store %arg6[%swap3A_675], %shift_right_arithmetic3A_674 {strides = array<i32>} : memref<256xi32, #tpu.memory_space<vmem>>, vector<16xi32>,
        %and3A_677 = arith.constant 3 : i32
        %and3A_678 = vector.broadcast %and3A_677 : i32 to vector<16xi32>
        %and3A_679 = arith.andi %gather3A_671, %and3A_678 : vector<16xi32>
        %shift_left3A_680 = arith.constant 5 : i32
        %shift_left3A_681 = vector.broadcast %shift_left3A_680 : i32 to vector<16xi32>
        %shift_left3A_682 = arith.shli %and3A_679, %shift_left3A_681 : vector<16xi32>
        %swap3A_683 = arith.constant 32 : index
        %swap3A_684 = tpu.vector_load %arg7[%swap3A_683] {strides = array<i32>} : memref<256xi32, #tpu.memory_space<vmem>>, vector<16xi32>,
        tpu.vector_store %arg7[%swap3A_683], %shift_left3A_682 {strides = array<i32>} : memref<256xi32, #tpu.memory_space<vmem>>, vector<16xi32>,
        %add3A_685 = arith.constant 2400 : i32
        %add3A_686 = arith.addi %add3A_685, %add3A_630 : i32
        %add3A_687 = vector.broadcast %add3A_686 : i32 to vector<16xi32>
        %add3A_688 = arith.addi %mul3A_7, %add3A_687 : vector<16xi32>
        %gather3A_689 = tpu.vector_load_idx %arg5[%add3A_688] : memref<25600xi32, #tpu.memory_space<vmem>>[vector<16xi32>], vector<16xi32>,
        %shift_right_arithmetic3A_690 = arith.constant 2 : i32
        %shift_right_arithmetic3A_691 = vector.broadcast %shift_right_arithmetic3A_690 : i32 to vector<16xi32>
        %shift_right_arithmetic3A_692 = arith.shrsi %gather3A_689, %shift_right_arithmetic3A_691 : vector<16xi32>
        %swap3A_693 = arith.constant 48 : index
        %swap3A_694 = tpu.vector_load %arg6[%swap3A_693] {strides = array<i32>} : memref<256xi32, #tpu.memory_space<vmem>>, vector<16xi32>,
        tpu.vector_store %arg6[%swap3A_693], %shift_right_arithmetic3A_692 {strides = array<i32>} : memref<256xi32, #tpu.memory_space<vmem>>, vector<16xi32>,
        %and3A_695 = arith.constant 3 : i32
        %and3A_696 = vector.broadcast %and3A_695 : i32 to vector<16xi32>
        %and3A_697 = arith.andi %gather3A_689, %and3A_696 : vector<16xi32>
        %shift_left3A_698 = arith.constant 5 : i32
        %shift_left3A_699 = vector.broadcast %shift_left3A_698 : i32 to vector<16xi32>
        %shift_left3A_700 = arith.shli %and3A_697, %shift_left3A_699 : vector<16xi32>
        %swap3A_701 = arith.constant 48 : index
        %swap3A_702 = tpu.vector_load %arg7[%swap3A_701] {strides = array<i32>} : memref<256xi32, #tpu.memory_space<vmem>>, vector<16xi32>,
        tpu.vector_store %arg7[%swap3A_701], %shift_left3A_700 {strides = array<i32>} : memref<256xi32, #tpu.memory_space<vmem>>, vector<16xi32>,
        %add3A_703 = arith.constant 3200 : i32
        %add3A_704 = arith.addi %add3A_703, %add3A_630 : i32
        %add3A_705 = vector.broadcast %add3A_704 : i32 to vector<16xi32>
        %add3A_706 = arith.addi %mul3A_7, %add3A_705 : vector<16xi32>
        %gather3A_707 = tpu.vector_load_idx %arg5[%add3A_706] : memref<25600xi32, #tpu.memory_space<vmem>>[vector<16xi32>], vector<16xi32>,
        %shift_right_arithmetic3A_708 = arith.constant 2 : i32
        %shift_right_arithmetic3A_709 = vector.broadcast %shift_right_arithmetic3A_708 : i32 to vector<16xi32>
        %shift_right_arithmetic3A_710 = arith.shrsi %gather3A_707, %shift_right_arithmetic3A_709 : vector<16xi32>
        %swap3A_711 = arith.constant 64 : index
        %swap3A_712 = tpu.vector_load %arg6[%swap3A_711] {strides = array<i32>} : memref<256xi32, #tpu.memory_space<vmem>>, vector<16xi32>,
        tpu.vector_store %arg6[%swap3A_711], %shift_right_arithmetic3A_710 {strides = array<i32>} : memref<256xi32, #tpu.memory_space<vmem>>, vector<16xi32>,
        %and3A_713 = arith.constant 3 : i32
        %and3A_714 = vector.broadcast %and3A_713 : i32 to vector<16xi32>
        %and3A_715 = arith.andi %gather3A_707, %and3A_714 : vector<16xi32>
        %shift_left3A_716 = arith.constant 5 : i32
        %shift_left3A_717 = vector.broadcast %shift_left3A_716 : i32 to vector<16xi32>
        %shift_left3A_718 = arith.shli %and3A_715, %shift_left3A_717 : vector<16xi32>
        %swap3A_719 = arith.constant 64 : index
        %swap3A_720 = tpu.vector_load %arg7[%swap3A_719] {strides = array<i32>} : memref<256xi32, #tpu.memory_space<vmem>>, vector<16xi32>,
        tpu.vector_store %arg7[%swap3A_719], %shift_left3A_718 {strides = array<i32>} : memref<256xi32, #tpu.memory_space<vmem>>, vector<16xi32>,
        %add3A_721 = arith.constant 4000 : i32
        %add3A_722 = arith.addi %add3A_721, %add3A_630 : i32
        %add3A_723 = vector.broadcast %add3A_722 : i32 to vector<16xi32>
        %add3A_724 = arith.addi %mul3A_7, %add3A_723 : vector<16xi32>
        %gather3A_725 = tpu.vector_load_idx %arg5[%add3A_724] : memref<25600xi32, #tpu.memory_space<vmem>>[vector<16xi32>], vector<16xi32>,
        %shift_right_arithmetic3A_726 = arith.constant 2 : i32
        %shift_right_arithmetic3A_727 = vector.broadcast %shift_right_arithmetic3A_726 : i32 to vector<16xi32>
        %shift_right_arithmetic3A_728 = arith.shrsi %gather3A_725, %shift_right_arithmetic3A_727 : vector<16xi32>
        %swap3A_729 = arith.constant 80 : index
        %swap3A_730 = tpu.vector_load %arg6[%swap3A_729] {strides = array<i32>} : memref<256xi32, #tpu.memory_space<vmem>>, vector<16xi32>,
        tpu.vector_store %arg6[%swap3A_729], %shift_right_arithmetic3A_728 {strides = array<i32>} : memref<256xi32, #tpu.memory_space<vmem>>, vector<16xi32>,
        %and3A_731 = arith.constant 3 : i32
        %and3A_732 = vector.broadcast %and3A_731 : i32 to vector<16xi32>
        %and3A_733 = arith.andi %gather3A_725, %and3A_732 : vector<16xi32>
        %shift_left3A_734 = arith.constant 5 : i32
        %shift_left3A_735 = vector.broadcast %shift_left3A_734 : i32 to vector<16xi32>
        %shift_left3A_736 = arith.shli %and3A_733, %shift_left3A_735 : vector<16xi32>
        %swap3A_737 = arith.constant 80 : index
        %swap3A_738 = tpu.vector_load %arg7[%swap3A_737] {strides = array<i32>} : memref<256xi32, #tpu.memory_space<vmem>>, vector<16xi32>,
        tpu.vector_store %arg7[%swap3A_737], %shift_left3A_736 {strides = array<i32>} : memref<256xi32, #tpu.memory_space<vmem>>, vector<16xi32>,
        %add3A_739 = arith.constant 4800 : i32
        %add3A_740 = arith.addi %add3A_739, %add3A_630 : i32
        %add3A_741 = vector.broadcast %add3A_740 : i32 to vector<16xi32>
        %add3A_742 = arith.addi %mul3A_7, %add3A_741 : vector<16xi32>
        %gather3A_743 = tpu.vector_load_idx %arg5[%add3A_742] : memref<25600xi32, #tpu.memory_space<vmem>>[vector<16xi32>], vector<16xi32>,
        %shift_right_arithmetic3A_744 = arith.constant 2 : i32
        %shift_right_arithmetic3A_745 = vector.broadcast %shift_right_arithmetic3A_744 : i32 to vector<16xi32>
        %shift_right_arithmetic3A_746 = arith.shrsi %gather3A_743, %shift_right_arithmetic3A_745 : vector<16xi32>
        %swap3A_747 = arith.constant 96 : index
        %swap3A_748 = tpu.vector_load %arg6[%swap3A_747] {strides = array<i32>} : memref<256xi32, #tpu.memory_space<vmem>>, vector<16xi32>,
        tpu.vector_store %arg6[%swap3A_747], %shift_right_arithmetic3A_746 {strides = array<i32>} : memref<256xi32, #tpu.memory_space<vmem>>, vector<16xi32>,
        %and3A_749 = arith.constant 3 : i32
        %and3A_750 = vector.broadcast %and3A_749 : i32 to vector<16xi32>
        %and3A_751 = arith.andi %gather3A_743, %and3A_750 : vector<16xi32>
        %shift_left3A_752 = arith.constant 5 : i32
        %shift_left3A_753 = vector.broadcast %shift_left3A_752 : i32 to vector<16xi32>
        %shift_left3A_754 = arith.shli %and3A_751, %shift_left3A_753 : vector<16xi32>
        %swap3A_755 = arith.constant 96 : index
        %swap3A_756 = tpu.vector_load %arg7[%swap3A_755] {strides = array<i32>} : memref<256xi32, #tpu.memory_space<vmem>>, vector<16xi32>,
        tpu.vector_store %arg7[%swap3A_755], %shift_left3A_754 {strides = array<i32>} : memref<256xi32, #tpu.memory_space<vmem>>, vector<16xi32>,
        %add3A_757 = arith.constant 5600 : i32
        %add3A_758 = arith.addi %add3A_757, %add3A_630 : i32
        %add3A_759 = vector.broadcast %add3A_758 : i32 to vector<16xi32>
        %add3A_760 = arith.addi %mul3A_7, %add3A_759 : vector<16xi32>
        %gather3A_761 = tpu.vector_load_idx %arg5[%add3A_760] : memref<25600xi32, #tpu.memory_space<vmem>>[vector<16xi32>], vector<16xi32>,
        %shift_right_arithmetic3A_762 = arith.constant 2 : i32
        %shift_right_arithmetic3A_763 = vector.broadcast %shift_right_arithmetic3A_762 : i32 to vector<16xi32>
        %shift_right_arithmetic3A_764 = arith.shrsi %gather3A_761, %shift_right_arithmetic3A_763 : vector<16xi32>
        %swap3A_765 = arith.constant 112 : index
        %swap3A_766 = tpu.vector_load %arg6[%swap3A_765] {strides = array<i32>} : memref<256xi32, #tpu.memory_space<vmem>>, vector<16xi32>,
        tpu.vector_store %arg6[%swap3A_765], %shift_right_arithmetic3A_764 {strides = array<i32>} : memref<256xi32, #tpu.memory_space<vmem>>, vector<16xi32>,
        %and3A_767 = arith.constant 3 : i32
        %and3A_768 = vector.broadcast %and3A_767 : i32 to vector<16xi32>
        %and3A_769 = arith.andi %gather3A_761, %and3A_768 : vector<16xi32>
        %shift_left3A_770 = arith.constant 5 : i32
        %shift_left3A_771 = vector.broadcast %shift_left3A_770 : i32 to vector<16xi32>
        %shift_left3A_772 = arith.shli %and3A_769, %shift_left3A_771 : vector<16xi32>
        %swap3A_773 = arith.constant 112 : index
        %swap3A_774 = tpu.vector_load %arg7[%swap3A_773] {strides = array<i32>} : memref<256xi32, #tpu.memory_space<vmem>>, vector<16xi32>,
        tpu.vector_store %arg7[%swap3A_773], %shift_left3A_772 {strides = array<i32>} : memref<256xi32, #tpu.memory_space<vmem>>, vector<16xi32>,
        %add3A_775 = arith.constant 6400 : i32
        %add3A_776 = arith.addi %add3A_775, %add3A_630 : i32
        %add3A_777 = vector.broadcast %add3A_776 : i32 to vector<16xi32>
        %add3A_778 = arith.addi %mul3A_7, %add3A_777 : vector<16xi32>
        %gather3A_779 = tpu.vector_load_idx %arg5[%add3A_778] : memref<25600xi32, #tpu.memory_space<vmem>>[vector<16xi32>], vector<16xi32>,
        %shift_right_arithmetic3A_780 = arith.constant 2 : i32
        %shift_right_arithmetic3A_781 = vector.broadcast %shift_right_arithmetic3A_780 : i32 to vector<16xi32>
        %shift_right_arithmetic3A_782 = arith.shrsi %gather3A_779, %shift_right_arithmetic3A_781 : vector<16xi32>
        %swap3A_783 = arith.constant 128 : index
        %swap3A_784 = tpu.vector_load %arg6[%swap3A_783] {strides = array<i32>} : memref<256xi32, #tpu.memory_space<vmem>>, vector<16xi32>,
        tpu.vector_store %arg6[%swap3A_783], %shift_right_arithmetic3A_782 {strides = array<i32>} : memref<256xi32, #tpu.memory_space<vmem>>, vector<16xi32>,
        %and3A_785 = arith.constant 3 : i32
        %and3A_786 = vector.broadcast %and3A_785 : i32 to vector<16xi32>
        %and3A_787 = arith.andi %gather3A_779, %and3A_786 : vector<16xi32>
        %shift_left3A_788 = arith.constant 5 : i32
        %shift_left3A_789 = vector.broadcast %shift_left3A_788 : i32 to vector<16xi32>
        %shift_left3A_790 = arith.shli %and3A_787, %shift_left3A_789 : vector<16xi32>
        %swap3A_791 = arith.constant 128 : index
        %swap3A_792 = tpu.vector_load %arg7[%swap3A_791] {strides = array<i32>} : memref<256xi32, #tpu.memory_space<vmem>>, vector<16xi32>,
        tpu.vector_store %arg7[%swap3A_791], %shift_left3A_790 {strides = array<i32>} : memref<256xi32, #tpu.memory_space<vmem>>, vector<16xi32>,
        %add3A_793 = arith.constant 7200 : i32
        %add3A_794 = arith.addi %add3A_793, %add3A_630 : i32
        %add3A_795 = vector.broadcast %add3A_794 : i32 to vector<16xi32>
        %add3A_796 = arith.addi %mul3A_7, %add3A_795 : vector<16xi32>
        %gather3A_797 = tpu.vector_load_idx %arg5[%add3A_796] : memref<25600xi32, #tpu.memory_space<vmem>>[vector<16xi32>], vector<16xi32>,
        %shift_right_arithmetic3A_798 = arith.constant 2 : i32
        %shift_right_arithmetic3A_799 = vector.broadcast %shift_right_arithmetic3A_798 : i32 to vector<16xi32>
        %shift_right_arithmetic3A_800 = arith.shrsi %gather3A_797, %shift_right_arithmetic3A_799 : vector<16xi32>
        %swap3A_801 = arith.constant 144 : index
        %swap3A_802 = tpu.vector_load %arg6[%swap3A_801] {strides = array<i32>} : memref<256xi32, #tpu.memory_space<vmem>>, vector<16xi32>,
        tpu.vector_store %arg6[%swap3A_801], %shift_right_arithmetic3A_800 {strides = array<i32>} : memref<256xi32, #tpu.memory_space<vmem>>, vector<16xi32>,
        %and3A_803 = arith.constant 3 : i32
        %and3A_804 = vector.broadcast %and3A_803 : i32 to vector<16xi32>
        %and3A_805 = arith.andi %gather3A_797, %and3A_804 : vector<16xi32>
        %shift_left3A_806 = arith.constant 5 : i32
        %shift_left3A_807 = vector.broadcast %shift_left3A_806 : i32 to vector<16xi32>
        %shift_left3A_808 = arith.shli %and3A_805, %shift_left3A_807 : vector<16xi32>
        %swap3A_809 = arith.constant 144 : index
        %swap3A_810 = tpu.vector_load %arg7[%swap3A_809] {strides = array<i32>} : memref<256xi32, #tpu.memory_space<vmem>>, vector<16xi32>,
        tpu.vector_store %arg7[%swap3A_809], %shift_left3A_808 {strides = array<i32>} : memref<256xi32, #tpu.memory_space<vmem>>, vector<16xi32>,
        %add3A_811 = arith.constant 8000 : i32
        %add3A_812 = arith.addi %add3A_811, %add3A_630 : i32
        %add3A_813 = vector.broadcast %add3A_812 : i32 to vector<16xi32>
        %add3A_814 = arith.addi %mul3A_7, %add3A_813 : vector<16xi32>
        %gather3A_815 = tpu.vector_load_idx %arg5[%add3A_814] : memref<25600xi32, #tpu.memory_space<vmem>>[vector<16xi32>], vector<16xi32>,
        %shift_right_arithmetic3A_816 = arith.constant 2 : i32
        %shift_right_arithmetic3A_817 = vector.broadcast %shift_right_arithmetic3A_816 : i32 to vector<16xi32>
        %shift_right_arithmetic3A_818 = arith.shrsi %gather3A_815, %shift_right_arithmetic3A_817 : vector<16xi32>
        %swap3A_819 = arith.constant 160 : index
        %swap3A_820 = tpu.vector_load %arg6[%swap3A_819] {strides = array<i32>} : memref<256xi32, #tpu.memory_space<vmem>>, vector<16xi32>,
        tpu.vector_store %arg6[%swap3A_819], %shift_right_arithmetic3A_818 {strides = array<i32>} : memref<256xi32, #tpu.memory_space<vmem>>, vector<16xi32>,
        %and3A_821 = arith.constant 3 : i32
        %and3A_822 = vector.broadcast %and3A_821 : i32 to vector<16xi32>
        %and3A_823 = arith.andi %gather3A_815, %and3A_822 : vector<16xi32>
        %shift_left3A_824 = arith.constant 5 : i32
        %shift_left3A_825 = vector.broadcast %shift_left3A_824 : i32 to vector<16xi32>
        %shift_left3A_826 = arith.shli %and3A_823, %shift_left3A_825 : vector<16xi32>
        %swap3A_827 = arith.constant 160 : index
        %swap3A_828 = tpu.vector_load %arg7[%swap3A_827] {strides = array<i32>} : memref<256xi32, #tpu.memory_space<vmem>>, vector<16xi32>,
        tpu.vector_store %arg7[%swap3A_827], %shift_left3A_826 {strides = array<i32>} : memref<256xi32, #tpu.memory_space<vmem>>, vector<16xi32>,
        %add3A_829 = arith.constant 8800 : i32
        %add3A_830 = arith.addi %add3A_829, %add3A_630 : i32
        %add3A_831 = vector.broadcast %add3A_830 : i32 to vector<16xi32>
        %add3A_832 = arith.addi %mul3A_7, %add3A_831 : vector<16xi32>
        %gather3A_833 = tpu.vector_load_idx %arg5[%add3A_832] : memref<25600xi32, #tpu.memory_space<vmem>>[vector<16xi32>], vector<16xi32>,
        %shift_right_arithmetic3A_834 = arith.constant 2 : i32
        %shift_right_arithmetic3A_835 = vector.broadcast %shift_right_arithmetic3A_834 : i32 to vector<16xi32>
        %shift_right_arithmetic3A_836 = arith.shrsi %gather3A_833, %shift_right_arithmetic3A_835 : vector<16xi32>
        %swap3A_837 = arith.constant 176 : index
        %swap3A_838 = tpu.vector_load %arg6[%swap3A_837] {strides = array<i32>} : memref<256xi32, #tpu.memory_space<vmem>>, vector<16xi32>,
        tpu.vector_store %arg6[%swap3A_837], %shift_right_arithmetic3A_836 {strides = array<i32>} : memref<256xi32, #tpu.memory_space<vmem>>, vector<16xi32>,
        %and3A_839 = arith.constant 3 : i32
        %and3A_840 = vector.broadcast %and3A_839 : i32 to vector<16xi32>
        %and3A_841 = arith.andi %gather3A_833, %and3A_840 : vector<16xi32>
        %shift_left3A_842 = arith.constant 5 : i32
        %shift_left3A_843 = vector.broadcast %shift_left3A_842 : i32 to vector<16xi32>
        %shift_left3A_844 = arith.shli %and3A_841, %shift_left3A_843 : vector<16xi32>
        %swap3A_845 = arith.constant 176 : index
        %swap3A_846 = tpu.vector_load %arg7[%swap3A_845] {strides = array<i32>} : memref<256xi32, #tpu.memory_space<vmem>>, vector<16xi32>,
        tpu.vector_store %arg7[%swap3A_845], %shift_left3A_844 {strides = array<i32>} : memref<256xi32, #tpu.memory_space<vmem>>, vector<16xi32>,
        %add3A_847 = arith.constant 9600 : i32
        %add3A_848 = arith.addi %add3A_847, %add3A_630 : i32
        %add3A_849 = vector.broadcast %add3A_848 : i32 to vector<16xi32>
        %add3A_850 = arith.addi %mul3A_7, %add3A_849 : vector<16xi32>
        %gather3A_851 = tpu.vector_load_idx %arg5[%add3A_850] : memref<25600xi32, #tpu.memory_space<vmem>>[vector<16xi32>], vector<16xi32>,
        %shift_right_arithmetic3A_852 = arith.constant 2 : i32
        %shift_right_arithmetic3A_853 = vector.broadcast %shift_right_arithmetic3A_852 : i32 to vector<16xi32>
        %shift_right_arithmetic3A_854 = arith.shrsi %gather3A_851, %shift_right_arithmetic3A_853 : vector<16xi32>
        %swap3A_855 = arith.constant 192 : index
        %swap3A_856 = tpu.vector_load %arg6[%swap3A_855] {strides = array<i32>} : memref<256xi32, #tpu.memory_space<vmem>>, vector<16xi32>,
        tpu.vector_store %arg6[%swap3A_855], %shift_right_arithmetic3A_854 {strides = array<i32>} : memref<256xi32, #tpu.memory_space<vmem>>, vector<16xi32>,
        %and3A_857 = arith.constant 3 : i32
        %and3A_858 = vector.broadcast %and3A_857 : i32 to vector<16xi32>
        %and3A_859 = arith.andi %gather3A_851, %and3A_858 : vector<16xi32>
        %shift_left3A_860 = arith.constant 5 : i32
        %shift_left3A_861 = vector.broadcast %shift_left3A_860 : i32 to vector<16xi32>
        %shift_left3A_862 = arith.shli %and3A_859, %shift_left3A_861 : vector<16xi32>
        %swap3A_863 = arith.constant 192 : index
        %swap3A_864 = tpu.vector_load %arg7[%swap3A_863] {strides = array<i32>} : memref<256xi32, #tpu.memory_space<vmem>>, vector<16xi32>,
        tpu.vector_store %arg7[%swap3A_863], %shift_left3A_862 {strides = array<i32>} : memref<256xi32, #tpu.memory_space<vmem>>, vector<16xi32>,
        %add3A_865 = arith.constant 10400 : i32
        %add3A_866 = arith.addi %add3A_865, %add3A_630 : i32
        %add3A_867 = vector.broadcast %add3A_866 : i32 to vector<16xi32>
        %add3A_868 = arith.addi %mul3A_7, %add3A_867 : vector<16xi32>
        %gather3A_869 = tpu.vector_load_idx %arg5[%add3A_868] : memref<25600xi32, #tpu.memory_space<vmem>>[vector<16xi32>], vector<16xi32>,
        %shift_right_arithmetic3A_870 = arith.constant 2 : i32
        %shift_right_arithmetic3A_871 = vector.broadcast %shift_right_arithmetic3A_870 : i32 to vector<16xi32>
        %shift_right_arithmetic3A_872 = arith.shrsi %gather3A_869, %shift_right_arithmetic3A_871 : vector<16xi32>
        %swap3A_873 = arith.constant 208 : index
        %swap3A_874 = tpu.vector_load %arg6[%swap3A_873] {strides = array<i32>} : memref<256xi32, #tpu.memory_space<vmem>>, vector<16xi32>,
        tpu.vector_store %arg6[%swap3A_873], %shift_right_arithmetic3A_872 {strides = array<i32>} : memref<256xi32, #tpu.memory_space<vmem>>, vector<16xi32>,
        %and3A_875 = arith.constant 3 : i32
        %and3A_876 = vector.broadcast %and3A_875 : i32 to vector<16xi32>
        %and3A_877 = arith.andi %gather3A_869, %and3A_876 : vector<16xi32>
        %shift_left3A_878 = arith.constant 5 : i32
        %shift_left3A_879 = vector.broadcast %shift_left3A_878 : i32 to vector<16xi32>
        %shift_left3A_880 = arith.shli %and3A_877, %shift_left3A_879 : vector<16xi32>
        %swap3A_881 = arith.constant 208 : index
        %swap3A_882 = tpu.vector_load %arg7[%swap3A_881] {strides = array<i32>} : memref<256xi32, #tpu.memory_space<vmem>>, vector<16xi32>,
        tpu.vector_store %arg7[%swap3A_881], %shift_left3A_880 {strides = array<i32>} : memref<256xi32, #tpu.memory_space<vmem>>, vector<16xi32>,
        %add3A_883 = arith.constant 11200 : i32
        %add3A_884 = arith.addi %add3A_883, %add3A_630 : i32
        %add3A_885 = vector.broadcast %add3A_884 : i32 to vector<16xi32>
        %add3A_886 = arith.addi %mul3A_7, %add3A_885 : vector<16xi32>
        %gather3A_887 = tpu.vector_load_idx %arg5[%add3A_886] : memref<25600xi32, #tpu.memory_space<vmem>>[vector<16xi32>], vector<16xi32>,
        %shift_right_arithmetic3A_888 = arith.constant 2 : i32
        %shift_right_arithmetic3A_889 = vector.broadcast %shift_right_arithmetic3A_888 : i32 to vector<16xi32>
        %shift_right_arithmetic3A_890 = arith.shrsi %gather3A_887, %shift_right_arithmetic3A_889 : vector<16xi32>
        %swap3A_891 = arith.constant 224 : index
        %swap3A_892 = tpu.vector_load %arg6[%swap3A_891] {strides = array<i32>} : memref<256xi32, #tpu.memory_space<vmem>>, vector<16xi32>,
        tpu.vector_store %arg6[%swap3A_891], %shift_right_arithmetic3A_890 {strides = array<i32>} : memref<256xi32, #tpu.memory_space<vmem>>, vector<16xi32>,
        %and3A_893 = arith.constant 3 : i32
        %and3A_894 = vector.broadcast %and3A_893 : i32 to vector<16xi32>
        %and3A_895 = arith.andi %gather3A_887, %and3A_894 : vector<16xi32>
        %shift_left3A_896 = arith.constant 5 : i32
        %shift_left3A_897 = vector.broadcast %shift_left3A_896 : i32 to vector<16xi32>
        %shift_left3A_898 = arith.shli %and3A_895, %shift_left3A_897 : vector<16xi32>
        %swap3A_899 = arith.constant 224 : index
        %swap3A_900 = tpu.vector_load %arg7[%swap3A_899] {strides = array<i32>} : memref<256xi32, #tpu.memory_space<vmem>>, vector<16xi32>,
        tpu.vector_store %arg7[%swap3A_899], %shift_left3A_898 {strides = array<i32>} : memref<256xi32, #tpu.memory_space<vmem>>, vector<16xi32>,
        %add3A_901 = arith.constant 12000 : i32
        %add3A_902 = arith.addi %add3A_901, %add3A_630 : i32
        %add3A_903 = vector.broadcast %add3A_902 : i32 to vector<16xi32>
        %add3A_904 = arith.addi %mul3A_7, %add3A_903 : vector<16xi32>
        %gather3A_905 = tpu.vector_load_idx %arg5[%add3A_904] : memref<25600xi32, #tpu.memory_space<vmem>>[vector<16xi32>], vector<16xi32>,
        %shift_right_arithmetic3A_906 = arith.constant 2 : i32
        %shift_right_arithmetic3A_907 = vector.broadcast %shift_right_arithmetic3A_906 : i32 to vector<16xi32>
        %shift_right_arithmetic3A_908 = arith.shrsi %gather3A_905, %shift_right_arithmetic3A_907 : vector<16xi32>
        %swap3A_909 = arith.constant 240 : index
        %swap3A_910 = tpu.vector_load %arg6[%swap3A_909] {strides = array<i32>} : memref<256xi32, #tpu.memory_space<vmem>>, vector<16xi32>,
        tpu.vector_store %arg6[%swap3A_909], %shift_right_arithmetic3A_908 {strides = array<i32>} : memref<256xi32, #tpu.memory_space<vmem>>, vector<16xi32>,
        %and3A_911 = arith.constant 3 : i32
        %and3A_912 = vector.broadcast %and3A_911 : i32 to vector<16xi32>
        %and3A_913 = arith.andi %gather3A_905, %and3A_912 : vector<16xi32>
        %shift_left3A_914 = arith.constant 5 : i32
        %shift_left3A_915 = vector.broadcast %shift_left3A_914 : i32 to vector<16xi32>
        %shift_left3A_916 = arith.shli %and3A_913, %shift_left3A_915 : vector<16xi32>
        %swap3A_917 = arith.constant 240 : index
        %swap3A_918 = tpu.vector_load %arg7[%swap3A_917] {strides = array<i32>} : memref<256xi32, #tpu.memory_space<vmem>>, vector<16xi32>,
        tpu.vector_store %arg7[%swap3A_917], %shift_left3A_916 {strides = array<i32>} : memref<256xi32, #tpu.memory_space<vmem>>, vector<16xi32>,
        %dma_start3A_919 = arith.constant 0 : i32
        %dma_start3A_920 = arith.constant 0 : i32
        %dma_start3A_921 = tpu.memref_slice %arg3[%dma_start3A_919, %dma_start3A_920] : memref<250000x128xf32, #tpu.memory_space<hbm>> -> memref<250000x128xf32, #tpu.memory_space<hbm>>
        tpu.enqueue_indirect_dma source(%dma_start3A_921 : memref<250000x128xf32, #tpu.memory_space<hbm>>) target(%arg10 : memref<256x128xf32, #tpu.memory_space<vmem>>) offsets(%arg6 : memref<256xi32, #tpu.memory_space<vmem>>) semaphore(%arg14 : memref<!tpu.dma_semaphore, #tpu.memory_space<semaphore_mem>>)
      } else {
      }
      %dma_wait3A_608 = arith.constant 0 : i32
      %dma_wait3A_609 = arith.constant 0 : i32
      %dma_wait3A_610 = tpu.memref_slice %arg3[%dma_wait3A_608, %dma_wait3A_609] : memref<250000x128xf32, #tpu.memory_space<hbm>> -> memref<250000x128xf32, #tpu.memory_space<hbm>>
      tpu.wait_indirect_dma semaphore(%arg15 : memref<!tpu.dma_semaphore, #tpu.memory_space<semaphore_mem>>) src(%dma_wait3A_610 : memref<250000x128xf32, #tpu.memory_space<hbm>>) dst(%arg11 : memref<256x128xf32, #tpu.memory_space<vmem>>)
      %gt3A_611 = arith.constant 0 : i32
      %gt3A_612 = arith.cmpi sgt, %scan3A_296, %gt3A_611 : i32
      %convert_element_type3A_613 = arith.extui %gt3A_612 : i1 to i32
      %cond3A_614 = arith.constant 0 : i32
      %cond3A_615 = arith.cmpi ne, %convert_element_type3A_613, %cond3A_614 : i32
      scf.if %cond3A_615 {
        %add3A_629 = arith.constant 256 : i32
        %add3A_630 = arith.addi %multiple_of3A, %add3A_629 : i32
        %dma_wait3A_631 = arith.constant 0 : i32
        %dma_wait3A_632 = arith.constant 0 : i32
        %dma_wait3A_633 = tpu.memref_slice %arg4[%dma_wait3A_631, %dma_wait3A_632, %add3A_630] : memref<50x32x16384xf32, #tpu.memory_space<hbm>> -> memref<1x32x256xf32, #tpu.memory_space<hbm>>
        %dma_wait3A_634 = tpu.memref_squeeze %dma_wait3A_633 : memref<1x32x256xf32, #tpu.memory_space<hbm>> -> memref<32x256xf32, #tpu.memory_space<hbm>>
        %dma_wait3A_635 = arith.constant 0 : i32
        %dma_wait3A_636 = tpu.memref_slice %arg4[%dma_wait3A_631, %dma_wait3A_635, %add3A_630] : memref<50x32x16384xf32, #tpu.memory_space<hbm>> -> memref<1x32x256xf32, #tpu.memory_space<hbm>>
        %dma_wait3A_637 = tpu.memref_squeeze %dma_wait3A_636 : memref<1x32x256xf32, #tpu.memory_space<hbm>> -> memref<32x256xf32, #tpu.memory_space<hbm>>
        tpu.wait_dma2 semaphore(%arg17 : memref<!tpu.dma_semaphore, #tpu.memory_space<semaphore_mem>>) src(%arg13 : memref<32x256xf32, #tpu.memory_space<vmem>>) dst(%dma_wait3A_637 : memref<32x256xf32, #tpu.memory_space<hbm>>)
      } else {
      }
      %scan3A_616 = arith.constant 0 : i32
      %scan3A_617 = arith.constant 16 : i32
      %scan3A_618 = arith.addi %scan3A_616, %scan3A_617 : i32
      %scan3A_619 = arith.constant 1 : i32
      scf.for %scan3A_629 = %scan3A_616 to %scan3A_618 step %scan3A_619  : i32 {
        %mul3A_630 = arith.constant 16 : i32
        %mul3A_631 = arith.muli %mul3A_630, %scan3A_629 : i32
        %add3A_632 = vector.broadcast %mul3A_631 : i32 to vector<16xi32>
        %add3A_633 = arith.addi %iota3A, %add3A_632 : vector<16xi32>
        %mul3A_634 = arith.constant 16 : i32
        %mul3A_635 = arith.muli %mul3A_634, %scan3A_629 : i32
        %multiple_of3A_636 = tpu.assume_multiple %mul3A_635, 16 : i32
        %get3A = arith.index_cast %multiple_of3A_636 : i32 to index
        %get3A_637 = tpu.vector_load %arg9[%get3A] {strides = array<i32>} : memref<256xi32, #tpu.memory_space<vmem>>, vector<16xi32>,
        %add3A_638 = arith.constant 0 : i32
        %add3A_639 = vector.broadcast %add3A_638 : i32 to vector<16xi32>
        %add3A_640 = arith.addi %get3A_637, %add3A_639 : vector<16xi32>
        %gather3A_641 = tpu.vector_load_idx %arg11[%add3A_633, %add3A_640] : memref<256x128xf32, #tpu.memory_space<vmem>>[vector<16xi32>, vector<16xi32>], vector<16xf32>,
        %swap3A_642 = arith.constant 0 : i32
        %swap3A_643 = arith.index_cast %swap3A_642 : i32 to index
        %swap3A_644 = arith.index_cast %multiple_of3A_636 : i32 to index
        %swap3A_645 = tpu.vector_load %arg13[%swap3A_643, %swap3A_644] {strides = array<i32>} : memref<32x256xf32, #tpu.memory_space<vmem>>, vector<16xf32>,
        tpu.vector_store %arg13[%swap3A_643, %swap3A_644], %gather3A_641 {strides = array<i32>} : memref<32x256xf32, #tpu.memory_space<vmem>>, vector<16xf32>,
        %add3A_646 = arith.constant 1 : i32
        %add3A_647 = vector.broadcast %add3A_646 : i32 to vector<16xi32>
        %add3A_648 = arith.addi %get3A_637, %add3A_647 : vector<16xi32>
        %gather3A_649 = tpu.vector_load_idx %arg11[%add3A_633, %add3A_648] : memref<256x128xf32, #tpu.memory_space<vmem>>[vector<16xi32>, vector<16xi32>], vector<16xf32>,
        %swap3A_650 = arith.constant 1 : i32
        %swap3A_651 = arith.index_cast %swap3A_650 : i32 to index
        %swap3A_652 = arith.index_cast %multiple_of3A_636 : i32 to index
        %swap3A_653 = tpu.vector_load %arg13[%swap3A_651, %swap3A_652] {strides = array<i32>} : memref<32x256xf32, #tpu.memory_space<vmem>>, vector<16xf32>,
        tpu.vector_store %arg13[%swap3A_651, %swap3A_652], %gather3A_649 {strides = array<i32>} : memref<32x256xf32, #tpu.memory_space<vmem>>, vector<16xf32>,
        %add3A_654 = arith.constant 2 : i32
        %add3A_655 = vector.broadcast %add3A_654 : i32 to vector<16xi32>
        %add3A_656 = arith.addi %get3A_637, %add3A_655 : vector<16xi32>
        %gather3A_657 = tpu.vector_load_idx %arg11[%add3A_633, %add3A_656] : memref<256x128xf32, #tpu.memory_space<vmem>>[vector<16xi32>, vector<16xi32>], vector<16xf32>,
        %swap3A_658 = arith.constant 2 : i32
        %swap3A_659 = arith.index_cast %swap3A_658 : i32 to index
        %swap3A_660 = arith.index_cast %multiple_of3A_636 : i32 to index
        %swap3A_661 = tpu.vector_load %arg13[%swap3A_659, %swap3A_660] {strides = array<i32>} : memref<32x256xf32, #tpu.memory_space<vmem>>, vector<16xf32>,
        tpu.vector_store %arg13[%swap3A_659, %swap3A_660], %gather3A_657 {strides = array<i32>} : memref<32x256xf32, #tpu.memory_space<vmem>>, vector<16xf32>,
        %add3A_662 = arith.constant 3 : i32
        %add3A_663 = vector.broadcast %add3A_662 : i32 to vector<16xi32>
        %add3A_664 = arith.addi %get3A_637, %add3A_663 : vector<16xi32>
        %gather3A_665 = tpu.vector_load_idx %arg11[%add3A_633, %add3A_664] : memref<256x128xf32, #tpu.memory_space<vmem>>[vector<16xi32>, vector<16xi32>], vector<16xf32>,
        %swap3A_666 = arith.constant 3 : i32
        %swap3A_667 = arith.index_cast %swap3A_666 : i32 to index
        %swap3A_668 = arith.index_cast %multiple_of3A_636 : i32 to index
        %swap3A_669 = tpu.vector_load %arg13[%swap3A_667, %swap3A_668] {strides = array<i32>} : memref<32x256xf32, #tpu.memory_space<vmem>>, vector<16xf32>,
        tpu.vector_store %arg13[%swap3A_667, %swap3A_668], %gather3A_665 {strides = array<i32>} : memref<32x256xf32, #tpu.memory_space<vmem>>, vector<16xf32>,
        %add3A_670 = arith.constant 4 : i32
        %add3A_671 = vector.broadcast %add3A_670 : i32 to vector<16xi32>
        %add3A_672 = arith.addi %get3A_637, %add3A_671 : vector<16xi32>
        %gather3A_673 = tpu.vector_load_idx %arg11[%add3A_633, %add3A_672] : memref<256x128xf32, #tpu.memory_space<vmem>>[vector<16xi32>, vector<16xi32>], vector<16xf32>,
        %swap3A_674 = arith.constant 4 : i32
        %swap3A_675 = arith.index_cast %swap3A_674 : i32 to index
        %swap3A_676 = arith.index_cast %multiple_of3A_636 : i32 to index
        %swap3A_677 = tpu.vector_load %arg13[%swap3A_675, %swap3A_676] {strides = array<i32>} : memref<32x256xf32, #tpu.memory_space<vmem>>, vector<16xf32>,
        tpu.vector_store %arg13[%swap3A_675, %swap3A_676], %gather3A_673 {strides = array<i32>} : memref<32x256xf32, #tpu.memory_space<vmem>>, vector<16xf32>,
        %add3A_678 = arith.constant 5 : i32
        %add3A_679 = vector.broadcast %add3A_678 : i32 to vector<16xi32>
        %add3A_680 = arith.addi %get3A_637, %add3A_679 : vector<16xi32>
        %gather3A_681 = tpu.vector_load_idx %arg11[%add3A_633, %add3A_680] : memref<256x128xf32, #tpu.memory_space<vmem>>[vector<16xi32>, vector<16xi32>], vector<16xf32>,
        %swap3A_682 = arith.constant 5 : i32
        %swap3A_683 = arith.index_cast %swap3A_682 : i32 to index
        %swap3A_684 = arith.index_cast %multiple_of3A_636 : i32 to index
        %swap3A_685 = tpu.vector_load %arg13[%swap3A_683, %swap3A_684] {strides = array<i32>} : memref<32x256xf32, #tpu.memory_space<vmem>>, vector<16xf32>,
        tpu.vector_store %arg13[%swap3A_683, %swap3A_684], %gather3A_681 {strides = array<i32>} : memref<32x256xf32, #tpu.memory_space<vmem>>, vector<16xf32>,
        %add3A_686 = arith.constant 6 : i32
        %add3A_687 = vector.broadcast %add3A_686 : i32 to vector<16xi32>
        %add3A_688 = arith.addi %get3A_637, %add3A_687 : vector<16xi32>
        %gather3A_689 = tpu.vector_load_idx %arg11[%add3A_633, %add3A_688] : memref<256x128xf32, #tpu.memory_space<vmem>>[vector<16xi32>, vector<16xi32>], vector<16xf32>,
        %swap3A_690 = arith.constant 6 : i32
        %swap3A_691 = arith.index_cast %swap3A_690 : i32 to index
        %swap3A_692 = arith.index_cast %multiple_of3A_636 : i32 to index
        %swap3A_693 = tpu.vector_load %arg13[%swap3A_691, %swap3A_692] {strides = array<i32>} : memref<32x256xf32, #tpu.memory_space<vmem>>, vector<16xf32>,
        tpu.vector_store %arg13[%swap3A_691, %swap3A_692], %gather3A_689 {strides = array<i32>} : memref<32x256xf32, #tpu.memory_space<vmem>>, vector<16xf32>,
        %add3A_694 = arith.constant 7 : i32
        %add3A_695 = vector.broadcast %add3A_694 : i32 to vector<16xi32>
        %add3A_696 = arith.addi %get3A_637, %add3A_695 : vector<16xi32>
        %gather3A_697 = tpu.vector_load_idx %arg11[%add3A_633, %add3A_696] : memref<256x128xf32, #tpu.memory_space<vmem>>[vector<16xi32>, vector<16xi32>], vector<16xf32>,
        %swap3A_698 = arith.constant 7 : i32
        %swap3A_699 = arith.index_cast %swap3A_698 : i32 to index
        %swap3A_700 = arith.index_cast %multiple_of3A_636 : i32 to index
        %swap3A_701 = tpu.vector_load %arg13[%swap3A_699, %swap3A_700] {strides = array<i32>} : memref<32x256xf32, #tpu.memory_space<vmem>>, vector<16xf32>,
        tpu.vector_store %arg13[%swap3A_699, %swap3A_700], %gather3A_697 {strides = array<i32>} : memref<32x256xf32, #tpu.memory_space<vmem>>, vector<16xf32>,
        %add3A_702 = arith.constant 8 : i32
        %add3A_703 = vector.broadcast %add3A_702 : i32 to vector<16xi32>
        %add3A_704 = arith.addi %get3A_637, %add3A_703 : vector<16xi32>
        %gather3A_705 = tpu.vector_load_idx %arg11[%add3A_633, %add3A_704] : memref<256x128xf32, #tpu.memory_space<vmem>>[vector<16xi32>, vector<16xi32>], vector<16xf32>,
        %swap3A_706 = arith.constant 8 : i32
        %swap3A_707 = arith.index_cast %swap3A_706 : i32 to index
        %swap3A_708 = arith.index_cast %multiple_of3A_636 : i32 to index
        %swap3A_709 = tpu.vector_load %arg13[%swap3A_707, %swap3A_708] {strides = array<i32>} : memref<32x256xf32, #tpu.memory_space<vmem>>, vector<16xf32>,
        tpu.vector_store %arg13[%swap3A_707, %swap3A_708], %gather3A_705 {strides = array<i32>} : memref<32x256xf32, #tpu.memory_space<vmem>>, vector<16xf32>,
        %add3A_710 = arith.constant 9 : i32
        %add3A_711 = vector.broadcast %add3A_710 : i32 to vector<16xi32>
        %add3A_712 = arith.addi %get3A_637, %add3A_711 : vector<16xi32>
        %gather3A_713 = tpu.vector_load_idx %arg11[%add3A_633, %add3A_712] : memref<256x128xf32, #tpu.memory_space<vmem>>[vector<16xi32>, vector<16xi32>], vector<16xf32>,
        %swap3A_714 = arith.constant 9 : i32
        %swap3A_715 = arith.index_cast %swap3A_714 : i32 to index
        %swap3A_716 = arith.index_cast %multiple_of3A_636 : i32 to index
        %swap3A_717 = tpu.vector_load %arg13[%swap3A_715, %swap3A_716] {strides = array<i32>} : memref<32x256xf32, #tpu.memory_space<vmem>>, vector<16xf32>,
        tpu.vector_store %arg13[%swap3A_715, %swap3A_716], %gather3A_713 {strides = array<i32>} : memref<32x256xf32, #tpu.memory_space<vmem>>, vector<16xf32>,
        %add3A_718 = arith.constant 10 : i32
        %add3A_719 = vector.broadcast %add3A_718 : i32 to vector<16xi32>
        %add3A_720 = arith.addi %get3A_637, %add3A_719 : vector<16xi32>
        %gather3A_721 = tpu.vector_load_idx %arg11[%add3A_633, %add3A_720] : memref<256x128xf32, #tpu.memory_space<vmem>>[vector<16xi32>, vector<16xi32>], vector<16xf32>,
        %swap3A_722 = arith.constant 10 : i32
        %swap3A_723 = arith.index_cast %swap3A_722 : i32 to index
        %swap3A_724 = arith.index_cast %multiple_of3A_636 : i32 to index
        %swap3A_725 = tpu.vector_load %arg13[%swap3A_723, %swap3A_724] {strides = array<i32>} : memref<32x256xf32, #tpu.memory_space<vmem>>, vector<16xf32>,
        tpu.vector_store %arg13[%swap3A_723, %swap3A_724], %gather3A_721 {strides = array<i32>} : memref<32x256xf32, #tpu.memory_space<vmem>>, vector<16xf32>,
        %add3A_726 = arith.constant 11 : i32
        %add3A_727 = vector.broadcast %add3A_726 : i32 to vector<16xi32>
        %add3A_728 = arith.addi %get3A_637, %add3A_727 : vector<16xi32>
        %gather3A_729 = tpu.vector_load_idx %arg11[%add3A_633, %add3A_728] : memref<256x128xf32, #tpu.memory_space<vmem>>[vector<16xi32>, vector<16xi32>], vector<16xf32>,
        %swap3A_730 = arith.constant 11 : i32
        %swap3A_731 = arith.index_cast %swap3A_730 : i32 to index
        %swap3A_732 = arith.index_cast %multiple_of3A_636 : i32 to index
        %swap3A_733 = tpu.vector_load %arg13[%swap3A_731, %swap3A_732] {strides = array<i32>} : memref<32x256xf32, #tpu.memory_space<vmem>>, vector<16xf32>,
        tpu.vector_store %arg13[%swap3A_731, %swap3A_732], %gather3A_729 {strides = array<i32>} : memref<32x256xf32, #tpu.memory_space<vmem>>, vector<16xf32>,
        %add3A_734 = arith.constant 12 : i32
        %add3A_735 = vector.broadcast %add3A_734 : i32 to vector<16xi32>
        %add3A_736 = arith.addi %get3A_637, %add3A_735 : vector<16xi32>
        %gather3A_737 = tpu.vector_load_idx %arg11[%add3A_633, %add3A_736] : memref<256x128xf32, #tpu.memory_space<vmem>>[vector<16xi32>, vector<16xi32>], vector<16xf32>,
        %swap3A_738 = arith.constant 12 : i32
        %swap3A_739 = arith.index_cast %swap3A_738 : i32 to index
        %swap3A_740 = arith.index_cast %multiple_of3A_636 : i32 to index
        %swap3A_741 = tpu.vector_load %arg13[%swap3A_739, %swap3A_740] {strides = array<i32>} : memref<32x256xf32, #tpu.memory_space<vmem>>, vector<16xf32>,
        tpu.vector_store %arg13[%swap3A_739, %swap3A_740], %gather3A_737 {strides = array<i32>} : memref<32x256xf32, #tpu.memory_space<vmem>>, vector<16xf32>,
        %add3A_742 = arith.constant 13 : i32
        %add3A_743 = vector.broadcast %add3A_742 : i32 to vector<16xi32>
        %add3A_744 = arith.addi %get3A_637, %add3A_743 : vector<16xi32>
        %gather3A_745 = tpu.vector_load_idx %arg11[%add3A_633, %add3A_744] : memref<256x128xf32, #tpu.memory_space<vmem>>[vector<16xi32>, vector<16xi32>], vector<16xf32>,
        %swap3A_746 = arith.constant 13 : i32
        %swap3A_747 = arith.index_cast %swap3A_746 : i32 to index
        %swap3A_748 = arith.index_cast %multiple_of3A_636 : i32 to index
        %swap3A_749 = tpu.vector_load %arg13[%swap3A_747, %swap3A_748] {strides = array<i32>} : memref<32x256xf32, #tpu.memory_space<vmem>>, vector<16xf32>,
        tpu.vector_store %arg13[%swap3A_747, %swap3A_748], %gather3A_745 {strides = array<i32>} : memref<32x256xf32, #tpu.memory_space<vmem>>, vector<16xf32>,
        %add3A_750 = arith.constant 14 : i32
        %add3A_751 = vector.broadcast %add3A_750 : i32 to vector<16xi32>
        %add3A_752 = arith.addi %get3A_637, %add3A_751 : vector<16xi32>
        %gather3A_753 = tpu.vector_load_idx %arg11[%add3A_633, %add3A_752] : memref<256x128xf32, #tpu.memory_space<vmem>>[vector<16xi32>, vector<16xi32>], vector<16xf32>,
        %swap3A_754 = arith.constant 14 : i32
        %swap3A_755 = arith.index_cast %swap3A_754 : i32 to index
        %swap3A_756 = arith.index_cast %multiple_of3A_636 : i32 to index
        %swap3A_757 = tpu.vector_load %arg13[%swap3A_755, %swap3A_756] {strides = array<i32>} : memref<32x256xf32, #tpu.memory_space<vmem>>, vector<16xf32>,
        tpu.vector_store %arg13[%swap3A_755, %swap3A_756], %gather3A_753 {strides = array<i32>} : memref<32x256xf32, #tpu.memory_space<vmem>>, vector<16xf32>,
        %add3A_758 = arith.constant 15 : i32
        %add3A_759 = vector.broadcast %add3A_758 : i32 to vector<16xi32>
        %add3A_760 = arith.addi %get3A_637, %add3A_759 : vector<16xi32>
        %gather3A_761 = tpu.vector_load_idx %arg11[%add3A_633, %add3A_760] : memref<256x128xf32, #tpu.memory_space<vmem>>[vector<16xi32>, vector<16xi32>], vector<16xf32>,
        %swap3A_762 = arith.constant 15 : i32
        %swap3A_763 = arith.index_cast %swap3A_762 : i32 to index
        %swap3A_764 = arith.index_cast %multiple_of3A_636 : i32 to index
        %swap3A_765 = tpu.vector_load %arg13[%swap3A_763, %swap3A_764] {strides = array<i32>} : memref<32x256xf32, #tpu.memory_space<vmem>>, vector<16xf32>,
        tpu.vector_store %arg13[%swap3A_763, %swap3A_764], %gather3A_761 {strides = array<i32>} : memref<32x256xf32, #tpu.memory_space<vmem>>, vector<16xf32>,
        %add3A_766 = arith.constant 16 : i32
        %add3A_767 = vector.broadcast %add3A_766 : i32 to vector<16xi32>
        %add3A_768 = arith.addi %get3A_637, %add3A_767 : vector<16xi32>
        %gather3A_769 = tpu.vector_load_idx %arg11[%add3A_633, %add3A_768] : memref<256x128xf32, #tpu.memory_space<vmem>>[vector<16xi32>, vector<16xi32>], vector<16xf32>,
        %swap3A_770 = arith.constant 16 : i32
        %swap3A_771 = arith.index_cast %swap3A_770 : i32 to index
        %swap3A_772 = arith.index_cast %multiple_of3A_636 : i32 to index
        %swap3A_773 = tpu.vector_load %arg13[%swap3A_771, %swap3A_772] {strides = array<i32>} : memref<32x256xf32, #tpu.memory_space<vmem>>, vector<16xf32>,
        tpu.vector_store %arg13[%swap3A_771, %swap3A_772], %gather3A_769 {strides = array<i32>} : memref<32x256xf32, #tpu.memory_space<vmem>>, vector<16xf32>,
        %add3A_774 = arith.constant 17 : i32
        %add3A_775 = vector.broadcast %add3A_774 : i32 to vector<16xi32>
        %add3A_776 = arith.addi %get3A_637, %add3A_775 : vector<16xi32>
        %gather3A_777 = tpu.vector_load_idx %arg11[%add3A_633, %add3A_776] : memref<256x128xf32, #tpu.memory_space<vmem>>[vector<16xi32>, vector<16xi32>], vector<16xf32>,
        %swap3A_778 = arith.constant 17 : i32
        %swap3A_779 = arith.index_cast %swap3A_778 : i32 to index
        %swap3A_780 = arith.index_cast %multiple_of3A_636 : i32 to index
        %swap3A_781 = tpu.vector_load %arg13[%swap3A_779, %swap3A_780] {strides = array<i32>} : memref<32x256xf32, #tpu.memory_space<vmem>>, vector<16xf32>,
        tpu.vector_store %arg13[%swap3A_779, %swap3A_780], %gather3A_777 {strides = array<i32>} : memref<32x256xf32, #tpu.memory_space<vmem>>, vector<16xf32>,
        %add3A_782 = arith.constant 18 : i32
        %add3A_783 = vector.broadcast %add3A_782 : i32 to vector<16xi32>
        %add3A_784 = arith.addi %get3A_637, %add3A_783 : vector<16xi32>
        %gather3A_785 = tpu.vector_load_idx %arg11[%add3A_633, %add3A_784] : memref<256x128xf32, #tpu.memory_space<vmem>>[vector<16xi32>, vector<16xi32>], vector<16xf32>,
        %swap3A_786 = arith.constant 18 : i32
        %swap3A_787 = arith.index_cast %swap3A_786 : i32 to index
        %swap3A_788 = arith.index_cast %multiple_of3A_636 : i32 to index
        %swap3A_789 = tpu.vector_load %arg13[%swap3A_787, %swap3A_788] {strides = array<i32>} : memref<32x256xf32, #tpu.memory_space<vmem>>, vector<16xf32>,
        tpu.vector_store %arg13[%swap3A_787, %swap3A_788], %gather3A_785 {strides = array<i32>} : memref<32x256xf32, #tpu.memory_space<vmem>>, vector<16xf32>,
        %add3A_790 = arith.constant 19 : i32
        %add3A_791 = vector.broadcast %add3A_790 : i32 to vector<16xi32>
        %add3A_792 = arith.addi %get3A_637, %add3A_791 : vector<16xi32>
        %gather3A_793 = tpu.vector_load_idx %arg11[%add3A_633, %add3A_792] : memref<256x128xf32, #tpu.memory_space<vmem>>[vector<16xi32>, vector<16xi32>], vector<16xf32>,
        %swap3A_794 = arith.constant 19 : i32
        %swap3A_795 = arith.index_cast %swap3A_794 : i32 to index
        %swap3A_796 = arith.index_cast %multiple_of3A_636 : i32 to index
        %swap3A_797 = tpu.vector_load %arg13[%swap3A_795, %swap3A_796] {strides = array<i32>} : memref<32x256xf32, #tpu.memory_space<vmem>>, vector<16xf32>,
        tpu.vector_store %arg13[%swap3A_795, %swap3A_796], %gather3A_793 {strides = array<i32>} : memref<32x256xf32, #tpu.memory_space<vmem>>, vector<16xf32>,
        %add3A_798 = arith.constant 20 : i32
        %add3A_799 = vector.broadcast %add3A_798 : i32 to vector<16xi32>
        %add3A_800 = arith.addi %get3A_637, %add3A_799 : vector<16xi32>
        %gather3A_801 = tpu.vector_load_idx %arg11[%add3A_633, %add3A_800] : memref<256x128xf32, #tpu.memory_space<vmem>>[vector<16xi32>, vector<16xi32>], vector<16xf32>,
        %swap3A_802 = arith.constant 20 : i32
        %swap3A_803 = arith.index_cast %swap3A_802 : i32 to index
        %swap3A_804 = arith.index_cast %multiple_of3A_636 : i32 to index
        %swap3A_805 = tpu.vector_load %arg13[%swap3A_803, %swap3A_804] {strides = array<i32>} : memref<32x256xf32, #tpu.memory_space<vmem>>, vector<16xf32>,
        tpu.vector_store %arg13[%swap3A_803, %swap3A_804], %gather3A_801 {strides = array<i32>} : memref<32x256xf32, #tpu.memory_space<vmem>>, vector<16xf32>,
        %add3A_806 = arith.constant 21 : i32
        %add3A_807 = vector.broadcast %add3A_806 : i32 to vector<16xi32>
        %add3A_808 = arith.addi %get3A_637, %add3A_807 : vector<16xi32>
        %gather3A_809 = tpu.vector_load_idx %arg11[%add3A_633, %add3A_808] : memref<256x128xf32, #tpu.memory_space<vmem>>[vector<16xi32>, vector<16xi32>], vector<16xf32>,
        %swap3A_810 = arith.constant 21 : i32
        %swap3A_811 = arith.index_cast %swap3A_810 : i32 to index
        %swap3A_812 = arith.index_cast %multiple_of3A_636 : i32 to index
        %swap3A_813 = tpu.vector_load %arg13[%swap3A_811, %swap3A_812] {strides = array<i32>} : memref<32x256xf32, #tpu.memory_space<vmem>>, vector<16xf32>,
        tpu.vector_store %arg13[%swap3A_811, %swap3A_812], %gather3A_809 {strides = array<i32>} : memref<32x256xf32, #tpu.memory_space<vmem>>, vector<16xf32>,
        %add3A_814 = arith.constant 22 : i32
        %add3A_815 = vector.broadcast %add3A_814 : i32 to vector<16xi32>
        %add3A_816 = arith.addi %get3A_637, %add3A_815 : vector<16xi32>
        %gather3A_817 = tpu.vector_load_idx %arg11[%add3A_633, %add3A_816] : memref<256x128xf32, #tpu.memory_space<vmem>>[vector<16xi32>, vector<16xi32>], vector<16xf32>,
        %swap3A_818 = arith.constant 22 : i32
        %swap3A_819 = arith.index_cast %swap3A_818 : i32 to index
        %swap3A_820 = arith.index_cast %multiple_of3A_636 : i32 to index
        %swap3A_821 = tpu.vector_load %arg13[%swap3A_819, %swap3A_820] {strides = array<i32>} : memref<32x256xf32, #tpu.memory_space<vmem>>, vector<16xf32>,
        tpu.vector_store %arg13[%swap3A_819, %swap3A_820], %gather3A_817 {strides = array<i32>} : memref<32x256xf32, #tpu.memory_space<vmem>>, vector<16xf32>,
        %add3A_822 = arith.constant 23 : i32
        %add3A_823 = vector.broadcast %add3A_822 : i32 to vector<16xi32>
        %add3A_824 = arith.addi %get3A_637, %add3A_823 : vector<16xi32>
        %gather3A_825 = tpu.vector_load_idx %arg11[%add3A_633, %add3A_824] : memref<256x128xf32, #tpu.memory_space<vmem>>[vector<16xi32>, vector<16xi32>], vector<16xf32>,
        %swap3A_826 = arith.constant 23 : i32
        %swap3A_827 = arith.index_cast %swap3A_826 : i32 to index
        %swap3A_828 = arith.index_cast %multiple_of3A_636 : i32 to index
        %swap3A_829 = tpu.vector_load %arg13[%swap3A_827, %swap3A_828] {strides = array<i32>} : memref<32x256xf32, #tpu.memory_space<vmem>>, vector<16xf32>,
        tpu.vector_store %arg13[%swap3A_827, %swap3A_828], %gather3A_825 {strides = array<i32>} : memref<32x256xf32, #tpu.memory_space<vmem>>, vector<16xf32>,
        %add3A_830 = arith.constant 24 : i32
        %add3A_831 = vector.broadcast %add3A_830 : i32 to vector<16xi32>
        %add3A_832 = arith.addi %get3A_637, %add3A_831 : vector<16xi32>
        %gather3A_833 = tpu.vector_load_idx %arg11[%add3A_633, %add3A_832] : memref<256x128xf32, #tpu.memory_space<vmem>>[vector<16xi32>, vector<16xi32>], vector<16xf32>,
        %swap3A_834 = arith.constant 24 : i32
        %swap3A_835 = arith.index_cast %swap3A_834 : i32 to index
        %swap3A_836 = arith.index_cast %multiple_of3A_636 : i32 to index
        %swap3A_837 = tpu.vector_load %arg13[%swap3A_835, %swap3A_836] {strides = array<i32>} : memref<32x256xf32, #tpu.memory_space<vmem>>, vector<16xf32>,
        tpu.vector_store %arg13[%swap3A_835, %swap3A_836], %gather3A_833 {strides = array<i32>} : memref<32x256xf32, #tpu.memory_space<vmem>>, vector<16xf32>,
        %add3A_838 = arith.constant 25 : i32
        %add3A_839 = vector.broadcast %add3A_838 : i32 to vector<16xi32>
        %add3A_840 = arith.addi %get3A_637, %add3A_839 : vector<16xi32>
        %gather3A_841 = tpu.vector_load_idx %arg11[%add3A_633, %add3A_840] : memref<256x128xf32, #tpu.memory_space<vmem>>[vector<16xi32>, vector<16xi32>], vector<16xf32>,
        %swap3A_842 = arith.constant 25 : i32
        %swap3A_843 = arith.index_cast %swap3A_842 : i32 to index
        %swap3A_844 = arith.index_cast %multiple_of3A_636 : i32 to index
        %swap3A_845 = tpu.vector_load %arg13[%swap3A_843, %swap3A_844] {strides = array<i32>} : memref<32x256xf32, #tpu.memory_space<vmem>>, vector<16xf32>,
        tpu.vector_store %arg13[%swap3A_843, %swap3A_844], %gather3A_841 {strides = array<i32>} : memref<32x256xf32, #tpu.memory_space<vmem>>, vector<16xf32>,
        %add3A_846 = arith.constant 26 : i32
        %add3A_847 = vector.broadcast %add3A_846 : i32 to vector<16xi32>
        %add3A_848 = arith.addi %get3A_637, %add3A_847 : vector<16xi32>
        %gather3A_849 = tpu.vector_load_idx %arg11[%add3A_633, %add3A_848] : memref<256x128xf32, #tpu.memory_space<vmem>>[vector<16xi32>, vector<16xi32>], vector<16xf32>,
        %swap3A_850 = arith.constant 26 : i32
        %swap3A_851 = arith.index_cast %swap3A_850 : i32 to index
        %swap3A_852 = arith.index_cast %multiple_of3A_636 : i32 to index
        %swap3A_853 = tpu.vector_load %arg13[%swap3A_851, %swap3A_852] {strides = array<i32>} : memref<32x256xf32, #tpu.memory_space<vmem>>, vector<16xf32>,
        tpu.vector_store %arg13[%swap3A_851, %swap3A_852], %gather3A_849 {strides = array<i32>} : memref<32x256xf32, #tpu.memory_space<vmem>>, vector<16xf32>,
        %add3A_854 = arith.constant 27 : i32
        %add3A_855 = vector.broadcast %add3A_854 : i32 to vector<16xi32>
        %add3A_856 = arith.addi %get3A_637, %add3A_855 : vector<16xi32>
        %gather3A_857 = tpu.vector_load_idx %arg11[%add3A_633, %add3A_856] : memref<256x128xf32, #tpu.memory_space<vmem>>[vector<16xi32>, vector<16xi32>], vector<16xf32>,
        %swap3A_858 = arith.constant 27 : i32
        %swap3A_859 = arith.index_cast %swap3A_858 : i32 to index
        %swap3A_860 = arith.index_cast %multiple_of3A_636 : i32 to index
        %swap3A_861 = tpu.vector_load %arg13[%swap3A_859, %swap3A_860] {strides = array<i32>} : memref<32x256xf32, #tpu.memory_space<vmem>>, vector<16xf32>,
        tpu.vector_store %arg13[%swap3A_859, %swap3A_860], %gather3A_857 {strides = array<i32>} : memref<32x256xf32, #tpu.memory_space<vmem>>, vector<16xf32>,
        %add3A_862 = arith.constant 28 : i32
        %add3A_863 = vector.broadcast %add3A_862 : i32 to vector<16xi32>
        %add3A_864 = arith.addi %get3A_637, %add3A_863 : vector<16xi32>
        %gather3A_865 = tpu.vector_load_idx %arg11[%add3A_633, %add3A_864] : memref<256x128xf32, #tpu.memory_space<vmem>>[vector<16xi32>, vector<16xi32>], vector<16xf32>,
        %swap3A_866 = arith.constant 28 : i32
        %swap3A_867 = arith.index_cast %swap3A_866 : i32 to index
        %swap3A_868 = arith.index_cast %multiple_of3A_636 : i32 to index
        %swap3A_869 = tpu.vector_load %arg13[%swap3A_867, %swap3A_868] {strides = array<i32>} : memref<32x256xf32, #tpu.memory_space<vmem>>, vector<16xf32>,
        tpu.vector_store %arg13[%swap3A_867, %swap3A_868], %gather3A_865 {strides = array<i32>} : memref<32x256xf32, #tpu.memory_space<vmem>>, vector<16xf32>,
        %add3A_870 = arith.constant 29 : i32
        %add3A_871 = vector.broadcast %add3A_870 : i32 to vector<16xi32>
        %add3A_872 = arith.addi %get3A_637, %add3A_871 : vector<16xi32>
        %gather3A_873 = tpu.vector_load_idx %arg11[%add3A_633, %add3A_872] : memref<256x128xf32, #tpu.memory_space<vmem>>[vector<16xi32>, vector<16xi32>], vector<16xf32>,
        %swap3A_874 = arith.constant 29 : i32
        %swap3A_875 = arith.index_cast %swap3A_874 : i32 to index
        %swap3A_876 = arith.index_cast %multiple_of3A_636 : i32 to index
        %swap3A_877 = tpu.vector_load %arg13[%swap3A_875, %swap3A_876] {strides = array<i32>} : memref<32x256xf32, #tpu.memory_space<vmem>>, vector<16xf32>,
        tpu.vector_store %arg13[%swap3A_875, %swap3A_876], %gather3A_873 {strides = array<i32>} : memref<32x256xf32, #tpu.memory_space<vmem>>, vector<16xf32>,
        %add3A_878 = arith.constant 30 : i32
        %add3A_879 = vector.broadcast %add3A_878 : i32 to vector<16xi32>
        %add3A_880 = arith.addi %get3A_637, %add3A_879 : vector<16xi32>
        %gather3A_881 = tpu.vector_load_idx %arg11[%add3A_633, %add3A_880] : memref<256x128xf32, #tpu.memory_space<vmem>>[vector<16xi32>, vector<16xi32>], vector<16xf32>,
        %swap3A_882 = arith.constant 30 : i32
        %swap3A_883 = arith.index_cast %swap3A_882 : i32 to index
        %swap3A_884 = arith.index_cast %multiple_of3A_636 : i32 to index
        %swap3A_885 = tpu.vector_load %arg13[%swap3A_883, %swap3A_884] {strides = array<i32>} : memref<32x256xf32, #tpu.memory_space<vmem>>, vector<16xf32>,
        tpu.vector_store %arg13[%swap3A_883, %swap3A_884], %gather3A_881 {strides = array<i32>} : memref<32x256xf32, #tpu.memory_space<vmem>>, vector<16xf32>,
        %add3A_886 = arith.constant 31 : i32
        %add3A_887 = vector.broadcast %add3A_886 : i32 to vector<16xi32>
        %add3A_888 = arith.addi %get3A_637, %add3A_887 : vector<16xi32>
        %gather3A_889 = tpu.vector_load_idx %arg11[%add3A_633, %add3A_888] : memref<256x128xf32, #tpu.memory_space<vmem>>[vector<16xi32>, vector<16xi32>], vector<16xf32>,
        %swap3A_890 = arith.constant 31 : i32
        %swap3A_891 = arith.index_cast %swap3A_890 : i32 to index
        %swap3A_892 = arith.index_cast %multiple_of3A_636 : i32 to index
        %swap3A_893 = tpu.vector_load %arg13[%swap3A_891, %swap3A_892] {strides = array<i32>} : memref<32x256xf32, #tpu.memory_space<vmem>>, vector<16xf32>,
        tpu.vector_store %arg13[%swap3A_891, %swap3A_892], %gather3A_889 {strides = array<i32>} : memref<32x256xf32, #tpu.memory_space<vmem>>, vector<16xf32>,
      }
      %scan3A_620 = arith.constant 16 : i32
      %add3A_621 = arith.constant 256 : i32
      %add3A_622 = arith.addi %multiple_of3A, %add3A_621 : i32
      %dma_start3A_623 = arith.constant 0 : i32
      %dma_start3A_624 = tpu.memref_slice %arg4[%scan3A_296, %dma_start3A_623, %add3A_622] : memref<50x32x16384xf32, #tpu.memory_space<hbm>> -> memref<1x32x256xf32, #tpu.memory_space<hbm>>
      %dma_start3A_625 = tpu.memref_squeeze %dma_start3A_624 : memref<1x32x256xf32, #tpu.memory_space<hbm>> -> memref<32x256xf32, #tpu.memory_space<hbm>>
      %dma_start3A_626 = arith.constant 0 : i32
      %dma_start3A_627 = tpu.memref_slice %arg4[%scan3A_296, %dma_start3A_626, %add3A_622] : memref<50x32x16384xf32, #tpu.memory_space<hbm>> -> memref<1x32x256xf32, #tpu.memory_space<hbm>>
      %dma_start3A_628 = tpu.memref_squeeze %dma_start3A_627 : memref<1x32x256xf32, #tpu.memory_space<hbm>> -> memref<32x256xf32, #tpu.memory_space<hbm>>
      tpu.enqueue_dma source(%arg13 : memref<32x256xf32, #tpu.memory_space<vmem>>) target(%dma_start3A_628 : memref<32x256xf32, #tpu.memory_space<hbm>>) target_semaphore(%arg17 : memref<!tpu.dma_semaphore, #tpu.memory_space<semaphore_mem>>)
    }
    %scan3A_280 = arith.constant 50 : i32
    %dma_wait3A = arith.constant 0 : i32
    %dma_wait3A_281 = arith.constant 0 : i32
    %dma_wait3A_282 = tpu.memref_slice %arg4[%dma_wait3A, %dma_wait3A_281, %multiple_of3A] : memref<50x32x16384xf32, #tpu.memory_space<hbm>> -> memref<1x32x256xf32, #tpu.memory_space<hbm>>
    %dma_wait3A_283 = tpu.memref_squeeze %dma_wait3A_282 : memref<1x32x256xf32, #tpu.memory_space<hbm>> -> memref<32x256xf32, #tpu.memory_space<hbm>>
    %dma_wait3A_284 = arith.constant 0 : i32
    %dma_wait3A_285 = tpu.memref_slice %arg4[%dma_wait3A, %dma_wait3A_284, %multiple_of3A] : memref<50x32x16384xf32, #tpu.memory_space<hbm>> -> memref<1x32x256xf32, #tpu.memory_space<hbm>>
    %dma_wait3A_286 = tpu.memref_squeeze %dma_wait3A_285 : memref<1x32x256xf32, #tpu.memory_space<hbm>> -> memref<32x256xf32, #tpu.memory_space<hbm>>
    tpu.wait_dma2 semaphore(%arg16 : memref<!tpu.dma_semaphore, #tpu.memory_space<semaphore_mem>>) src(%arg12 : memref<32x256xf32, #tpu.memory_space<vmem>>) dst(%dma_wait3A_286 : memref<32x256xf32, #tpu.memory_space<hbm>>)
    %add3A_287 = arith.constant 256 : i32
    %add3A_288 = arith.addi %multiple_of3A, %add3A_287 : i32
    %dma_wait3A_289 = arith.constant 0 : i32
    %dma_wait3A_290 = arith.constant 0 : i32
    %dma_wait3A_291 = tpu.memref_slice %arg4[%dma_wait3A_289, %dma_wait3A_290, %add3A_288] : memref<50x32x16384xf32, #tpu.memory_space<hbm>> -> memref<1x32x256xf32, #tpu.memory_space<hbm>>
    %dma_wait3A_292 = tpu.memref_squeeze %dma_wait3A_291 : memref<1x32x256xf32, #tpu.memory_space<hbm>> -> memref<32x256xf32, #tpu.memory_space<hbm>>
    %dma_wait3A_293 = arith.constant 0 : i32
    %dma_wait3A_294 = tpu.memref_slice %arg4[%dma_wait3A_289, %dma_wait3A_293, %add3A_288] : memref<50x32x16384xf32, #tpu.memory_space<hbm>> -> memref<1x32x256xf32, #tpu.memory_space<hbm>>
    %dma_wait3A_295 = tpu.memref_squeeze %dma_wait3A_294 : memref<1x32x256xf32, #tpu.memory_space<hbm>> -> memref<32x256xf32, #tpu.memory_space<hbm>>
    tpu.wait_dma2 semaphore(%arg17 : memref<!tpu.dma_semaphore, #tpu.memory_space<semaphore_mem>>) src(%arg13 : memref<32x256xf32, #tpu.memory_space<vmem>>) dst(%dma_wait3A_295 : memref<32x256xf32, #tpu.memory_space<hbm>>)
    return
  }
}

</mosaic_0001>

<sc_bundles>
// kernel: kernel.3.cloned.1.call-start
scs
__scs_entry_jumppad:
0x0: {  	(pc) =	sbr.rel $0x88, $3  }
0x1: {  	(tag) =	ssettag $0x0;
	lr =	simm.s32 $0x1  }
0x2: {  	[smem:$0x3F9F] =	sst lr;
	_ =	strace $0xD0000000  }
0x3: {  	_ = 	snop  }
0x4: {  	_ = 	snop  }
0x5: {  	_ = 	snop  }
0x6: {  	_ = 	snop  }
0x7: {  	_ = 	snop  }
__scs_overlays_trampoline_lowered:
0x8: {  	[smem:$0x3FAE] =	sst s0  }
0x9: {  	[smem:$0x3FAF] =	sst s1  }
0xa: {  	[smem:$0x3FB0] =	sst s2  }
0xb: {  	[smem:$0x3FB1] =	sst s3  }
0xc: {  	[smem:$0x3FB2] =	sst s4  }
0xd: {  	[smem:$0x3FB3] =	sst s5  }
0xe: {  	[smem:$0x3FB4] =	sst s6  }
0xf: {  	[smem:$0x3FB5] =	sst s7  }
0x10: {  	[smem:$0x3FB6] =	sst s8  }
0x11: {  	[smem:$0x3FB7] =	sst s9;
	s0 =	simm.s32 @!p0 $0x0  }
0x12: {  	s1 =	sld [smem:$0x3F9D];
	s0 =	simm.s32 @p0 $0x1  }
0x13: {  	[smem:$0x3FB8] =	sst s0;
	s0 =	simm.s32 @!p1 $0x0  }
0x14: {  	s2 =	sld [smem:$0x3F9C];
	s0 =	simm.s32 @p1 $0x1  }
0x15: {  	[smem:$0x3FB9] =	sst s0;
	s0 =	simm.s32 @!p2 $0x0  }
0x16: {  	s3 =	sld [smem:$0x3FDB];
	s0 =	simm.s32 @p2 $0x1  }
0x17: {  	s4 =	simm.s32 $0x1BF5;
	[smem:$0x3FBB] =	sst s0  }
0x18: {  	s0 =	sld [smem:$0x3F9E];
	_ =	swait.ge [sflag:s4], $0x0  }
0x19: {  	s7 =	sld [smem:$0x3F9F]  }
0x1a: {  	s8 =	sadd.s32 $0xFFFFE003, lr  }
0x1b: {  	s9 =	sadd.s32 $0xFFFFFEF7, lr;
	s5 =	simm.s32 $0xFFFFFFFF;
	p2 =	slt.u32 s8, $0xFFFFF086  }
0x1c: {  	p1 =	slt.u32 s9, $0xF7A;
	s5 =	simm.s32 @!p2 $0x0  }
0x1d: {  	s5 =	simm.s32 @p1 $0x1;
	p0 =	seq.s32 s7, s2  }
0x1e: {  	s7 =	smul.u32 @!p0 $0xF7A, s2;
	p2 =	seq.s32 @!p0 s5, $0x0  }
0x1f: {  	s9 =	smul.u32 $0xF7A, s1;
	s8 =	simm.s32 @!p0 $0x1BF5;
	p2 =	por !p2, p0  }
0x20: {  	[sflag:s8] =	ssyncset.s32 @!p0 $0xFFFFF086;
	s6 =	sadd.s32 @!p0 s3, s7;
	s7 =	simm.s32 @!p0 $0x108  }
0x21: {  	s3 =	sadd.s32 s3, s9;
	s6 =	sadd.s32 @!p0 $0x88, s6;
	s7 =	simm.s32 @p2 $0x1082  }
0x22: {  	[simem:s7], [sflag:s8] =	dma.local @!p0 [hbm:s6], $0xF7A  }
0x23: {  	s9 =	sor.u32 $0xD0000000, s2;
	s6 =	simm.s32 $0x108;
	_ =	swait.ge @!p0 [sflag:s8], $0x0  }
0x24: {  	s3 =	sadd.s32 $0x88, s3;
	s6 =	simm.s32 @!p1 $0x1082;
	[sflag:s4] =	ssyncset.s32 $0xFFFFF086  }
0x25: {  	[simem:s6], [sflag:s4] =	dma.local [hbm:s3], $0xF7A  }
0x26: {  	[smem:$0x3F9F] =	sst s1;
	(tag) =	ssettag s2;
	_ =	strace s9  }
0x27: {  	s1 =	sld [smem:$0x3FAF]  }
0x28: {  	s2 =	sld [smem:$0x3FB0]  }
0x29: {  	s4 =	sld [smem:$0x3FB2]  }
0x2a: {  	p0 =	seq.s32 s5, $0x0;
	s5 =	sld [smem:$0x3FB3]  }
0x2b: {  	s6 =	sld [smem:$0x3FB4]  }
0x2c: {  	s7 =	sld [smem:$0x3FB5]  }
0x2d: {  	s3 =	simm.s32 $0x108;
	s8 =	sld [smem:$0x3FB6]  }
0x2e: {  	s3 =	simm.s32 @!p0 $0x1082;
	s9 =	sld [smem:$0x3FB7]  }
0x2f: {  	lr =	sadd.s32 s0, s3;
	s0 =	sld [smem:$0x3FAE]  }
0x30: {  	s3 =	sld [smem:$0x3FB1]  }
0x31: {  	[smem:$0x3FBA] =	sst s10  }
0x32: {  	s10 =	sld [smem:$0x3FB8];
	_ =	sdelay $0x3  }
0x33: {  	p0 =	seq.s32 s10, $0x1;
	s10 =	sld [smem:$0x3FBA];
	_ =	sdelay $0x3  }
0x34: {  	[smem:$0x3FBA] =	sst s10  }
0x35: {  	s10 =	sld [smem:$0x3FB9];
	_ =	sdelay $0x3  }
0x36: {  	p1 =	seq.s32 s10, $0x1;
	s10 =	sld [smem:$0x3FBA];
	_ =	sdelay $0x3  }
0x37: {  	[smem:$0x3FBA] =	sst s10  }
0x38: {  	s10 =	sld [smem:$0x3FBB]  }
0x39: {  	_ = 	snop;
	(pc) =	sbr.ind lr, $3  }
0x3a: {  	_ = 	snop  }
0x3b: {  	_ = 	snop  }
0x3c: {  	p2 =	seq.s32 s10, $0x1;
	s10 =	sld [smem:$0x3FBA]  }
0x3d: {  	_ =	shalt  }
0x3e: {  	_ =	shalt  }
0x3f: {  	_ =	shalt  }
0x40: {  	_ =	shalt  }
0x41: {  	_ =	shalt  }
0x42: {  	_ =	shalt  }
0x43: {  	_ =	shalt  }
0x44: {  	_ =	shalt  }
0x45: {  	_ =	shalt  }
0x46: {  	_ =	shalt  }
0x47: {  	_ =	shalt  }
0x48: {  	_ =	shalt  }
0x49: {  	_ =	shalt  }
0x4a: {  	_ =	shalt  }
0x4b: {  	_ =	shalt  }
0x4c: {  	_ =	shalt  }
0x4d: {  	_ =	shalt  }
0x4e: {  	_ =	shalt  }
0x4f: {  	_ =	shalt  }
0x50: {  	_ =	shalt  }
0x51: {  	_ =	shalt  }
0x52: {  	_ =	shalt  }
0x53: {  	_ =	shalt  }
0x54: {  	_ =	shalt  }
0x55: {  	_ =	shalt  }
0x56: {  	_ =	shalt  }
0x57: {  	_ =	shalt  }
0x58: {  	_ =	shalt  }
0x59: {  	_ =	shalt  }
0x5a: {  	_ =	shalt  }
0x5b: {  	_ =	shalt  }
0x5c: {  	_ =	shalt  }
0x5d: {  	_ =	shalt  }
0x5e: {  	_ =	shalt  }
0x5f: {  	_ =	shalt  }
0x60: {  	_ =	shalt  }
0x61: {  	_ =	shalt  }
0x62: {  	_ =	shalt  }
0x63: {  	_ =	shalt  }
0x64: {  	_ =	shalt  }
0x65: {  	_ =	shalt  }
0x66: {  	_ =	shalt  }
0x67: {  	_ =	shalt  }
0x68: {  	_ =	shalt  }
0x69: {  	_ =	shalt  }
0x6a: {  	_ =	shalt  }
0x6b: {  	_ =	shalt  }
0x6c: {  	_ =	shalt  }
0x6d: {  	_ =	shalt  }
0x6e: {  	_ =	shalt  }
0x6f: {  	_ =	shalt  }
0x70: {  	_ =	shalt  }
0x71: {  	_ =	shalt  }
0x72: {  	_ =	shalt  }
0x73: {  	_ =	shalt  }
0x74: {  	_ =	shalt  }
0x75: {  	_ =	shalt  }
0x76: {  	_ =	shalt  }
0x77: {  	_ =	shalt  }
0x78: {  	_ =	shalt  }
0x79: {  	_ =	shalt  }
0x7a: {  	_ =	shalt  }
0x7b: {  	_ =	shalt  }
0x7c: {  	_ =	shalt  }
0x7d: {  	_ =	shalt  }
0x7e: {  	_ =	shalt  }
0x7f: {  	_ =	shalt  }
0x80: {  	_ =	shalt  }
0x81: {  	_ =	shalt  }
0x82: {  	_ =	shalt  }
0x83: {  	_ =	shalt  }
0x84: {  	_ =	shalt  }
0x85: {  	_ =	shalt  }
0x86: {  	_ =	shalt  }
0x87: {  	_ =	shalt  }
.Lfunc_end0:
.L_simem_size_0:
called_computation_lowered:
.L_overlay_start_0:
0x88: {  	s2 =	sld [smem:$0x3FD9]  }
0x89: {  	s3 =	sld [smem:$0x3FFE];
	_ =	sdelay $0x1  }
0x8a: {  	s1 =	srdreg.scid  }
0x8b: {  	s0 =	sand.u32 $0x1, s1  }
0x8c: {  	s17 =	sshll.u32 s0, $0xA;
	s2 =	sadd.s32 s3, s2  }
0x8d: {  	s2 =	sadd.s32 s2, s17  }
0x8e: {  	[smem:$0x3FC6] =	sst s2  }
0x8f: {  	_ = 	snop  }
0x90: {  	s2 =	sld [smem:$0x3FD0];
	(tm) =	ssettm $0x1  }
0x91: {  	s18 =	sld [smem:$0x3FFB];
	_ =	sdelay $0x3  }
0x92: {  	_ =	strace s18  }
0x93: {  	s3 =	sld [smem:$0x3FFC];
	_ =	sdelay $0x3  }
0x94: {  	_ =	strace s3  }
0x95: {  	s3 =	sld [smem:$0x3FFD];
	_ =	sdelay $0x3  }
0x96: {  	_ =	strace s3  }
0x97: {  	_ =	strace $0x8FFFFFFF  }
0x98: {  	s19 =	sld [smem:$0x3FDB];
	_ =	sdelay $0x1  }
0x99: {  	s4 =	simm.s32 $_scs_section_size  }
0x9a: {  	s5 =	simm.s32 $_size__tile_overlayer_lowered;
	s6 =	simm.s32 $_tile_overlayer_lowered  }
0x9b: {  	s22 =	simm.s32 $0x1BFF;
	s21 =	sshll.u32 s6, $0x1;
	s3 =	sadd.s32 s4, s19  }
0x9c: {  	s7 =	simm.s32 $0x0;
	s20 =	sshll.u32 s5, $0x1;
	s5 =	sadd.s32 s21, s3  }
0x9d: {  	[timem:s7], [sflag:s22] =	dma.local [hbm:s5], s20  }
0x9e: {  	_ =	swait.ge [sflag:s22], s20  }
0x9f: {  	s4 =	ssub.s32 $0x0, s20;
	[sflag:s22] =	ssyncset.done $0x0  }
0xa0: {  	[sflag:s22] =	ssyncadd.s32 s4;
	_ =	sdelay $0x1  }
0xa1: {  	s23 =	simm.s32 $0x1B8B  }
0xa2: {  	_ =	swait.ge [sflag:s23], $0x1  }
0xa3: {  	[sflag:s23] =	ssyncset.done $0x0  }
0xa4: {  	s25 =	simm.s32 $0x1B8E;
	s24 =	sld [smem:$0x3FFE];
	[sflag:s23] =	ssyncadd.s32 $0xFFFFFFFF  }
0xa5: {  	s26 =	simm.s32 $execute0_lowered;
	[smem:$0x3FD2] =	sst s25  }
0xa6: {  	s5 =	sshll.u32 s26, $0x1;
	_ =	strace $0x80000046;
	[dreg:$0x1] =	wrdreg $0xFFFFFFFF  }
0xa7: {  	s28 =	simm.s32 $_size_execute0_lowered;
	s3 =	sadd.s32 s3, s5;
	[dreg:$0x0] =	wrdreg $0x0  }
0xa8: {  	s5 =	sshll.u32 s28, $0x1;
	[dreg:$0x2] =	wrdreg s3  }
0xa9: {  	[dreg:$0x3] =	wrdreg s5  }
0xaa: {  	[dreg:$0x4] =	wrdreg $0xC0  }
0xab: {  	_ =	task [dreg:s7], $0x5FFFF  }
0xac: {  	[dreg:$0x1] =	wrdreg $0xFFFFFFFF  }
0xad: {  	[dreg:$0x0] =	wrdreg $0x60  }
0xae: {  	[dreg:$0x2] =	wrdreg s24  }
0xaf: {  	[dreg:$0x3] =	wrdreg s2  }
0xb0: {  	[dreg:$0x4] =	wrdreg $0x9  }
0xb1: {  	_ =	task.clear_ibuf [dreg:s7], $0x5FFFF;
	_ =	strace $0x90000046  }
0xb2: {  	s29 =	simm.s32 $0x9;
	_ =	strace $0x80000048  }
0xb3: {  	_ =	swait.ge [sflag:s29], $0x1  }
0xb4: {  	[sflag:s29] =	ssyncadd.s32 $0xFFFFFFFF  }
0xb5: {  	_ =	strace $0x90000048  }
0xb6: {  	_ =	sfence  }
0xb7: {  	s30 =	sld [smem:$0x0];
	_ =	sdelay $0x2  }
0xb8: {  	s31 =	sshll.u32 s1, $0xD;
	s1 =	sshrl.u32 s1, $0x2  }
0xb9: {  	s3 =	sand.u32 $0x4000, s31;
	s1 =	sadd.s32 s1, s30  }
0xba: {  	s0 =	sor.u32 s3, s0;
	s1 =	sshll.u32 s1, $0x11  }
0xbb: {  	s0 =	sor.u32 s1, s0  }
0xbc: {  	s0 =	sadd.s32 $0x8F2B, s0  }
0xbd: {  	[sflag:s0] =	ssyncadd.remote.s32 $0x1  }
0xbe: {  	_ =	sfence.sel $0xFFFF  }
0xbf: {  	[dreg:$0x0] =	wrdreg $0xFFFFFFFF;
	(pc) =	sbr.abs _section_cstart, $3  }
0xc0: {  	[dreg:$0x1] =	wrdreg $0xFFFFFFFF  }
0xc1: {  	_ =	task.clear_ibuf [dreg:s7], $0x2FFFF;
	_ =	strace $0x9FFFFFFF  }
0xc2: {  	(tm) =	ssettm $0x7FFFFFFF  }
0xc3: {  	_ =	shalt  }
tec
execute0_lowered:
.L_overlay_start_1:
0x0: {  	(tag) =	ssettag $0x1  }
0x1: {  	s1 =	srdreg.scid  }
0x2: {  	s0 =	stileid.u32;
	v1 =	vlaneseq.u32;
	s3 =	sand.u32 $0x1, s1  }
0x3: {  	s4 =	rddreg [dreg:$0x0];
	s31 =	sshll.u32 s0, $0xA;
	v0 =	vmul.u32 $0x32, v1;
	s2 =	sshll.u32 s3, $0x9  }
0x4: {  	s6 =	rddreg [dreg:$0x1];
	s5 =	sor.u32 s2, s31;
	s2 =	simm.s32 $0x0  }
0x5: {  	v2 =	vadd.s32 $0x320, v0;
	[smem:$0x7FF] =	sst s2  }
0x6: {  	s1 =	rddreg [dreg:$0x2];
	_ =	strace $0x80000047;
	[tilespmem:$0x1FF50] =	vst v2;
	v2 =	vadd.s32 $0x640, v0  }
0x7: {  	[tilespmem:$0x1FF60] =	vst v2;
	v2 =	vadd.s32 $0x960, v0  }
0x8: {  	s10 =	simm.s32 $0x6400;
	s11 =	simm.s32 $0x6800;
	[tilespmem:$0x1FF70] =	vst v2;
	v2 =	vadd.s32 $0xC80, v0  }
0x9: {  	s12 =	simm.s32 $0x6600;
	s13 =	simm.s32 $0xE800;
	s14 =	simm.s32 $0x1;
	[tilespmem:$0x1FF80] =	vst v2;
	v2 =	vadd.s32 $0xFA0, v0  }
0xa: {  	s15 =	simm.s32 $0x800;
	s16 =	simm.s32 $0x20000;
	s17 =	simm.s32 $0x16800;
	[tilespmem:$0x1FF90] =	vst v2;
	v2 =	vadd.s32 $0x12C0, v0  }
0xb: {  	s18 =	simm.s32 $0x2;
	s19 =	simm.s32 $0x4;
	s7 =	smul.u32 $0x32, s5;
	[tilespmem:$0x1FFA0] =	vst v2;
	v2 =	vadd.s32 $0x15E0, v0  }
0xc: {  	s20 =	simm.s32 $0x18800;
	s21 =	simm.s32 $0x3;
	s8 =	ssub.s32 $0x2, s3;
	[tilespmem:$0x1FFB0] =	vst v2;
	v2 =	vadd.s32 $0x1900, v0  }
0xd: {  	s22 =	simm.s32 $0x0;
	s9 =	sshrl.u32 s8, $0x1;
	s7 =	sshrl.u32 s7, $0x3;
	[tilespmem:$0x1FFC0] =	vst v2;
	v2 =	vadd.s32 $0x1C20, v0  }
0xe: {  	s3 =	sadd.s32 $0xF42A00, s4;
	s8 =	ssub.s32 s8, s9;
	s7 =	sadd.s32 s7, s4;
	[tilespmem:$0x1FFD0] =	vst v2;
	v2 =	vadd.s32 $0x1F40, v0  }
0xf: {  	v16 =	vmul.u32 $0x80, v1;
	v12 =	vadd.s32 $0x2580, v0;
	s9 =	simm.s32 $0x100;
	s4 =	sadd.s32 s6, s5;
	s5 =	sadd.s32 $0x600, s7;
	[tilespmem:$0x1FFE0] =	vst v2;
	v2 =	vadd.s32 $0x2260, v0  }
0x10: {  	v13 =	vadd.s32 $0x28A0, v0;
	v14 =	vadd.s32 $0x2BC0, v0;
	v15 =	vadd.s32 $0x2EE0, v0;
	s6 =	sadd.s32 $0x100, s4;
	s7 =	smax.u32 s8, $0x1;
	s8 =	simm.s32 $0x5;
	[tilespmem:$0x1FFF0] =	vst v2  }
.LBB2_1:
0x11: {  	[tilespmem:s2], [sflag:$0x5] =	stream.linear.gather [hbm4b:s5+s2], $0x6400, $0x38;
	[tilespmem:$0x1A800] =	vst v63  }
0x12: {  	_ =	swait.ge [sflag:s8], $0x6400  }
0x13: {  	[sflag:s8] =	ssyncset.done $0x0  }
0x14: {  	[sflag:s8] =	ssyncadd.s32 $0xFFFF9C00  }
0x15: {  	v1 =	vld.idx.msk [tilespmem:v0+s2+$0x0], $0xffff;
	_ =	sdelay $0x4  }
0x16: {  	v2 =	vshra.s32 v1, $0x2;
	v1 =	vshll.u32 v1, $0x5  }
0x17: {  	v1 =	vand.u32 $0x60, v1  }
0x18: {  	[tilespmem:$0x6500] =	vst v1;
	v1 =	vld [tilespmem:$0x1FF50];
	_ =	sdelay $0x6  }
0x19: {  	[tilespmem:$0x6400] =	vst v2  }
0x1a: {  	v1 =	vld.idx.msk [tilespmem:v1+s2+$0x0], $0xffff;
	_ =	sdelay $0x4  }
0x1b: {  	v2 =	vshra.s32 v1, $0x2;
	v1 =	vshll.u32 v1, $0x5  }
0x1c: {  	v1 =	vand.u32 $0x60, v1  }
0x1d: {  	[tilespmem:$0x6510] =	vst v1;
	v1 =	vld [tilespmem:$0x1FF60];
	_ =	sdelay $0x6  }
0x1e: {  	[tilespmem:$0x6410] =	vst v2  }
0x1f: {  	v1 =	vld.idx.msk [tilespmem:v1+s2+$0x0], $0xffff;
	_ =	sdelay $0x4  }
0x20: {  	v2 =	vshra.s32 v1, $0x2;
	v1 =	vshll.u32 v1, $0x5  }
0x21: {  	v1 =	vand.u32 $0x60, v1  }
0x22: {  	[tilespmem:$0x6520] =	vst v1;
	v1 =	vld [tilespmem:$0x1FF70];
	_ =	sdelay $0x6  }
0x23: {  	[tilespmem:$0x6420] =	vst v2  }
0x24: {  	v1 =	vld.idx.msk [tilespmem:v1+s2+$0x0], $0xffff;
	_ =	sdelay $0x4  }
0x25: {  	v2 =	vshra.s32 v1, $0x2;
	v1 =	vshll.u32 v1, $0x5  }
0x26: {  	v1 =	vand.u32 $0x60, v1  }
0x27: {  	[tilespmem:$0x6530] =	vst v1;
	v1 =	vld [tilespmem:$0x1FF80];
	_ =	sdelay $0x6  }
0x28: {  	[tilespmem:$0x6430] =	vst v2  }
0x29: {  	v1 =	vld.idx.msk [tilespmem:v1+s2+$0x0], $0xffff;
	_ =	sdelay $0x4  }
0x2a: {  	v2 =	vshra.s32 v1, $0x2;
	v1 =	vshll.u32 v1, $0x5  }
0x2b: {  	v1 =	vand.u32 $0x60, v1  }
0x2c: {  	[tilespmem:$0x6540] =	vst v1;
	v1 =	vld [tilespmem:$0x1FF90];
	_ =	sdelay $0x6  }
0x2d: {  	[tilespmem:$0x6440] =	vst v2  }
0x2e: {  	v1 =	vld.idx.msk [tilespmem:v1+s2+$0x0], $0xffff;
	_ =	sdelay $0x4  }
0x2f: {  	v2 =	vshra.s32 v1, $0x2;
	v1 =	vshll.u32 v1, $0x5  }
0x30: {  	v1 =	vand.u32 $0x60, v1  }
0x31: {  	[tilespmem:$0x6550] =	vst v1;
	v1 =	vld [tilespmem:$0x1FFA0];
	_ =	sdelay $0x6  }
0x32: {  	[tilespmem:$0x6450] =	vst v2  }
0x33: {  	v1 =	vld.idx.msk [tilespmem:v1+s2+$0x0], $0xffff;
	_ =	sdelay $0x4  }
0x34: {  	v2 =	vshra.s32 v1, $0x2;
	v1 =	vshll.u32 v1, $0x5  }
0x35: {  	v1 =	vand.u32 $0x60, v1  }
0x36: {  	[tilespmem:$0x6560] =	vst v1;
	v1 =	vld [tilespmem:$0x1FFB0];
	_ =	sdelay $0x6  }
0x37: {  	[tilespmem:$0x6460] =	vst v2  }
0x38: {  	v1 =	vld.idx.msk [tilespmem:v1+s2+$0x0], $0xffff;
	_ =	sdelay $0x4  }
0x39: {  	v2 =	vshra.s32 v1, $0x2;
	v1 =	vshll.u32 v1, $0x5  }
0x3a: {  	v1 =	vand.u32 $0x60, v1  }
0x3b: {  	[tilespmem:$0x6570] =	vst v1;
	v1 =	vld [tilespmem:$0x1FFC0];
	_ =	sdelay $0x6  }
0x3c: {  	[tilespmem:$0x6470] =	vst v2  }
0x3d: {  	v1 =	vld.idx.msk [tilespmem:v1+s2+$0x0], $0xffff;
	_ =	sdelay $0x4  }
0x3e: {  	v2 =	vshra.s32 v1, $0x2;
	v1 =	vshll.u32 v1, $0x5  }
0x3f: {  	v1 =	vand.u32 $0x60, v1  }
0x40: {  	[tilespmem:$0x6580] =	vst v1;
	v1 =	vld [tilespmem:$0x1FFD0];
	_ =	sdelay $0x6  }
0x41: {  	[tilespmem:$0x6480] =	vst v2  }
0x42: {  	v1 =	vld.idx.msk [tilespmem:v1+s2+$0x0], $0xffff;
	_ =	sdelay $0x4  }
0x43: {  	v2 =	vshra.s32 v1, $0x2;
	v1 =	vshll.u32 v1, $0x5  }
0x44: {  	v1 =	vand.u32 $0x60, v1  }
0x45: {  	[tilespmem:$0x6590] =	vst v1;
	v1 =	vld [tilespmem:$0x1FFE0];
	_ =	sdelay $0x6  }
0x46: {  	[tilespmem:$0x6490] =	vst v2  }
0x47: {  	v1 =	vld.idx.msk [tilespmem:v1+s2+$0x0], $0xffff;
	_ =	sdelay $0x4  }
0x48: {  	v2 =	vshra.s32 v1, $0x2;
	v1 =	vshll.u32 v1, $0x5  }
0x49: {  	v1 =	vand.u32 $0x60, v1  }
0x4a: {  	[tilespmem:$0x65A0] =	vst v1;
	v1 =	vld [tilespmem:$0x1FFF0];
	_ =	sdelay $0x6  }
0x4b: {  	[tilespmem:$0x64A0] =	vst v2  }
0x4c: {  	v1 =	vld.idx.msk [tilespmem:v1+s2+$0x0], $0xffff;
	_ =	sdelay $0x4  }
0x4d: {  	v2 =	vshra.s32 v1, $0x2;
	v1 =	vshll.u32 v1, $0x5  }
0x4e: {  	[tilespmem:$0x64B0] =	vst v2;
	v1 =	vand.u32 $0x60, v1  }
0x4f: {  	[tilespmem:$0x65B0] =	vst v1  }
0x50: {  	v1 =	vld.idx.msk [tilespmem:v12+s2+$0x0], $0xffff;
	_ =	sdelay $0x4  }
0x51: {  	v2 =	vshra.s32 v1, $0x2;
	v1 =	vshll.u32 v1, $0x5  }
0x52: {  	[tilespmem:$0x64C0] =	vst v2;
	v1 =	vand.u32 $0x60, v1  }
0x53: {  	[tilespmem:$0x65C0] =	vst v1  }
0x54: {  	v1 =	vld.idx.msk [tilespmem:v13+s2+$0x0], $0xffff;
	_ =	sdelay $0x4  }
0x55: {  	v2 =	vshra.s32 v1, $0x2;
	v1 =	vshll.u32 v1, $0x5  }
0x56: {  	[tilespmem:$0x64D0] =	vst v2;
	v1 =	vand.u32 $0x60, v1  }
0x57: {  	[tilespmem:$0x65D0] =	vst v1  }
0x58: {  	v1 =	vld.idx.msk [tilespmem:v14+s2+$0x0], $0xffff;
	_ =	sdelay $0x4  }
0x59: {  	v2 =	vshra.s32 v1, $0x2;
	v1 =	vshll.u32 v1, $0x5  }
0x5a: {  	[tilespmem:$0x64E0] =	vst v2;
	v1 =	vand.u32 $0x60, v1  }
0x5b: {  	[tilespmem:$0x65E0] =	vst v1  }
0x5c: {  	v1 =	vld.idx.msk [tilespmem:v15+s2+$0x0], $0xffff;
	_ =	sdelay $0x4  }
0x5d: {  	v2 =	vshra.s32 v1, $0x2;
	v1 =	vshll.u32 v1, $0x5  }
0x5e: {  	[tilespmem:$0x64F0] =	vst v2;
	v1 =	vand.u32 $0x60, v1  }
0x5f: {  	s23 =	simm.s32 $0x0;
	[tilespmem:$0x65F0] =	vst v1  }
0x60: {  	[tilespmem:s11], [sflag:$0x1] =	stream.indirect.gather [hbm4b:s3+s9], $0x80, s10, s9, $0xb8;
	[tilespmem:$0x1A800] =	vst v63  }
.LBB2_2:
0x61: {  	s24 =	sor.u32 $0x3200, s23  }
0x62: {  	v1 =	vadd.s32 s24, v0;
	_ =	sdelay $0x4  }
0x63: {  	v1 =	vld.idx.msk [tilespmem:v1+s2+$0x0], $0xffff;
	_ =	sdelay $0x1  }
0x64: {  	s25 =	sadd.s32 $0x3520, s23  }
0x65: {  	v2 =	vadd.s32 s25, v0;
	_ =	sdelay $0x1  }
0x66: {  	v3 =	vshra.s32 v1, $0x2;
	v1 =	vshll.u32 v1, $0x5  }
0x67: {  	[tilespmem:$0x6600] =	vst v3;
	v1 =	vand.u32 $0x60, v1  }
0x68: {  	[tilespmem:$0x6700] =	vst v1  }
0x69: {  	v1 =	vld.idx.msk [tilespmem:v2+s2+$0x0], $0xffff;
	_ =	sdelay $0x1  }
0x6a: {  	s26 =	sor.u32 $0x3840, s23  }
0x6b: {  	v2 =	vadd.s32 s26, v0;
	_ =	sdelay $0x1  }
0x6c: {  	v3 =	vshra.s32 v1, $0x2;
	v1 =	vshll.u32 v1, $0x5  }
0x6d: {  	[tilespmem:$0x6610] =	vst v3;
	v1 =	vand.u32 $0x60, v1  }
0x6e: {  	[tilespmem:$0x6710] =	vst v1  }
0x6f: {  	v1 =	vld.idx.msk [tilespmem:v2+s2+$0x0], $0xffff;
	_ =	sdelay $0x1  }
0x70: {  	s29 =	sadd.s32 $0x3B60, s23  }
0x71: {  	v2 =	vadd.s32 s29, v0;
	_ =	sdelay $0x1  }
0x72: {  	v3 =	vshra.s32 v1, $0x2;
	v1 =	vshll.u32 v1, $0x5  }
0x73: {  	[tilespmem:$0x6620] =	vst v3;
	v1 =	vand.u32 $0x60, v1  }
0x74: {  	[tilespmem:$0x6720] =	vst v1  }
0x75: {  	v1 =	vld.idx.msk [tilespmem:v2+s2+$0x0], $0xffff;
	_ =	sdelay $0x1  }
0x76: {  	s30 =	sor.u32 $0x3E80, s23  }
0x77: {  	v2 =	vadd.s32 s30, v0;
	_ =	sdelay $0x1  }
0x78: {  	v3 =	vshra.s32 v1, $0x2;
	v1 =	vshll.u32 v1, $0x5  }
0x79: {  	[tilespmem:$0x6630] =	vst v3;
	v1 =	vand.u32 $0x60, v1  }
0x7a: {  	[tilespmem:$0x6730] =	vst v1  }
0x7b: {  	v1 =	vld.idx.msk [tilespmem:v2+s2+$0x0], $0xffff;
	_ =	sdelay $0x1  }
0x7c: {  	s31 =	sadd.s32 $0x41A0, s23  }
0x7d: {  	v2 =	vadd.s32 s31, v0;
	_ =	sdelay $0x1  }
0x7e: {  	v3 =	vshra.s32 v1, $0x2;
	v1 =	vshll.u32 v1, $0x5  }
0x7f: {  	[tilespmem:$0x6640] =	vst v3;
	v1 =	vand.u32 $0x60, v1  }
0x80: {  	[tilespmem:$0x6740] =	vst v1  }
0x81: {  	v1 =	vld.idx.msk [tilespmem:v2+s2+$0x0], $0xffff;
	_ =	sdelay $0x1  }
0x82: {  	s25 =	sor.u32 $0x44C0, s23  }
0x83: {  	v2 =	vadd.s32 s25, v0;
	_ =	sdelay $0x1  }
0x84: {  	v3 =	vshra.s32 v1, $0x2;
	v1 =	vshll.u32 v1, $0x5  }
0x85: {  	[tilespmem:$0x6650] =	vst v3;
	v1 =	vand.u32 $0x60, v1  }
0x86: {  	[tilespmem:$0x6750] =	vst v1  }
0x87: {  	v1 =	vld.idx.msk [tilespmem:v2+s2+$0x0], $0xffff;
	_ =	sdelay $0x1  }
0x88: {  	s26 =	sadd.s32 $0x47E0, s23  }
0x89: {  	v2 =	vadd.s32 s26, v0;
	_ =	sdelay $0x1  }
0x8a: {  	v3 =	vshra.s32 v1, $0x2;
	v1 =	vshll.u32 v1, $0x5  }
0x8b: {  	[tilespmem:$0x6660] =	vst v3;
	v1 =	vand.u32 $0x60, v1  }
0x8c: {  	[tilespmem:$0x6760] =	vst v1  }
0x8d: {  	v1 =	vld.idx.msk [tilespmem:v2+s2+$0x0], $0xffff;
	_ =	sdelay $0x1  }
0x8e: {  	s29 =	sor.u32 $0x4B00, s23  }
0x8f: {  	v2 =	vadd.s32 s29, v0;
	_ =	sdelay $0x1  }
0x90: {  	v3 =	vshra.s32 v1, $0x2;
	v1 =	vshll.u32 v1, $0x5  }
0x91: {  	[tilespmem:$0x6670] =	vst v3;
	v1 =	vand.u32 $0x60, v1  }
0x92: {  	[tilespmem:$0x6770] =	vst v1  }
0x93: {  	v1 =	vld.idx.msk [tilespmem:v2+s2+$0x0], $0xffff;
	_ =	sdelay $0x1  }
0x94: {  	s30 =	sadd.s32 $0x4E20, s23  }
0x95: {  	v2 =	vadd.s32 s30, v0;
	_ =	sdelay $0x1  }
0x96: {  	v3 =	vshra.s32 v1, $0x2;
	v1 =	vshll.u32 v1, $0x5  }
0x97: {  	[tilespmem:$0x6680] =	vst v3;
	v1 =	vand.u32 $0x60, v1  }
0x98: {  	[tilespmem:$0x6780] =	vst v1  }
0x99: {  	v1 =	vld.idx.msk [tilespmem:v2+s2+$0x0], $0xffff;
	_ =	sdelay $0x1  }
0x9a: {  	s31 =	sor.u32 $0x5140, s23  }
0x9b: {  	v2 =	vadd.s32 s31, v0;
	_ =	sdelay $0x1  }
0x9c: {  	v3 =	vshra.s32 v1, $0x2;
	v1 =	vshll.u32 v1, $0x5  }
0x9d: {  	[tilespmem:$0x6690] =	vst v3;
	v1 =	vand.u32 $0x60, v1  }
0x9e: {  	[tilespmem:$0x6790] =	vst v1  }
0x9f: {  	v1 =	vld.idx.msk [tilespmem:v2+s2+$0x0], $0xffff;
	_ =	sdelay $0x1  }
0xa0: {  	s25 =	sadd.s32 $0x5460, s23  }
0xa1: {  	v2 =	vadd.s32 s25, v0;
	_ =	sdelay $0x1  }
0xa2: {  	v3 =	vshra.s32 v1, $0x2;
	v1 =	vshll.u32 v1, $0x5  }
0xa3: {  	[tilespmem:$0x66A0] =	vst v3;
	v1 =	vand.u32 $0x60, v1  }
0xa4: {  	[tilespmem:$0x67A0] =	vst v1  }
0xa5: {  	v1 =	vld.idx.msk [tilespmem:v2+s2+$0x0], $0xffff;
	_ =	sdelay $0x1  }
0xa6: {  	s26 =	sor.u32 $0x5780, s23  }
0xa7: {  	v2 =	vadd.s32 s26, v0;
	_ =	sdelay $0x1  }
0xa8: {  	v3 =	vshra.s32 v1, $0x2;
	v1 =	vshll.u32 v1, $0x5  }
0xa9: {  	[tilespmem:$0x66B0] =	vst v3;
	v1 =	vand.u32 $0x60, v1  }
0xaa: {  	[tilespmem:$0x67B0] =	vst v1  }
0xab: {  	v1 =	vld.idx.msk [tilespmem:v2+s2+$0x0], $0xffff;
	_ =	sdelay $0x1  }
0xac: {  	s29 =	sadd.s32 $0x5AA0, s23  }
0xad: {  	v2 =	vadd.s32 s29, v0;
	_ =	sdelay $0x1  }
0xae: {  	v3 =	vshra.s32 v1, $0x2;
	v1 =	vshll.u32 v1, $0x5  }
0xaf: {  	[tilespmem:$0x66C0] =	vst v3;
	v1 =	vand.u32 $0x60, v1  }
0xb0: {  	[tilespmem:$0x67C0] =	vst v1  }
0xb1: {  	v1 =	vld.idx.msk [tilespmem:v2+s2+$0x0], $0xffff;
	_ =	sdelay $0x1  }
0xb2: {  	s30 =	sor.u32 $0x5DC0, s23  }
0xb3: {  	v2 =	vadd.s32 s30, v0;
	_ =	sdelay $0x1  }
0xb4: {  	v3 =	vshra.s32 v1, $0x2;
	v1 =	vshll.u32 v1, $0x5  }
0xb5: {  	[tilespmem:$0x66D0] =	vst v3;
	v1 =	vand.u32 $0x60, v1  }
0xb6: {  	[tilespmem:$0x67D0] =	vst v1  }
0xb7: {  	v1 =	vld.idx.msk [tilespmem:v2+s2+$0x0], $0xffff;
	_ =	sdelay $0x1  }
0xb8: {  	s31 =	sadd.s32 $0x60E0, s23  }
0xb9: {  	v2 =	vadd.s32 s31, v0;
	_ =	sdelay $0x1  }
0xba: {  	v3 =	vshra.s32 v1, $0x2;
	v1 =	vshll.u32 v1, $0x5  }
0xbb: {  	[tilespmem:$0x66E0] =	vst v3;
	v1 =	vand.u32 $0x60, v1  }
0xbc: {  	[tilespmem:$0x67E0] =	vst v1  }
0xbd: {  	v1 =	vld.idx.msk [tilespmem:v2+s2+$0x0], $0xffff;
	_ =	sdelay $0x4  }
0xbe: {  	v2 =	vshra.s32 v1, $0x2;
	v1 =	vshll.u32 v1, $0x5  }
0xbf: {  	[tilespmem:$0x66F0] =	vst v2;
	v1 =	vand.u32 $0x60, v1  }
0xc0: {  	[tilespmem:$0x67F0] =	vst v1  }
0xc1: {  	[tilespmem:s13], [sflag:$0x2] =	stream.indirect.gather [hbm4b:s3+s9], $0x80, s12, s9, $0xb8;
	[tilespmem:$0x1A800] =	vst v63  }
0xc2: {  	_ =	swait.ge [sflag:s14], $0x8000  }
0xc3: {  	p0 =	seq.s32 s23, $0x0;
	[sflag:s14] =	ssyncset.done $0x0  }
0xc4: {  	s24 =	simm.s32 @!p0 $0x3;
	[sflag:s14] =	ssyncadd.s32 $0xFFFF8000  }
0xc5: {  	_ =	swait.ge @!p0 [sflag:s24], $0x2000  }
0xc6: {  	[sflag:s24] =	ssyncset.done @!p0 $0x0  }
0xc7: {  	[sflag:s24] =	ssyncadd.s32 @!p0 $0xFFFFE000;
	s24 =	simm.s32 $0x6500  }
0xc8: {  	v17 =	vld [tilespmem:s24+$0x0];
	_ =	sdelay $0x1  }
0xc9: {  	s25 =	simm.s32 $0x0  }
0xca: {  	v1 =	vmov s25  }
0xcb: {  	v1 =	vshll.u32 v1, $0x7  }
0xcc: {  	v18 =	vor.u32 v16, v1;
	v2 =	vand.u32 $0xFFFFFF80, v17  }
0xcd: {  	v1 =	vand.u32 $0x7F, v17;
	v2 =	vadd.s32 v18, v2  }
0xce: {  	v1 =	vor.u32 v1, v2;
	_ =	sdelay $0x2  }
0xcf: {  	v2 =	vadd.s32 $0x1, v17  }
0xd0: {  	v3 =	vand.u32 $0xFFFFFF80, v2  }
0xd1: {  	v2 =	vand.u32 $0x7F, v2;
	v3 =	vadd.s32 v18, v3;
	v1 =	vld.idx.msk [tilespmem:v1+s11+$0x0], $0xffff  }
0xd2: {  	v2 =	vor.u32 v2, v3;
	_ =	sdelay $0x1  }
0xd3: {  	s28 =	sand.u32 $0x400, s25;
	s26 =	sand.u32 $0x70, s25  }
0xd4: {  	s26 =	sor.u32 s26, s28;
	v3 =	vadd.s32 $0x2, v17  }
0xd5: {  	v4 =	vand.u32 $0xFFFFFF80, v3;
	[tilespmem:s26+$0x16800] =	vst v1  }
0xd6: {  	v3 =	vand.u32 $0x7F, v3;
	v1 =	vadd.s32 v18, v4;
	v2 =	vld.idx.msk [tilespmem:v2+s11+$0x0], $0xffff  }
0xd7: {  	v1 =	vor.u32 v3, v1;
	_ =	sdelay $0x2  }
0xd8: {  	v3 =	vadd.s32 $0x3, v17  }
0xd9: {  	v35 =	vand.u32 $0xFFFFFF80, v3;
	[tilespmem:s26+$0x16880] =	vst v2  }
0xda: {  	v3 =	vand.u32 $0x7F, v3;
	v2 =	vadd.s32 v18, v35;
	v1 =	vld.idx.msk [tilespmem:v1+s11+$0x0], $0xffff  }
0xdb: {  	v2 =	vor.u32 v3, v2;
	_ =	sdelay $0x2  }
0xdc: {  	v3 =	vadd.s32 $0x4, v17  }
0xdd: {  	v36 =	vand.u32 $0xFFFFFF80, v3;
	[tilespmem:s26+$0x16900] =	vst v1  }
0xde: {  	v3 =	vand.u32 $0x7F, v3;
	v1 =	vadd.s32 v18, v36;
	v2 =	vld.idx.msk [tilespmem:v2+s11+$0x0], $0xffff  }
0xdf: {  	v1 =	vor.u32 v3, v1;
	_ =	sdelay $0x2  }
0xe0: {  	v3 =	vadd.s32 $0x5, v17  }
0xe1: {  	v37 =	vand.u32 $0xFFFFFF80, v3;
	[tilespmem:s26+$0x16980] =	vst v2  }
0xe2: {  	v3 =	vand.u32 $0x7F, v3;
	v2 =	vadd.s32 v18, v37;
	v1 =	vld.idx.msk [tilespmem:v1+s11+$0x0], $0xffff  }
0xe3: {  	v2 =	vor.u32 v3, v2;
	_ =	sdelay $0x2  }
0xe4: {  	v3 =	vadd.s32 $0x6, v17  }
0xe5: {  	v38 =	vand.u32 $0xFFFFFF80, v3;
	[tilespmem:s26+$0x16A00] =	vst v1  }
0xe6: {  	v3 =	vand.u32 $0x7F, v3;
	v1 =	vadd.s32 v18, v38;
	v2 =	vld.idx.msk [tilespmem:v2+s11+$0x0], $0xffff  }
0xe7: {  	v1 =	vor.u32 v3, v1;
	_ =	sdelay $0x2  }
0xe8: {  	v3 =	vadd.s32 $0x7, v17  }
0xe9: {  	v39 =	vand.u32 $0xFFFFFF80, v3;
	[tilespmem:s26+$0x16A80] =	vst v2  }
0xea: {  	v3 =	vand.u32 $0x7F, v3;
	v2 =	vadd.s32 v18, v39;
	v1 =	vld.idx.msk [tilespmem:v1+s11+$0x0], $0xffff  }
0xeb: {  	v2 =	vor.u32 v3, v2;
	_ =	sdelay $0x2  }
0xec: {  	v3 =	vadd.s32 $0x8, v17  }
0xed: {  	v40 =	vand.u32 $0xFFFFFF80, v3;
	[tilespmem:s26+$0x16B00] =	vst v1  }
0xee: {  	v3 =	vand.u32 $0x7F, v3;
	v1 =	vadd.s32 v18, v40;
	v2 =	vld.idx.msk [tilespmem:v2+s11+$0x0], $0xffff  }
0xef: {  	v1 =	vor.u32 v3, v1;
	_ =	sdelay $0x1  }
0xf0: {  	s28 =	sor.u32 s25, s25  }
0xf1: {  	s28 =	sor.u32 $0x380, s28;
	v3 =	vadd.s32 $0x9, v17  }
0xf2: {  	v41 =	vand.u32 $0xFFFFFF80, v3;
	[tilespmem:s28+$0x16800] =	vst v2  }
0xf3: {  	v3 =	vand.u32 $0x7F, v3;
	v2 =	vadd.s32 v18, v41;
	v1 =	vld.idx.msk [tilespmem:v1+s11+$0x0], $0xffff  }
0xf4: {  	v2 =	vor.u32 v3, v2;
	_ =	sdelay $0x2  }
0xf5: {  	v3 =	vadd.s32 $0xA, v17  }
0xf6: {  	v42 =	vand.u32 $0xFFFFFF80, v3;
	[tilespmem:s26+$0x17000] =	vst v1  }
0xf7: {  	v3 =	vand.u32 $0x7F, v3;
	v1 =	vadd.s32 v18, v42;
	v2 =	vld.idx.msk [tilespmem:v2+s11+$0x0], $0xffff  }
0xf8: {  	v1 =	vor.u32 v3, v1;
	_ =	sdelay $0x2  }
0xf9: {  	v3 =	vadd.s32 $0xB, v17  }
0xfa: {  	v43 =	vand.u32 $0xFFFFFF80, v3;
	[tilespmem:s26+$0x17080] =	vst v2  }
0xfb: {  	v3 =	vand.u32 $0x7F, v3;
	v2 =	vadd.s32 v18, v43;
	v1 =	vld.idx.msk [tilespmem:v1+s11+$0x0], $0xffff  }
0xfc: {  	v2 =	vor.u32 v3, v2;
	_ =	sdelay $0x2  }
0xfd: {  	v3 =	vadd.s32 $0xC, v17  }
0xfe: {  	v44 =	vand.u32 $0xFFFFFF80, v3;
	[tilespmem:s26+$0x17100] =	vst v1  }
0xff: {  	v3 =	vand.u32 $0x7F, v3;
	v1 =	vadd.s32 v18, v44;
	v2 =	vld.idx.msk [tilespmem:v2+s11+$0x0], $0xffff  }
0x100: {  	v1 =	vor.u32 v3, v1;
	_ =	sdelay $0x2  }
0x101: {  	v3 =	vadd.s32 $0xD, v17  }
0x102: {  	v45 =	vand.u32 $0xFFFFFF80, v3;
	[tilespmem:s26+$0x17180] =	vst v2  }
0x103: {  	v3 =	vand.u32 $0x7F, v3;
	v2 =	vadd.s32 v18, v45;
	v1 =	vld.idx.msk [tilespmem:v1+s11+$0x0], $0xffff  }
0x104: {  	v2 =	vor.u32 v3, v2;
	_ =	sdelay $0x2  }
0x105: {  	v3 =	vadd.s32 $0xE, v17  }
0x106: {  	v46 =	vand.u32 $0xFFFFFF80, v3;
	[tilespmem:s26+$0x17200] =	vst v1  }
0x107: {  	v3 =	vand.u32 $0x7F, v3;
	v1 =	vadd.s32 v18, v46;
	v2 =	vld.idx.msk [tilespmem:v2+s11+$0x0], $0xffff  }
0x108: {  	v1 =	vor.u32 v3, v1;
	_ =	sdelay $0x2  }
0x109: {  	v3 =	vadd.s32 $0xF, v17  }
0x10a: {  	v47 =	vand.u32 $0xFFFFFF80, v3;
	[tilespmem:s26+$0x17280] =	vst v2  }
0x10b: {  	v3 =	vand.u32 $0x7F, v3;
	v2 =	vadd.s32 v18, v47;
	v1 =	vld.idx.msk [tilespmem:v1+s11+$0x0], $0xffff  }
0x10c: {  	v2 =	vor.u32 v3, v2;
	_ =	sdelay $0x2  }
0x10d: {  	v3 =	vadd.s32 $0x10, v17  }
0x10e: {  	v48 =	vand.u32 $0xFFFFFF80, v3;
	[tilespmem:s26+$0x17300] =	vst v1  }
0x10f: {  	v3 =	vand.u32 $0x7F, v3;
	v1 =	vadd.s32 v18, v48;
	v2 =	vld.idx.msk [tilespmem:v2+s11+$0x0], $0xffff  }
0x110: {  	v1 =	vor.u32 v3, v1;
	_ =	sdelay $0x2  }
0x111: {  	v3 =	vadd.s32 $0x11, v17  }
0x112: {  	v49 =	vand.u32 $0xFFFFFF80, v3;
	[tilespmem:s26+$0x17380] =	vst v2  }
0x113: {  	v3 =	vand.u32 $0x7F, v3;
	v2 =	vadd.s32 v18, v49;
	v1 =	vld.idx.msk [tilespmem:v1+s11+$0x0], $0xffff  }
0x114: {  	v2 =	vor.u32 v3, v2;
	_ =	sdelay $0x2  }
0x115: {  	v3 =	vadd.s32 $0x12, v17  }
0x116: {  	v50 =	vand.u32 $0xFFFFFF80, v3;
	[tilespmem:s26+$0x17800] =	vst v1  }
0x117: {  	v3 =	vand.u32 $0x7F, v3;
	v1 =	vadd.s32 v18, v50;
	v2 =	vld.idx.msk [tilespmem:v2+s11+$0x0], $0xffff  }
0x118: {  	v1 =	vor.u32 v3, v1;
	_ =	sdelay $0x2  }
0x119: {  	v3 =	vadd.s32 $0x13, v17  }
0x11a: {  	v51 =	vand.u32 $0xFFFFFF80, v3;
	[tilespmem:s26+$0x17880] =	vst v2  }
0x11b: {  	v3 =	vand.u32 $0x7F, v3;
	v2 =	vadd.s32 v18, v51;
	v1 =	vld.idx.msk [tilespmem:v1+s11+$0x0], $0xffff  }
0x11c: {  	v2 =	vor.u32 v3, v2;
	_ =	sdelay $0x2  }
0x11d: {  	v3 =	vadd.s32 $0x14, v17  }
0x11e: {  	v52 =	vand.u32 $0xFFFFFF80, v3;
	[tilespmem:s26+$0x17900] =	vst v1  }
0x11f: {  	v3 =	vand.u32 $0x7F, v3;
	v1 =	vadd.s32 v18, v52;
	v2 =	vld.idx.msk [tilespmem:v2+s11+$0x0], $0xffff  }
0x120: {  	v1 =	vor.u32 v3, v1;
	_ =	sdelay $0x2  }
0x121: {  	v3 =	vadd.s32 $0x15, v17  }
0x122: {  	v53 =	vand.u32 $0xFFFFFF80, v3;
	[tilespmem:s26+$0x17980] =	vst v2  }
0x123: {  	v3 =	vand.u32 $0x7F, v3;
	v2 =	vadd.s32 v18, v53;
	v1 =	vld.idx.msk [tilespmem:v1+s11+$0x0], $0xffff  }
0x124: {  	v2 =	vor.u32 v3, v2;
	_ =	sdelay $0x2  }
0x125: {  	v3 =	vadd.s32 $0x16, v17  }
0x126: {  	v54 =	vand.u32 $0xFFFFFF80, v3;
	[tilespmem:s26+$0x17A00] =	vst v1  }
0x127: {  	v3 =	vand.u32 $0x7F, v3;
	v1 =	vadd.s32 v18, v54;
	v2 =	vld.idx.msk [tilespmem:v2+s11+$0x0], $0xffff  }
0x128: {  	v1 =	vor.u32 v3, v1;
	_ =	sdelay $0x2  }
0x129: {  	v3 =	vadd.s32 $0x17, v17  }
0x12a: {  	v55 =	vand.u32 $0xFFFFFF80, v3;
	[tilespmem:s26+$0x17A80] =	vst v2  }
0x12b: {  	v3 =	vand.u32 $0x7F, v3;
	v2 =	vadd.s32 v18, v55;
	v1 =	vld.idx.msk [tilespmem:v1+s11+$0x0], $0xffff  }
0x12c: {  	v2 =	vor.u32 v3, v2;
	_ =	sdelay $0x2  }
0x12d: {  	v3 =	vadd.s32 $0x18, v17  }
0x12e: {  	v56 =	vand.u32 $0xFFFFFF80, v3;
	[tilespmem:s26+$0x17B00] =	vst v1  }
0x12f: {  	v3 =	vand.u32 $0x7F, v3;
	v1 =	vadd.s32 v18, v56;
	v2 =	vld.idx.msk [tilespmem:v2+s11+$0x0], $0xffff  }
0x130: {  	v1 =	vor.u32 v3, v1;
	_ =	sdelay $0x2  }
0x131: {  	v3 =	vadd.s32 $0x19, v17  }
0x132: {  	v57 =	vand.u32 $0xFFFFFF80, v3;
	[tilespmem:s26+$0x17B80] =	vst v2  }
0x133: {  	v3 =	vand.u32 $0x7F, v3;
	v2 =	vadd.s32 v18, v57;
	v1 =	vld.idx.msk [tilespmem:v1+s11+$0x0], $0xffff  }
0x134: {  	v2 =	vor.u32 v3, v2;
	_ =	sdelay $0x2  }
0x135: {  	v3 =	vadd.s32 $0x1A, v17  }
0x136: {  	v58 =	vand.u32 $0xFFFFFF80, v3;
	[tilespmem:s26+$0x18000] =	vst v1  }
0x137: {  	v3 =	vand.u32 $0x7F, v3;
	v1 =	vadd.s32 v18, v58;
	v2 =	vld.idx.msk [tilespmem:v2+s11+$0x0], $0xffff  }
0x138: {  	v1 =	vor.u32 v3, v1;
	_ =	sdelay $0x2  }
0x139: {  	v3 =	vadd.s32 $0x1B, v17  }
0x13a: {  	v59 =	vand.u32 $0xFFFFFF80, v3;
	[tilespmem:s26+$0x18080] =	vst v2  }
0x13b: {  	v3 =	vand.u32 $0x7F, v3;
	v2 =	vadd.s32 v18, v59;
	v1 =	vld.idx.msk [tilespmem:v1+s11+$0x0], $0xffff  }
0x13c: {  	v2 =	vor.u32 v3, v2;
	_ =	sdelay $0x2  }
0x13d: {  	v3 =	vadd.s32 $0x1C, v17  }
0x13e: {  	v60 =	vand.u32 $0xFFFFFF80, v3;
	[tilespmem:s26+$0x18100] =	vst v1  }
0x13f: {  	v3 =	vand.u32 $0x7F, v3;
	v1 =	vadd.s32 v18, v60;
	v2 =	vld.idx.msk [tilespmem:v2+s11+$0x0], $0xffff  }
0x140: {  	v1 =	vor.u32 v3, v1;
	_ =	sdelay $0x2  }
0x141: {  	v3 =	vadd.s32 $0x1D, v17  }
0x142: {  	v61 =	vand.u32 $0xFFFFFF80, v3;
	[tilespmem:s26+$0x18180] =	vst v2  }
0x143: {  	v3 =	vand.u32 $0x7F, v3;
	v2 =	vadd.s32 v18, v61;
	v1 =	vld.idx.msk [tilespmem:v1+s11+$0x0], $0xffff  }
0x144: {  	v2 =	vor.u32 v3, v2;
	_ =	sdelay $0x2  }
0x145: {  	v3 =	vadd.s32 $0x1E, v17  }
0x146: {  	v62 =	vand.u32 $0xFFFFFF80, v3;
	[tilespmem:s26+$0x18200] =	vst v1  }
0x147: {  	v3 =	vand.u32 $0x7F, v3;
	v1 =	vadd.s32 v18, v62;
	v2 =	vld.idx.msk [tilespmem:v2+s11+$0x0], $0xffff  }
0x148: {  	v1 =	vor.u32 v3, v1;
	_ =	sdelay $0x2  }
0x149: {  	v3 =	vadd.s32 $0x1F, v17  }
0x14a: {  	v63 =	vand.u32 $0xFFFFFF80, v3;
	[tilespmem:s26+$0x18280] =	vst v2  }
0x14b: {  	v3 =	vand.u32 $0x7F, v3;
	v2 =	vadd.s32 v18, v63;
	v1 =	vld.idx.msk [tilespmem:v1+s11+$0x0], $0xffff  }
0x14c: {  	v2 =	vor.u32 v3, v2;
	_ =	sdelay $0x3  }
0x14d: {  	[tilespmem:s26+$0x18300] =	vst v1  }
0x14e: {  	s28 =	simm.s32 $0x10;
	v1 =	vld.idx.msk [tilespmem:v2+s11+$0x0], $0xffff  }
.LBB2_3:
0x14f: {  	_ =	sdelay $0x3  }
0x150: {  	p1 =	sne.s32 s28, $0xF0;
	s25 =	sadd.s32 $0x80, s25;
	s24 =	sadd.s32 $0x10, s24;
	[tilespmem:s26+$0x18380] =	vst v1  }
0x151: {  	s29 =	smov.u32 s28;
	s28 =	sadd.s32 $0x10, s28;
	v17 =	vld [tilespmem:s24+$0x0];
	_ =	sdelay $0x2  }
0x152: {  	v1 =	vmov s29  }
0x153: {  	v1 =	vshll.u32 v1, $0x7  }
0x154: {  	v18 =	vor.u32 v16, v1;
	v2 =	vand.u32 $0xFFFFFF80, v17;
	v1 =	vadd.s32 $0x1, v17  }
0x155: {  	v3 =	vand.u32 $0x7F, v17;
	v2 =	vadd.s32 v18, v2;
	v4 =	vand.u32 $0xFFFFFF80, v1  }
0x156: {  	v19 =	vadd.s32 $0x2, v17;
	v2 =	vor.u32 v3, v2;
	v3 =	vadd.s32 v18, v4  }
0x157: {  	v20 =	vadd.s32 $0x3, v17;
	v21 =	vadd.s32 $0x4, v17;
	v4 =	vand.u32 $0xFFFFFF80, v19  }
0x158: {  	v5 =	vand.u32 $0xFFFFFF80, v21;
	v22 =	vadd.s32 v18, v4;
	v4 =	vand.u32 $0xFFFFFF80, v20  }
0x159: {  	v6 =	vadd.s32 $0x5, v17;
	v24 =	vadd.s32 v18, v5;
	v23 =	vadd.s32 v18, v4  }
0x15a: {  	v63 =	vadd.s32 $0x7, v17;
	v5 =	vand.u32 $0xFFFFFF80, v6;
	v4 =	vadd.s32 $0x6, v17  }
0x15b: {  	v26 =	vand.u32 $0xFFFFFF80, v63;
	v7 =	vadd.s32 v18, v5;
	v25 =	vld.idx.msk [tilespmem:v2+s11+$0x0], $0xffff;
	v2 =	vand.u32 $0xFFFFFF80, v4  }
0x15c: {  	v1 =	vand.u32 $0x7F, v1;
	v5 =	vadd.s32 v18, v2;
	v2 =	vadd.s32 v18, v26  }
0x15d: {  	v60 =	vadd.s32 $0x9, v17;
	v26 =	vor.u32 v1, v3;
	v1 =	vadd.s32 $0x8, v17  }
0x15e: {  	v58 =	vadd.s32 $0xA, v17;
	v27 =	vand.u32 $0xFFFFFF80, v60;
	v3 =	vand.u32 $0xFFFFFF80, v1  }
0x15f: {  	s30 =	sand.u32 $0x400, s25;
	s26 =	sand.u32 $0x70, s29;
	v62 =	vadd.s32 v18, v27;
	v27 =	vand.u32 $0xFFFFFF80, v58;
	v3 =	vadd.s32 v18, v3  }
0x160: {  	s26 =	sor.u32 s26, s30;
	v57 =	vadd.s32 $0xB, v17;
	v54 =	vadd.s32 $0xC, v17;
	v61 =	vadd.s32 v18, v27  }
0x161: {  	v52 =	vadd.s32 $0xD, v17;
	v27 =	vand.u32 $0xFFFFFF80, v54;
	[tilespmem:s26+$0x16800] =	vst v25;
	v25 =	vand.u32 $0xFFFFFF80, v57  }
0x162: {  	v56 =	vadd.s32 v18, v27;
	v26 =	vld.idx.msk [tilespmem:v26+s11+$0x0], $0xffff;
	v59 =	vadd.s32 v18, v25;
	v25 =	vand.u32 $0xFFFFFF80, v52  }
0x163: {  	v51 =	vadd.s32 $0xE, v17;
	v19 =	vand.u32 $0x7F, v19;
	v55 =	vadd.s32 v18, v25  }
0x164: {  	v49 =	vadd.s32 $0xF, v17;
	v19 =	vor.u32 v19, v22;
	v22 =	vand.u32 $0xFFFFFF80, v51  }
0x165: {  	v47 =	vadd.s32 $0x10, v17;
	v53 =	vadd.s32 v18, v22;
	v22 =	vand.u32 $0xFFFFFF80, v49  }
0x166: {  	v45 =	vadd.s32 $0x11, v17;
	v50 =	vadd.s32 v18, v22;
	v22 =	vand.u32 $0xFFFFFF80, v47  }
0x167: {  	v42 =	vadd.s32 $0x12, v17;
	v48 =	vadd.s32 v18, v22;
	v22 =	vand.u32 $0xFFFFFF80, v45  }
0x168: {  	v41 =	vadd.s32 $0x13, v17;
	v46 =	vadd.s32 v18, v22;
	v22 =	vand.u32 $0xFFFFFF80, v42;
	[tilespmem:s26+$0x16880] =	vst v26  }
0x169: {  	v38 =	vadd.s32 $0x14, v17;
	v44 =	vadd.s32 v18, v22;
	v22 =	vand.u32 $0xFFFFFF80, v41;
	v19 =	vld.idx.msk [tilespmem:v19+s11+$0x0], $0xffff  }
0x16a: {  	v20 =	vand.u32 $0x7F, v20;
	v43 =	vadd.s32 v18, v22;
	v22 =	vand.u32 $0xFFFFFF80, v38  }
0x16b: {  	v37 =	vadd.s32 $0x15, v17;
	v20 =	vor.u32 v20, v23;
	v40 =	vadd.s32 v18, v22  }
0x16c: {  	v35 =	vadd.s32 $0x16, v17;
	v32 =	vadd.s32 $0x17, v17;
	v22 =	vand.u32 $0xFFFFFF80, v37  }
0x16d: {  	v23 =	vand.u32 $0xFFFFFF80, v32;
	v39 =	vadd.s32 v18, v22;
	v22 =	vand.u32 $0xFFFFFF80, v35  }
0x16e: {  	v30 =	vadd.s32 $0x18, v17;
	v34 =	vadd.s32 v18, v23;
	v36 =	vadd.s32 v18, v22  }
0x16f: {  	v29 =	vadd.s32 $0x19, v17;
	v25 =	vadd.s32 $0x1A, v17;
	[tilespmem:s26+$0x16900] =	vst v19;
	v19 =	vand.u32 $0xFFFFFF80, v30  }
0x170: {  	v8 =	vld.idx.msk [tilespmem:v20+s11+$0x0], $0xffff;
	v33 =	vadd.s32 v18, v19;
	v19 =	vand.u32 $0xFFFFFF80, v29;
	v20 =	vand.u32 $0xFFFFFF80, v25  }
0x171: {  	v21 =	vand.u32 $0x7F, v21;
	v31 =	vadd.s32 v18, v19;
	v28 =	vadd.s32 v18, v20  }
0x172: {  	v21 =	vor.u32 v21, v24;
	v23 =	vadd.s32 $0x1C, v17;
	v26 =	vadd.s32 $0x1B, v17  }
0x173: {  	v22 =	vand.u32 $0xFFFFFF80, v23;
	v19 =	vand.u32 $0xFFFFFF80, v26;
	v20 =	vadd.s32 $0x1D, v17  }
0x174: {  	v24 =	vadd.s32 v18, v22;
	v27 =	vadd.s32 v18, v19;
	v19 =	vand.u32 $0xFFFFFF80, v20  }
0x175: {  	v22 =	vadd.s32 v18, v19;
	v19 =	vadd.s32 $0x1E, v17;
	v17 =	vadd.s32 $0x1F, v17  }
0x176: {  	v9 =	vand.u32 $0xFFFFFF80, v17;
	[tilespmem:s26+$0x16980] =	vst v8;
	v8 =	vand.u32 $0xFFFFFF80, v19  }
0x177: {  	v10 =	vld.idx.msk [tilespmem:v21+s11+$0x0], $0xffff;
	v21 =	vadd.s32 v18, v8;
	v18 =	vadd.s32 v18, v9  }
0x178: {  	v6 =	vand.u32 $0x7F, v6  }
0x179: {  	v6 =	vor.u32 v6, v7;
	_ =	sdelay $0x3  }
0x17a: {  	[tilespmem:s26+$0x16A00] =	vst v10  }
0x17b: {  	v6 =	vld.idx.msk [tilespmem:v6+s11+$0x0], $0xffff  }
0x17c: {  	v4 =	vand.u32 $0x7F, v4  }
0x17d: {  	v4 =	vor.u32 v4, v5;
	_ =	sdelay $0x3  }
0x17e: {  	[tilespmem:s26+$0x16A80] =	vst v6  }
0x17f: {  	v4 =	vld.idx.msk [tilespmem:v4+s11+$0x0], $0xffff  }
0x180: {  	v5 =	vand.u32 $0x7F, v63  }
0x181: {  	v2 =	vor.u32 v5, v2;
	_ =	sdelay $0x3  }
0x182: {  	[tilespmem:s26+$0x16B00] =	vst v4  }
0x183: {  	v2 =	vld.idx.msk [tilespmem:v2+s11+$0x0], $0xffff  }
0x184: {  	v1 =	vand.u32 $0x7F, v1  }
0x185: {  	v1 =	vor.u32 v1, v3;
	_ =	sdelay $0x1  }
0x186: {  	s29 =	sor.u32 s25, s29  }
0x187: {  	s29 =	sor.u32 $0x380, s29  }
0x188: {  	[tilespmem:s29+$0x16800] =	vst v2  }
0x189: {  	v1 =	vld.idx.msk [tilespmem:v1+s11+$0x0], $0xffff  }
0x18a: {  	v2 =	vand.u32 $0x7F, v60  }
0x18b: {  	v2 =	vor.u32 v2, v62;
	_ =	sdelay $0x3  }
0x18c: {  	[tilespmem:s26+$0x17000] =	vst v1  }
0x18d: {  	v1 =	vld.idx.msk [tilespmem:v2+s11+$0x0], $0xffff  }
0x18e: {  	v2 =	vand.u32 $0x7F, v58  }
0x18f: {  	v2 =	vor.u32 v2, v61;
	_ =	sdelay $0x3  }
0x190: {  	[tilespmem:s26+$0x17080] =	vst v1  }
0x191: {  	v1 =	vld.idx.msk [tilespmem:v2+s11+$0x0], $0xffff  }
0x192: {  	v2 =	vand.u32 $0x7F, v57  }
0x193: {  	v2 =	vor.u32 v2, v59;
	_ =	sdelay $0x3  }
0x194: {  	[tilespmem:s26+$0x17100] =	vst v1  }
0x195: {  	v1 =	vld.idx.msk [tilespmem:v2+s11+$0x0], $0xffff  }
0x196: {  	v2 =	vand.u32 $0x7F, v54  }
0x197: {  	v2 =	vor.u32 v2, v56;
	_ =	sdelay $0x3  }
0x198: {  	[tilespmem:s26+$0x17180] =	vst v1  }
0x199: {  	v1 =	vld.idx.msk [tilespmem:v2+s11+$0x0], $0xffff  }
0x19a: {  	v2 =	vand.u32 $0x7F, v52  }
0x19b: {  	v2 =	vor.u32 v2, v55;
	_ =	sdelay $0x3  }
0x19c: {  	[tilespmem:s26+$0x17200] =	vst v1  }
0x19d: {  	v1 =	vld.idx.msk [tilespmem:v2+s11+$0x0], $0xffff  }
0x19e: {  	v2 =	vand.u32 $0x7F, v51  }
0x19f: {  	v2 =	vor.u32 v2, v53;
	_ =	sdelay $0x3  }
0x1a0: {  	[tilespmem:s26+$0x17280] =	vst v1  }
0x1a1: {  	v1 =	vld.idx.msk [tilespmem:v2+s11+$0x0], $0xffff  }
0x1a2: {  	v2 =	vand.u32 $0x7F, v49  }
0x1a3: {  	v2 =	vor.u32 v2, v50;
	_ =	sdelay $0x3  }
0x1a4: {  	[tilespmem:s26+$0x17300] =	vst v1  }
0x1a5: {  	v1 =	vld.idx.msk [tilespmem:v2+s11+$0x0], $0xffff  }
0x1a6: {  	v2 =	vand.u32 $0x7F, v47  }
0x1a7: {  	v2 =	vor.u32 v2, v48;
	_ =	sdelay $0x3  }
0x1a8: {  	[tilespmem:s26+$0x17380] =	vst v1  }
0x1a9: {  	v1 =	vld.idx.msk [tilespmem:v2+s11+$0x0], $0xffff  }
0x1aa: {  	v2 =	vand.u32 $0x7F, v45  }
0x1ab: {  	v2 =	vor.u32 v2, v46;
	_ =	sdelay $0x3  }
0x1ac: {  	[tilespmem:s26+$0x17800] =	vst v1  }
0x1ad: {  	v1 =	vld.idx.msk [tilespmem:v2+s11+$0x0], $0xffff  }
0x1ae: {  	v2 =	vand.u32 $0x7F, v42  }
0x1af: {  	v2 =	vor.u32 v2, v44;
	_ =	sdelay $0x3  }
0x1b0: {  	[tilespmem:s26+$0x17880] =	vst v1  }
0x1b1: {  	v1 =	vld.idx.msk [tilespmem:v2+s11+$0x0], $0xffff  }
0x1b2: {  	v2 =	vand.u32 $0x7F, v41  }
0x1b3: {  	v2 =	vor.u32 v2, v43;
	_ =	sdelay $0x3  }
0x1b4: {  	[tilespmem:s26+$0x17900] =	vst v1  }
0x1b5: {  	v1 =	vld.idx.msk [tilespmem:v2+s11+$0x0], $0xffff  }
0x1b6: {  	v2 =	vand.u32 $0x7F, v38  }
0x1b7: {  	v2 =	vor.u32 v2, v40;
	_ =	sdelay $0x3  }
0x1b8: {  	[tilespmem:s26+$0x17980] =	vst v1  }
0x1b9: {  	v1 =	vld.idx.msk [tilespmem:v2+s11+$0x0], $0xffff  }
0x1ba: {  	v2 =	vand.u32 $0x7F, v37  }
0x1bb: {  	v2 =	vor.u32 v2, v39;
	_ =	sdelay $0x3  }
0x1bc: {  	[tilespmem:s26+$0x17A00] =	vst v1  }
0x1bd: {  	v1 =	vld.idx.msk [tilespmem:v2+s11+$0x0], $0xffff  }
0x1be: {  	v2 =	vand.u32 $0x7F, v35  }
0x1bf: {  	v2 =	vor.u32 v2, v36;
	_ =	sdelay $0x3  }
0x1c0: {  	[tilespmem:s26+$0x17A80] =	vst v1  }
0x1c1: {  	v1 =	vld.idx.msk [tilespmem:v2+s11+$0x0], $0xffff  }
0x1c2: {  	v2 =	vand.u32 $0x7F, v32  }
0x1c3: {  	v2 =	vor.u32 v2, v34;
	_ =	sdelay $0x3  }
0x1c4: {  	[tilespmem:s26+$0x17B00] =	vst v1  }
0x1c5: {  	v1 =	vld.idx.msk [tilespmem:v2+s11+$0x0], $0xffff  }
0x1c6: {  	v2 =	vand.u32 $0x7F, v30  }
0x1c7: {  	v2 =	vor.u32 v2, v33;
	_ =	sdelay $0x3  }
0x1c8: {  	[tilespmem:s26+$0x17B80] =	vst v1  }
0x1c9: {  	v1 =	vld.idx.msk [tilespmem:v2+s11+$0x0], $0xffff  }
0x1ca: {  	v2 =	vand.u32 $0x7F, v29  }
0x1cb: {  	v2 =	vor.u32 v2, v31;
	_ =	sdelay $0x3  }
0x1cc: {  	[tilespmem:s26+$0x18000] =	vst v1  }
0x1cd: {  	v1 =	vld.idx.msk [tilespmem:v2+s11+$0x0], $0xffff  }
0x1ce: {  	v2 =	vand.u32 $0x7F, v25  }
0x1cf: {  	v2 =	vor.u32 v2, v28;
	_ =	sdelay $0x3  }
0x1d0: {  	[tilespmem:s26+$0x18080] =	vst v1  }
0x1d1: {  	v1 =	vld.idx.msk [tilespmem:v2+s11+$0x0], $0xffff  }
0x1d2: {  	v2 =	vand.u32 $0x7F, v26  }
0x1d3: {  	v2 =	vor.u32 v2, v27;
	_ =	sdelay $0x3  }
0x1d4: {  	[tilespmem:s26+$0x18100] =	vst v1  }
0x1d5: {  	v1 =	vld.idx.msk [tilespmem:v2+s11+$0x0], $0xffff  }
0x1d6: {  	v2 =	vand.u32 $0x7F, v23  }
0x1d7: {  	v2 =	vor.u32 v2, v24;
	_ =	sdelay $0x3  }
0x1d8: {  	[tilespmem:s26+$0x18180] =	vst v1  }
0x1d9: {  	v1 =	vld.idx.msk [tilespmem:v2+s11+$0x0], $0xffff  }
0x1da: {  	v2 =	vand.u32 $0x7F, v20  }
0x1db: {  	v2 =	vor.u32 v2, v22;
	_ =	sdelay $0x3  }
0x1dc: {  	[tilespmem:s26+$0x18200] =	vst v1  }
0x1dd: {  	v1 =	vld.idx.msk [tilespmem:v2+s11+$0x0], $0xffff  }
0x1de: {  	v2 =	vand.u32 $0x7F, v19  }
0x1df: {  	v2 =	vor.u32 v2, v21;
	_ =	sdelay $0x3  }
0x1e0: {  	[tilespmem:s26+$0x18280] =	vst v1  }
0x1e1: {  	v1 =	vld.idx.msk [tilespmem:v2+s11+$0x0], $0xffff  }
0x1e2: {  	v2 =	vand.u32 $0x7F, v17  }
0x1e3: {  	v2 =	vor.u32 v2, v18  }
.Ltmp0:
0x1e4: {  	(pc) =	sbr.rel @p1 .LBB2_3-.Ltmp0, $3  }
0x1e5: {  	_ =	sdelay $0x1  }
0x1e6: {  	[tilespmem:s26+$0x18300] =	vst v1  }
0x1e7: {  	v1 =	vld.idx.msk [tilespmem:v2+s11+$0x0], $0xffff  }
0x1e8: {  	p1 =	sne.s32 s23, $0x31  }
.Ltmp1:
0x1e9: {  	_ = 	snop;
	(pc) =	sbr.rel @p1 .LBB2_6-.Ltmp1, $4  }
0x1ea: {  	_ = 	snop  }
0x1eb: {  	s24 =	sshll.u32 s23, $0x10  }
0x1ec: {  	s25 =	sadd.s32 s24, s4;
	[tilespmem:s26+$0x18380] =	vst v1  }
0x1ed: {  	[hbm4b:s25+s15] =	stream.strided.scatter [tilespmem:s17], [sflag:$0x3], $0x2000, s16, s15, $0x38;
	[tilespmem:$0x1A800] =	vst v63  }
.Ltmp2:
0x1ee: {  	(pc) =	sbr.rel .LBB2_7-.Ltmp2, $4  }
0x1ef: {  	_ = 	snop  }
0x1f0: {  	_ =	swait.ge [sflag:s18], $0x8000  }
0x1f1: {  	[sflag:s18] =	ssyncset.done $0x0  }
0x1f2: {  	[sflag:s18] =	ssyncadd.s32 $0xFFFF8000  }
.LBB2_6:
0x1f3: {  	s25 =	sadd.s32 $0x1, s23  }
0x1f4: {  	v1 =	vadd.s32 s25, v0;
	_ =	sdelay $0x4  }
0x1f5: {  	v1 =	vld.idx.msk [tilespmem:v1+s2+$0x0], $0xffff;
	_ =	sdelay $0x1  }
0x1f6: {  	s26 =	sadd.s32 $0x321, s23  }
0x1f7: {  	v2 =	vadd.s32 s26, v0;
	_ =	sdelay $0x1  }
0x1f8: {  	v3 =	vshra.s32 v1, $0x2;
	v1 =	vshll.u32 v1, $0x5  }
0x1f9: {  	[tilespmem:$0x6400] =	vst v3;
	v1 =	vand.u32 $0x60, v1  }
0x1fa: {  	[tilespmem:$0x6500] =	vst v1  }
0x1fb: {  	v1 =	vld.idx.msk [tilespmem:v2+s2+$0x0], $0xffff;
	_ =	sdelay $0x1  }
0x1fc: {  	s28 =	sadd.s32 $0x641, s23  }
0x1fd: {  	v2 =	vadd.s32 s28, v0;
	_ =	sdelay $0x1  }
0x1fe: {  	v3 =	vshra.s32 v1, $0x2;
	v1 =	vshll.u32 v1, $0x5  }
0x1ff: {  	[tilespmem:$0x6410] =	vst v3;
	v1 =	vand.u32 $0x60, v1  }
0x200: {  	[tilespmem:$0x6510] =	vst v1  }
0x201: {  	v1 =	vld.idx.msk [tilespmem:v2+s2+$0x0], $0xffff;
	_ =	sdelay $0x1  }
0x202: {  	s29 =	sadd.s32 $0x961, s23  }
0x203: {  	v2 =	vadd.s32 s29, v0;
	_ =	sdelay $0x1  }
0x204: {  	v3 =	vshra.s32 v1, $0x2;
	v1 =	vshll.u32 v1, $0x5  }
0x205: {  	[tilespmem:$0x6420] =	vst v3;
	v1 =	vand.u32 $0x60, v1  }
0x206: {  	[tilespmem:$0x6520] =	vst v1  }
0x207: {  	v1 =	vld.idx.msk [tilespmem:v2+s2+$0x0], $0xffff;
	_ =	sdelay $0x1  }
0x208: {  	s30 =	sadd.s32 $0xC81, s23  }
0x209: {  	v2 =	vadd.s32 s30, v0;
	_ =	sdelay $0x1  }
0x20a: {  	v3 =	vshra.s32 v1, $0x2;
	v1 =	vshll.u32 v1, $0x5  }
0x20b: {  	[tilespmem:$0x6430] =	vst v3;
	v1 =	vand.u32 $0x60, v1  }
0x20c: {  	[tilespmem:$0x6530] =	vst v1  }
0x20d: {  	v1 =	vld.idx.msk [tilespmem:v2+s2+$0x0], $0xffff;
	_ =	sdelay $0x1  }
0x20e: {  	s31 =	sadd.s32 $0xFA1, s23  }
0x20f: {  	v2 =	vadd.s32 s31, v0;
	_ =	sdelay $0x1  }
0x210: {  	v3 =	vshra.s32 v1, $0x2;
	v1 =	vshll.u32 v1, $0x5  }
0x211: {  	[tilespmem:$0x6440] =	vst v3;
	v1 =	vand.u32 $0x60, v1  }
0x212: {  	[tilespmem:$0x6540] =	vst v1  }
0x213: {  	v1 =	vld.idx.msk [tilespmem:v2+s2+$0x0], $0xffff;
	_ =	sdelay $0x1  }
0x214: {  	s26 =	sadd.s32 $0x12C1, s23  }
0x215: {  	v2 =	vadd.s32 s26, v0;
	_ =	sdelay $0x1  }
0x216: {  	v3 =	vshra.s32 v1, $0x2;
	v1 =	vshll.u32 v1, $0x5  }
0x217: {  	[tilespmem:$0x6450] =	vst v3;
	v1 =	vand.u32 $0x60, v1  }
0x218: {  	[tilespmem:$0x6550] =	vst v1  }
0x219: {  	v1 =	vld.idx.msk [tilespmem:v2+s2+$0x0], $0xffff;
	_ =	sdelay $0x1  }
0x21a: {  	s28 =	sadd.s32 $0x15E1, s23  }
0x21b: {  	v2 =	vadd.s32 s28, v0;
	_ =	sdelay $0x1  }
0x21c: {  	v3 =	vshra.s32 v1, $0x2;
	v1 =	vshll.u32 v1, $0x5  }
0x21d: {  	[tilespmem:$0x6460] =	vst v3;
	v1 =	vand.u32 $0x60, v1  }
0x21e: {  	[tilespmem:$0x6560] =	vst v1  }
0x21f: {  	v1 =	vld.idx.msk [tilespmem:v2+s2+$0x0], $0xffff;
	_ =	sdelay $0x1  }
0x220: {  	s29 =	sadd.s32 $0x1901, s23  }
0x221: {  	v2 =	vadd.s32 s29, v0;
	_ =	sdelay $0x1  }
0x222: {  	v3 =	vshra.s32 v1, $0x2;
	v1 =	vshll.u32 v1, $0x5  }
0x223: {  	[tilespmem:$0x6470] =	vst v3;
	v1 =	vand.u32 $0x60, v1  }
0x224: {  	[tilespmem:$0x6570] =	vst v1  }
0x225: {  	v1 =	vld.idx.msk [tilespmem:v2+s2+$0x0], $0xffff;
	_ =	sdelay $0x1  }
0x226: {  	s30 =	sadd.s32 $0x1C21, s23  }
0x227: {  	v2 =	vadd.s32 s30, v0;
	_ =	sdelay $0x1  }
0x228: {  	v3 =	vshra.s32 v1, $0x2;
	v1 =	vshll.u32 v1, $0x5  }
0x229: {  	[tilespmem:$0x6480] =	vst v3;
	v1 =	vand.u32 $0x60, v1  }
0x22a: {  	[tilespmem:$0x6580] =	vst v1  }
0x22b: {  	v1 =	vld.idx.msk [tilespmem:v2+s2+$0x0], $0xffff;
	_ =	sdelay $0x1  }
0x22c: {  	s31 =	sadd.s32 $0x1F41, s23  }
0x22d: {  	v2 =	vadd.s32 s31, v0;
	_ =	sdelay $0x1  }
0x22e: {  	v3 =	vshra.s32 v1, $0x2;
	v1 =	vshll.u32 v1, $0x5  }
0x22f: {  	[tilespmem:$0x6490] =	vst v3;
	v1 =	vand.u32 $0x60, v1  }
0x230: {  	[tilespmem:$0x6590] =	vst v1  }
0x231: {  	v1 =	vld.idx.msk [tilespmem:v2+s2+$0x0], $0xffff;
	_ =	sdelay $0x1  }
0x232: {  	s26 =	sadd.s32 $0x2261, s23  }
0x233: {  	v2 =	vadd.s32 s26, v0;
	_ =	sdelay $0x1  }
0x234: {  	v3 =	vshra.s32 v1, $0x2;
	v1 =	vshll.u32 v1, $0x5  }
0x235: {  	[tilespmem:$0x64A0] =	vst v3;
	v1 =	vand.u32 $0x60, v1  }
0x236: {  	[tilespmem:$0x65A0] =	vst v1  }
0x237: {  	v1 =	vld.idx.msk [tilespmem:v2+s2+$0x0], $0xffff;
	_ =	sdelay $0x1  }
0x238: {  	s28 =	sadd.s32 $0x2581, s23  }
0x239: {  	v2 =	vadd.s32 s28, v0;
	_ =	sdelay $0x1  }
0x23a: {  	v3 =	vshra.s32 v1, $0x2;
	v1 =	vshll.u32 v1, $0x5  }
0x23b: {  	[tilespmem:$0x64B0] =	vst v3;
	v1 =	vand.u32 $0x60, v1  }
0x23c: {  	[tilespmem:$0x65B0] =	vst v1  }
0x23d: {  	v1 =	vld.idx.msk [tilespmem:v2+s2+$0x0], $0xffff;
	_ =	sdelay $0x1  }
0x23e: {  	s29 =	sadd.s32 $0x28A1, s23  }
0x23f: {  	v2 =	vadd.s32 s29, v0;
	_ =	sdelay $0x1  }
0x240: {  	v3 =	vshra.s32 v1, $0x2;
	v1 =	vshll.u32 v1, $0x5  }
0x241: {  	[tilespmem:$0x64C0] =	vst v3;
	v1 =	vand.u32 $0x60, v1  }
0x242: {  	[tilespmem:$0x65C0] =	vst v1  }
0x243: {  	v1 =	vld.idx.msk [tilespmem:v2+s2+$0x0], $0xffff;
	_ =	sdelay $0x1  }
0x244: {  	s30 =	sadd.s32 $0x2BC1, s23  }
0x245: {  	v2 =	vadd.s32 s30, v0;
	_ =	sdelay $0x1  }
0x246: {  	v3 =	vshra.s32 v1, $0x2;
	v1 =	vshll.u32 v1, $0x5  }
0x247: {  	[tilespmem:$0x64D0] =	vst v3;
	v1 =	vand.u32 $0x60, v1  }
0x248: {  	[tilespmem:$0x65D0] =	vst v1  }
0x249: {  	v1 =	vld.idx.msk [tilespmem:v2+s2+$0x0], $0xffff;
	_ =	sdelay $0x1  }
0x24a: {  	s31 =	sadd.s32 $0x2EE1, s23  }
0x24b: {  	v2 =	vadd.s32 s31, v0;
	_ =	sdelay $0x1  }
0x24c: {  	v3 =	vshra.s32 v1, $0x2;
	v1 =	vshll.u32 v1, $0x5  }
0x24d: {  	[tilespmem:$0x64E0] =	vst v3;
	v1 =	vand.u32 $0x60, v1  }
0x24e: {  	[tilespmem:$0x65E0] =	vst v1  }
0x24f: {  	v1 =	vld.idx.msk [tilespmem:v2+s2+$0x0], $0xffff;
	_ =	sdelay $0x4  }
0x250: {  	v2 =	vshra.s32 v1, $0x2;
	v1 =	vshll.u32 v1, $0x5  }
0x251: {  	[tilespmem:$0x64F0] =	vst v2;
	v1 =	vand.u32 $0x60, v1  }
.Ltmp3:
0x252: {  	[tilespmem:$0x65F0] =	vst v1;
	(pc) =	sbr.rel @p0 .LBB2_8-.Ltmp3, $4  }
0x253: {  	[tilespmem:s11], [sflag:$0x1] =	stream.indirect.gather [hbm4b:s3+s9], $0x80, s10, s9, $0xb8;
	[tilespmem:$0x1A800] =	vst v63  }
0x254: {  	_ =	swait.ge [sflag:s18], $0x8000  }
0x255: {  	[sflag:s18] =	ssyncset.done $0x0  }
0x256: {  	[sflag:s18] =	ssyncadd.s32 $0xFFFF8000  }
.LBB2_7:
0x257: {  	_ =	swait.ge [sflag:s19], $0x2000  }
0x258: {  	[sflag:s19] =	ssyncset.done $0x0  }
0x259: {  	[sflag:s19] =	ssyncadd.s32 $0xFFFFE000  }
.LBB2_8:
0x25a: {  	s25 =	simm.s32 $0x6700  }
0x25b: {  	v17 =	vld [tilespmem:s25+$0x0];
	_ =	sdelay $0x1  }
0x25c: {  	s26 =	simm.s32 $0x0  }
0x25d: {  	v1 =	vmov s26  }
0x25e: {  	v1 =	vshll.u32 v1, $0x7  }
0x25f: {  	v18 =	vor.u32 v16, v1;
	v2 =	vand.u32 $0xFFFFFF80, v17  }
0x260: {  	v1 =	vand.u32 $0x7F, v17;
	v2 =	vadd.s32 v18, v2  }
0x261: {  	v1 =	vor.u32 v1, v2;
	_ =	sdelay $0x2  }
0x262: {  	v2 =	vadd.s32 $0x1, v17  }
0x263: {  	v3 =	vand.u32 $0xFFFFFF80, v2  }
0x264: {  	v2 =	vand.u32 $0x7F, v2;
	v3 =	vadd.s32 v18, v3;
	v1 =	vld.idx.msk [tilespmem:v1+s13+$0x0], $0xffff  }
0x265: {  	v2 =	vor.u32 v2, v3;
	_ =	sdelay $0x1  }
0x266: {  	s28 =	sand.u32 $0x70, s26;
	s29 =	sand.u32 $0x400, s26  }
0x267: {  	s28 =	sor.u32 s28, s29;
	v3 =	vadd.s32 $0x2, v17  }
0x268: {  	v4 =	vand.u32 $0xFFFFFF80, v3;
	[tilespmem:s28+$0x18800] =	vst v1  }
0x269: {  	v3 =	vand.u32 $0x7F, v3;
	v1 =	vadd.s32 v18, v4;
	v2 =	vld.idx.msk [tilespmem:v2+s13+$0x0], $0xffff  }
0x26a: {  	v1 =	vor.u32 v3, v1;
	_ =	sdelay $0x2  }
0x26b: {  	v3 =	vadd.s32 $0x3, v17  }
0x26c: {  	v35 =	vand.u32 $0xFFFFFF80, v3;
	[tilespmem:s28+$0x18880] =	vst v2  }
0x26d: {  	v3 =	vand.u32 $0x7F, v3;
	v2 =	vadd.s32 v18, v35;
	v1 =	vld.idx.msk [tilespmem:v1+s13+$0x0], $0xffff  }
0x26e: {  	v2 =	vor.u32 v3, v2;
	_ =	sdelay $0x2  }
0x26f: {  	v3 =	vadd.s32 $0x4, v17  }
0x270: {  	v36 =	vand.u32 $0xFFFFFF80, v3;
	[tilespmem:s28+$0x18900] =	vst v1  }
0x271: {  	v3 =	vand.u32 $0x7F, v3;
	v1 =	vadd.s32 v18, v36;
	v2 =	vld.idx.msk [tilespmem:v2+s13+$0x0], $0xffff  }
0x272: {  	v1 =	vor.u32 v3, v1;
	_ =	sdelay $0x2  }
0x273: {  	v3 =	vadd.s32 $0x5, v17  }
0x274: {  	v37 =	vand.u32 $0xFFFFFF80, v3;
	[tilespmem:s28+$0x18980] =	vst v2  }
0x275: {  	v3 =	vand.u32 $0x7F, v3;
	v2 =	vadd.s32 v18, v37;
	v1 =	vld.idx.msk [tilespmem:v1+s13+$0x0], $0xffff  }
0x276: {  	v2 =	vor.u32 v3, v2;
	_ =	sdelay $0x2  }
0x277: {  	v3 =	vadd.s32 $0x6, v17  }
0x278: {  	v38 =	vand.u32 $0xFFFFFF80, v3;
	[tilespmem:s28+$0x18A00] =	vst v1  }
0x279: {  	v3 =	vand.u32 $0x7F, v3;
	v1 =	vadd.s32 v18, v38;
	v2 =	vld.idx.msk [tilespmem:v2+s13+$0x0], $0xffff  }
0x27a: {  	v1 =	vor.u32 v3, v1;
	_ =	sdelay $0x2  }
0x27b: {  	v3 =	vadd.s32 $0x7, v17  }
0x27c: {  	v39 =	vand.u32 $0xFFFFFF80, v3;
	[tilespmem:s28+$0x18A80] =	vst v2  }
0x27d: {  	v3 =	vand.u32 $0x7F, v3;
	v2 =	vadd.s32 v18, v39;
	v1 =	vld.idx.msk [tilespmem:v1+s13+$0x0], $0xffff  }
0x27e: {  	v2 =	vor.u32 v3, v2;
	_ =	sdelay $0x2  }
0x27f: {  	v3 =	vadd.s32 $0x8, v17  }
0x280: {  	v40 =	vand.u32 $0xFFFFFF80, v3;
	[tilespmem:s28+$0x18B00] =	vst v1  }
0x281: {  	v3 =	vand.u32 $0x7F, v3;
	v1 =	vadd.s32 v18, v40;
	v2 =	vld.idx.msk [tilespmem:v2+s13+$0x0], $0xffff  }
0x282: {  	v1 =	vor.u32 v3, v1;
	_ =	sdelay $0x1  }
0x283: {  	s29 =	sor.u32 s26, s26  }
0x284: {  	s29 =	sor.u32 $0x380, s29;
	v3 =	vadd.s32 $0x9, v17  }
0x285: {  	v41 =	vand.u32 $0xFFFFFF80, v3;
	[tilespmem:s29+$0x18800] =	vst v2  }
0x286: {  	v3 =	vand.u32 $0x7F, v3;
	v2 =	vadd.s32 v18, v41;
	v1 =	vld.idx.msk [tilespmem:v1+s13+$0x0], $0xffff  }
0x287: {  	v2 =	vor.u32 v3, v2;
	_ =	sdelay $0x2  }
0x288: {  	v3 =	vadd.s32 $0xA, v17  }
0x289: {  	v42 =	vand.u32 $0xFFFFFF80, v3;
	[tilespmem:s28+$0x19000] =	vst v1  }
0x28a: {  	v3 =	vand.u32 $0x7F, v3;
	v1 =	vadd.s32 v18, v42;
	v2 =	vld.idx.msk [tilespmem:v2+s13+$0x0], $0xffff  }
0x28b: {  	v1 =	vor.u32 v3, v1;
	_ =	sdelay $0x2  }
0x28c: {  	v3 =	vadd.s32 $0xB, v17  }
0x28d: {  	v43 =	vand.u32 $0xFFFFFF80, v3;
	[tilespmem:s28+$0x19080] =	vst v2  }
0x28e: {  	v3 =	vand.u32 $0x7F, v3;
	v2 =	vadd.s32 v18, v43;
	v1 =	vld.idx.msk [tilespmem:v1+s13+$0x0], $0xffff  }
0x28f: {  	v2 =	vor.u32 v3, v2;
	_ =	sdelay $0x2  }
0x290: {  	v3 =	vadd.s32 $0xC, v17  }
0x291: {  	v44 =	vand.u32 $0xFFFFFF80, v3;
	[tilespmem:s28+$0x19100] =	vst v1  }
0x292: {  	v3 =	vand.u32 $0x7F, v3;
	v1 =	vadd.s32 v18, v44;
	v2 =	vld.idx.msk [tilespmem:v2+s13+$0x0], $0xffff  }
0x293: {  	v1 =	vor.u32 v3, v1;
	_ =	sdelay $0x2  }
0x294: {  	v3 =	vadd.s32 $0xD, v17  }
0x295: {  	v45 =	vand.u32 $0xFFFFFF80, v3;
	[tilespmem:s28+$0x19180] =	vst v2  }
0x296: {  	v3 =	vand.u32 $0x7F, v3;
	v2 =	vadd.s32 v18, v45;
	v1 =	vld.idx.msk [tilespmem:v1+s13+$0x0], $0xffff  }
0x297: {  	v2 =	vor.u32 v3, v2;
	_ =	sdelay $0x2  }
0x298: {  	v3 =	vadd.s32 $0xE, v17  }
0x299: {  	v46 =	vand.u32 $0xFFFFFF80, v3;
	[tilespmem:s28+$0x19200] =	vst v1  }
0x29a: {  	v3 =	vand.u32 $0x7F, v3;
	v1 =	vadd.s32 v18, v46;
	v2 =	vld.idx.msk [tilespmem:v2+s13+$0x0], $0xffff  }
0x29b: {  	v1 =	vor.u32 v3, v1;
	_ =	sdelay $0x2  }
0x29c: {  	v3 =	vadd.s32 $0xF, v17  }
0x29d: {  	v47 =	vand.u32 $0xFFFFFF80, v3;
	[tilespmem:s28+$0x19280] =	vst v2  }
0x29e: {  	v3 =	vand.u32 $0x7F, v3;
	v2 =	vadd.s32 v18, v47;
	v1 =	vld.idx.msk [tilespmem:v1+s13+$0x0], $0xffff  }
0x29f: {  	v2 =	vor.u32 v3, v2;
	_ =	sdelay $0x2  }
0x2a0: {  	v3 =	vadd.s32 $0x10, v17  }
0x2a1: {  	v48 =	vand.u32 $0xFFFFFF80, v3;
	[tilespmem:s28+$0x19300] =	vst v1  }
0x2a2: {  	v3 =	vand.u32 $0x7F, v3;
	v1 =	vadd.s32 v18, v48;
	v2 =	vld.idx.msk [tilespmem:v2+s13+$0x0], $0xffff  }
0x2a3: {  	v1 =	vor.u32 v3, v1;
	_ =	sdelay $0x2  }
0x2a4: {  	v3 =	vadd.s32 $0x11, v17  }
0x2a5: {  	v49 =	vand.u32 $0xFFFFFF80, v3;
	[tilespmem:s28+$0x19380] =	vst v2  }
0x2a6: {  	v3 =	vand.u32 $0x7F, v3;
	v2 =	vadd.s32 v18, v49;
	v1 =	vld.idx.msk [tilespmem:v1+s13+$0x0], $0xffff  }
0x2a7: {  	v2 =	vor.u32 v3, v2;
	_ =	sdelay $0x2  }
0x2a8: {  	v3 =	vadd.s32 $0x12, v17  }
0x2a9: {  	v50 =	vand.u32 $0xFFFFFF80, v3;
	[tilespmem:s28+$0x19800] =	vst v1  }
0x2aa: {  	v3 =	vand.u32 $0x7F, v3;
	v1 =	vadd.s32 v18, v50;
	v2 =	vld.idx.msk [tilespmem:v2+s13+$0x0], $0xffff  }
0x2ab: {  	v1 =	vor.u32 v3, v1;
	_ =	sdelay $0x2  }
0x2ac: {  	v3 =	vadd.s32 $0x13, v17  }
0x2ad: {  	v51 =	vand.u32 $0xFFFFFF80, v3;
	[tilespmem:s28+$0x19880] =	vst v2  }
0x2ae: {  	v3 =	vand.u32 $0x7F, v3;
	v2 =	vadd.s32 v18, v51;
	v1 =	vld.idx.msk [tilespmem:v1+s13+$0x0], $0xffff  }
0x2af: {  	v2 =	vor.u32 v3, v2;
	_ =	sdelay $0x2  }
0x2b0: {  	v3 =	vadd.s32 $0x14, v17  }
0x2b1: {  	v52 =	vand.u32 $0xFFFFFF80, v3;
	[tilespmem:s28+$0x19900] =	vst v1  }
0x2b2: {  	v3 =	vand.u32 $0x7F, v3;
	v1 =	vadd.s32 v18, v52;
	v2 =	vld.idx.msk [tilespmem:v2+s13+$0x0], $0xffff  }
0x2b3: {  	v1 =	vor.u32 v3, v1;
	_ =	sdelay $0x2  }
0x2b4: {  	v3 =	vadd.s32 $0x15, v17  }
0x2b5: {  	v53 =	vand.u32 $0xFFFFFF80, v3;
	[tilespmem:s28+$0x19980] =	vst v2  }
0x2b6: {  	v3 =	vand.u32 $0x7F, v3;
	v2 =	vadd.s32 v18, v53;
	v1 =	vld.idx.msk [tilespmem:v1+s13+$0x0], $0xffff  }
0x2b7: {  	v2 =	vor.u32 v3, v2;
	_ =	sdelay $0x2  }
0x2b8: {  	v3 =	vadd.s32 $0x16, v17  }
0x2b9: {  	v54 =	vand.u32 $0xFFFFFF80, v3;
	[tilespmem:s28+$0x19A00] =	vst v1  }
0x2ba: {  	v3 =	vand.u32 $0x7F, v3;
	v1 =	vadd.s32 v18, v54;
	v2 =	vld.idx.msk [tilespmem:v2+s13+$0x0], $0xffff  }
0x2bb: {  	v1 =	vor.u32 v3, v1;
	_ =	sdelay $0x2  }
0x2bc: {  	v3 =	vadd.s32 $0x17, v17  }
0x2bd: {  	v55 =	vand.u32 $0xFFFFFF80, v3;
	[tilespmem:s28+$0x19A80] =	vst v2  }
0x2be: {  	v3 =	vand.u32 $0x7F, v3;
	v2 =	vadd.s32 v18, v55;
	v1 =	vld.idx.msk [tilespmem:v1+s13+$0x0], $0xffff  }
0x2bf: {  	v2 =	vor.u32 v3, v2;
	_ =	sdelay $0x2  }
0x2c0: {  	v3 =	vadd.s32 $0x18, v17  }
0x2c1: {  	v56 =	vand.u32 $0xFFFFFF80, v3;
	[tilespmem:s28+$0x19B00] =	vst v1  }
0x2c2: {  	v3 =	vand.u32 $0x7F, v3;
	v1 =	vadd.s32 v18, v56;
	v2 =	vld.idx.msk [tilespmem:v2+s13+$0x0], $0xffff  }
0x2c3: {  	v1 =	vor.u32 v3, v1;
	_ =	sdelay $0x2  }
0x2c4: {  	v3 =	vadd.s32 $0x19, v17  }
0x2c5: {  	v57 =	vand.u32 $0xFFFFFF80, v3;
	[tilespmem:s28+$0x19B80] =	vst v2  }
0x2c6: {  	v3 =	vand.u32 $0x7F, v3;
	v2 =	vadd.s32 v18, v57;
	v1 =	vld.idx.msk [tilespmem:v1+s13+$0x0], $0xffff  }
0x2c7: {  	v2 =	vor.u32 v3, v2;
	_ =	sdelay $0x2  }
0x2c8: {  	v3 =	vadd.s32 $0x1A, v17  }
0x2c9: {  	v58 =	vand.u32 $0xFFFFFF80, v3;
	[tilespmem:s28+$0x1A000] =	vst v1  }
0x2ca: {  	v3 =	vand.u32 $0x7F, v3;
	v1 =	vadd.s32 v18, v58;
	v2 =	vld.idx.msk [tilespmem:v2+s13+$0x0], $0xffff  }
0x2cb: {  	v1 =	vor.u32 v3, v1;
	_ =	sdelay $0x2  }
0x2cc: {  	v3 =	vadd.s32 $0x1B, v17  }
0x2cd: {  	v59 =	vand.u32 $0xFFFFFF80, v3;
	[tilespmem:s28+$0x1A080] =	vst v2  }
0x2ce: {  	v3 =	vand.u32 $0x7F, v3;
	v2 =	vadd.s32 v18, v59;
	v1 =	vld.idx.msk [tilespmem:v1+s13+$0x0], $0xffff  }
0x2cf: {  	v2 =	vor.u32 v3, v2;
	_ =	sdelay $0x2  }
0x2d0: {  	v3 =	vadd.s32 $0x1C, v17  }
0x2d1: {  	v60 =	vand.u32 $0xFFFFFF80, v3;
	[tilespmem:s28+$0x1A100] =	vst v1  }
0x2d2: {  	v3 =	vand.u32 $0x7F, v3;
	v1 =	vadd.s32 v18, v60;
	v2 =	vld.idx.msk [tilespmem:v2+s13+$0x0], $0xffff  }
0x2d3: {  	v1 =	vor.u32 v3, v1;
	_ =	sdelay $0x2  }
0x2d4: {  	v3 =	vadd.s32 $0x1D, v17  }
0x2d5: {  	v61 =	vand.u32 $0xFFFFFF80, v3;
	[tilespmem:s28+$0x1A180] =	vst v2  }
0x2d6: {  	v3 =	vand.u32 $0x7F, v3;
	v2 =	vadd.s32 v18, v61;
	v1 =	vld.idx.msk [tilespmem:v1+s13+$0x0], $0xffff  }
0x2d7: {  	v2 =	vor.u32 v3, v2;
	_ =	sdelay $0x2  }
0x2d8: {  	v3 =	vadd.s32 $0x1E, v17  }
0x2d9: {  	v62 =	vand.u32 $0xFFFFFF80, v3;
	[tilespmem:s28+$0x1A200] =	vst v1  }
0x2da: {  	v3 =	vand.u32 $0x7F, v3;
	v1 =	vadd.s32 v18, v62;
	v2 =	vld.idx.msk [tilespmem:v2+s13+$0x0], $0xffff  }
0x2db: {  	v1 =	vor.u32 v3, v1;
	_ =	sdelay $0x2  }
0x2dc: {  	v3 =	vadd.s32 $0x1F, v17  }
0x2dd: {  	v63 =	vand.u32 $0xFFFFFF80, v3;
	[tilespmem:s28+$0x1A280] =	vst v2  }
0x2de: {  	v3 =	vand.u32 $0x7F, v3;
	v2 =	vadd.s32 v18, v63;
	v1 =	vld.idx.msk [tilespmem:v1+s13+$0x0], $0xffff  }
0x2df: {  	v2 =	vor.u32 v3, v2;
	_ =	sdelay $0x3  }
0x2e0: {  	[tilespmem:s28+$0x1A300] =	vst v1  }
0x2e1: {  	s29 =	simm.s32 $0x10;
	v1 =	vld.idx.msk [tilespmem:v2+s13+$0x0], $0xffff  }
.LBB2_9:
0x2e2: {  	_ =	sdelay $0x3  }
0x2e3: {  	p0 =	sne.s32 s29, $0xF0;
	s26 =	sadd.s32 $0x80, s26;
	s25 =	sadd.s32 $0x10, s25;
	[tilespmem:s28+$0x1A380] =	vst v1  }
0x2e4: {  	s30 =	smov.u32 s29;
	s29 =	sadd.s32 $0x10, s29;
	v17 =	vld [tilespmem:s25+$0x0];
	_ =	sdelay $0x2  }
0x2e5: {  	v1 =	vmov s30  }
0x2e6: {  	v1 =	vshll.u32 v1, $0x7  }
0x2e7: {  	v18 =	vor.u32 v16, v1;
	v2 =	vand.u32 $0xFFFFFF80, v17;
	v1 =	vadd.s32 $0x1, v17  }
0x2e8: {  	v3 =	vand.u32 $0x7F, v17;
	v2 =	vadd.s32 v18, v2;
	v4 =	vand.u32 $0xFFFFFF80, v1  }
0x2e9: {  	v7 =	vadd.s32 $0x2, v17;
	v2 =	vor.u32 v3, v2;
	v3 =	vadd.s32 v18, v4  }
0x2ea: {  	v8 =	vadd.s32 $0x3, v17;
	v9 =	vadd.s32 $0x4, v17;
	v4 =	vand.u32 $0xFFFFFF80, v7  }
0x2eb: {  	v5 =	vand.u32 $0xFFFFFF80, v9;
	v10 =	vadd.s32 v18, v4;
	v4 =	vand.u32 $0xFFFFFF80, v8  }
0x2ec: {  	v6 =	vadd.s32 $0x5, v17;
	v20 =	vadd.s32 v18, v5;
	v19 =	vadd.s32 v18, v4  }
0x2ed: {  	v63 =	vadd.s32 $0x7, v17;
	v5 =	vand.u32 $0xFFFFFF80, v6;
	v4 =	vadd.s32 $0x6, v17  }
0x2ee: {  	v22 =	vand.u32 $0xFFFFFF80, v63;
	v11 =	vadd.s32 v18, v5;
	v21 =	vld.idx.msk [tilespmem:v2+s13+$0x0], $0xffff;
	v2 =	vand.u32 $0xFFFFFF80, v4  }
0x2ef: {  	v1 =	vand.u32 $0x7F, v1;
	v5 =	vadd.s32 v18, v2;
	v2 =	vadd.s32 v18, v22  }
0x2f0: {  	v60 =	vadd.s32 $0x9, v17;
	v22 =	vor.u32 v1, v3;
	v1 =	vadd.s32 $0x8, v17  }
0x2f1: {  	v58 =	vadd.s32 $0xA, v17;
	v23 =	vand.u32 $0xFFFFFF80, v60;
	v3 =	vand.u32 $0xFFFFFF80, v1  }
0x2f2: {  	s31 =	sand.u32 $0x400, s26;
	s28 =	sand.u32 $0x70, s30;
	v62 =	vadd.s32 v18, v23;
	v23 =	vand.u32 $0xFFFFFF80, v58;
	v3 =	vadd.s32 v18, v3  }
0x2f3: {  	s28 =	sor.u32 s28, s31;
	v57 =	vadd.s32 $0xB, v17;
	v54 =	vadd.s32 $0xC, v17;
	v61 =	vadd.s32 v18, v23  }
0x2f4: {  	v52 =	vadd.s32 $0xD, v17;
	v23 =	vand.u32 $0xFFFFFF80, v54;
	[tilespmem:s28+$0x18800] =	vst v21;
	v21 =	vand.u32 $0xFFFFFF80, v57  }
0x2f5: {  	v56 =	vadd.s32 v18, v23;
	v22 =	vld.idx.msk [tilespmem:v22+s13+$0x0], $0xffff;
	v59 =	vadd.s32 v18, v21;
	v21 =	vand.u32 $0xFFFFFF80, v52  }
0x2f6: {  	v51 =	vadd.s32 $0xE, v17;
	v7 =	vand.u32 $0x7F, v7;
	v55 =	vadd.s32 v18, v21  }
0x2f7: {  	v49 =	vadd.s32 $0xF, v17;
	v7 =	vor.u32 v7, v10;
	v10 =	vand.u32 $0xFFFFFF80, v51  }
0x2f8: {  	v47 =	vadd.s32 $0x10, v17;
	v53 =	vadd.s32 v18, v10;
	v10 =	vand.u32 $0xFFFFFF80, v49  }
0x2f9: {  	v45 =	vadd.s32 $0x11, v17;
	v50 =	vadd.s32 v18, v10;
	v10 =	vand.u32 $0xFFFFFF80, v47  }
0x2fa: {  	v42 =	vadd.s32 $0x12, v17;
	v48 =	vadd.s32 v18, v10;
	v10 =	vand.u32 $0xFFFFFF80, v45  }
0x2fb: {  	v41 =	vadd.s32 $0x13, v17;
	v46 =	vadd.s32 v18, v10;
	v10 =	vand.u32 $0xFFFFFF80, v42;
	[tilespmem:s28+$0x18880] =	vst v22  }
0x2fc: {  	v38 =	vadd.s32 $0x14, v17;
	v44 =	vadd.s32 v18, v10;
	v10 =	vand.u32 $0xFFFFFF80, v41;
	v7 =	vld.idx.msk [tilespmem:v7+s13+$0x0], $0xffff  }
0x2fd: {  	v8 =	vand.u32 $0x7F, v8;
	v43 =	vadd.s32 v18, v10;
	v10 =	vand.u32 $0xFFFFFF80, v38  }
0x2fe: {  	v37 =	vadd.s32 $0x15, v17;
	v8 =	vor.u32 v8, v19;
	v40 =	vadd.s32 v18, v10  }
0x2ff: {  	v35 =	vadd.s32 $0x16, v17;
	v32 =	vadd.s32 $0x17, v17;
	v10 =	vand.u32 $0xFFFFFF80, v37  }
0x300: {  	v19 =	vand.u32 $0xFFFFFF80, v32;
	v39 =	vadd.s32 v18, v10;
	v10 =	vand.u32 $0xFFFFFF80, v35  }
0x301: {  	v30 =	vadd.s32 $0x18, v17;
	v34 =	vadd.s32 v18, v19;
	v36 =	vadd.s32 v18, v10  }
0x302: {  	v29 =	vadd.s32 $0x19, v17;
	v25 =	vadd.s32 $0x1A, v17;
	[tilespmem:s28+$0x18900] =	vst v7;
	v7 =	vand.u32 $0xFFFFFF80, v30  }
0x303: {  	v10 =	vand.u32 $0xFFFFFF80, v25;
	v8 =	vld.idx.msk [tilespmem:v8+s13+$0x0], $0xffff;
	v33 =	vadd.s32 v18, v7;
	v7 =	vand.u32 $0xFFFFFF80, v29  }
0x304: {  	v9 =	vand.u32 $0x7F, v9;
	v28 =	vadd.s32 v18, v10;
	v31 =	vadd.s32 v18, v7  }
0x305: {  	v26 =	vadd.s32 $0x1B, v17;
	v23 =	vadd.s32 $0x1C, v17;
	v7 =	vor.u32 v9, v20  }
0x306: {  	v10 =	vand.u32 $0xFFFFFF80, v23;
	v9 =	vand.u32 $0xFFFFFF80, v26;
	v20 =	vadd.s32 $0x1D, v17  }
0x307: {  	v24 =	vadd.s32 v18, v10;
	v27 =	vadd.s32 v18, v9;
	v9 =	vand.u32 $0xFFFFFF80, v20  }
0x308: {  	v19 =	vadd.s32 $0x1E, v17;
	v17 =	vadd.s32 $0x1F, v17;
	v22 =	vadd.s32 v18, v9  }
0x309: {  	v9 =	vand.u32 $0xFFFFFF80, v17;
	[tilespmem:s28+$0x18980] =	vst v8;
	v8 =	vand.u32 $0xFFFFFF80, v19  }
0x30a: {  	v7 =	vld.idx.msk [tilespmem:v7+s13+$0x0], $0xffff;
	v21 =	vadd.s32 v18, v8;
	v18 =	vadd.s32 v18, v9  }
0x30b: {  	v6 =	vand.u32 $0x7F, v6  }
0x30c: {  	v6 =	vor.u32 v6, v11;
	_ =	sdelay $0x3  }
0x30d: {  	[tilespmem:s28+$0x18A00] =	vst v7  }
0x30e: {  	v6 =	vld.idx.msk [tilespmem:v6+s13+$0x0], $0xffff  }
0x30f: {  	v4 =	vand.u32 $0x7F, v4  }
0x310: {  	v4 =	vor.u32 v4, v5;
	_ =	sdelay $0x3  }
0x311: {  	[tilespmem:s28+$0x18A80] =	vst v6  }
0x312: {  	v4 =	vld.idx.msk [tilespmem:v4+s13+$0x0], $0xffff  }
0x313: {  	v5 =	vand.u32 $0x7F, v63  }
0x314: {  	v2 =	vor.u32 v5, v2;
	_ =	sdelay $0x3  }
0x315: {  	[tilespmem:s28+$0x18B00] =	vst v4  }
0x316: {  	v2 =	vld.idx.msk [tilespmem:v2+s13+$0x0], $0xffff  }
0x317: {  	v1 =	vand.u32 $0x7F, v1  }
0x318: {  	v1 =	vor.u32 v1, v3;
	_ =	sdelay $0x1  }
0x319: {  	s30 =	sor.u32 s26, s30  }
0x31a: {  	s30 =	sor.u32 $0x380, s30  }
0x31b: {  	[tilespmem:s30+$0x18800] =	vst v2  }
0x31c: {  	v1 =	vld.idx.msk [tilespmem:v1+s13+$0x0], $0xffff  }
0x31d: {  	v2 =	vand.u32 $0x7F, v60  }
0x31e: {  	v2 =	vor.u32 v2, v62;
	_ =	sdelay $0x3  }
0x31f: {  	[tilespmem:s28+$0x19000] =	vst v1  }
0x320: {  	v1 =	vld.idx.msk [tilespmem:v2+s13+$0x0], $0xffff  }
0x321: {  	v2 =	vand.u32 $0x7F, v58  }
0x322: {  	v2 =	vor.u32 v2, v61;
	_ =	sdelay $0x3  }
0x323: {  	[tilespmem:s28+$0x19080] =	vst v1  }
0x324: {  	v1 =	vld.idx.msk [tilespmem:v2+s13+$0x0], $0xffff  }
0x325: {  	v2 =	vand.u32 $0x7F, v57  }
0x326: {  	v2 =	vor.u32 v2, v59;
	_ =	sdelay $0x3  }
0x327: {  	[tilespmem:s28+$0x19100] =	vst v1  }
0x328: {  	v1 =	vld.idx.msk [tilespmem:v2+s13+$0x0], $0xffff  }
0x329: {  	v2 =	vand.u32 $0x7F, v54  }
0x32a: {  	v2 =	vor.u32 v2, v56;
	_ =	sdelay $0x3  }
0x32b: {  	[tilespmem:s28+$0x19180] =	vst v1  }
0x32c: {  	v1 =	vld.idx.msk [tilespmem:v2+s13+$0x0], $0xffff  }
0x32d: {  	v2 =	vand.u32 $0x7F, v52  }
0x32e: {  	v2 =	vor.u32 v2, v55;
	_ =	sdelay $0x3  }
0x32f: {  	[tilespmem:s28+$0x19200] =	vst v1  }
0x330: {  	v1 =	vld.idx.msk [tilespmem:v2+s13+$0x0], $0xffff  }
0x331: {  	v2 =	vand.u32 $0x7F, v51  }
0x332: {  	v2 =	vor.u32 v2, v53;
	_ =	sdelay $0x3  }
0x333: {  	[tilespmem:s28+$0x19280] =	vst v1  }
0x334: {  	v1 =	vld.idx.msk [tilespmem:v2+s13+$0x0], $0xffff  }
0x335: {  	v2 =	vand.u32 $0x7F, v49  }
0x336: {  	v2 =	vor.u32 v2, v50;
	_ =	sdelay $0x3  }
0x337: {  	[tilespmem:s28+$0x19300] =	vst v1  }
0x338: {  	v1 =	vld.idx.msk [tilespmem:v2+s13+$0x0], $0xffff  }
0x339: {  	v2 =	vand.u32 $0x7F, v47  }
0x33a: {  	v2 =	vor.u32 v2, v48;
	_ =	sdelay $0x3  }
0x33b: {  	[tilespmem:s28+$0x19380] =	vst v1  }
0x33c: {  	v1 =	vld.idx.msk [tilespmem:v2+s13+$0x0], $0xffff  }
0x33d: {  	v2 =	vand.u32 $0x7F, v45  }
0x33e: {  	v2 =	vor.u32 v2, v46;
	_ =	sdelay $0x3  }
0x33f: {  	[tilespmem:s28+$0x19800] =	vst v1  }
0x340: {  	v1 =	vld.idx.msk [tilespmem:v2+s13+$0x0], $0xffff  }
0x341: {  	v2 =	vand.u32 $0x7F, v42  }
0x342: {  	v2 =	vor.u32 v2, v44;
	_ =	sdelay $0x3  }
0x343: {  	[tilespmem:s28+$0x19880] =	vst v1  }
0x344: {  	v1 =	vld.idx.msk [tilespmem:v2+s13+$0x0], $0xffff  }
0x345: {  	v2 =	vand.u32 $0x7F, v41  }
0x346: {  	v2 =	vor.u32 v2, v43;
	_ =	sdelay $0x3  }
0x347: {  	[tilespmem:s28+$0x19900] =	vst v1  }
0x348: {  	v1 =	vld.idx.msk [tilespmem:v2+s13+$0x0], $0xffff  }
0x349: {  	v2 =	vand.u32 $0x7F, v38  }
0x34a: {  	v2 =	vor.u32 v2, v40;
	_ =	sdelay $0x3  }
0x34b: {  	[tilespmem:s28+$0x19980] =	vst v1  }
0x34c: {  	v1 =	vld.idx.msk [tilespmem:v2+s13+$0x0], $0xffff  }
0x34d: {  	v2 =	vand.u32 $0x7F, v37  }
0x34e: {  	v2 =	vor.u32 v2, v39;
	_ =	sdelay $0x3  }
0x34f: {  	[tilespmem:s28+$0x19A00] =	vst v1  }
0x350: {  	v1 =	vld.idx.msk [tilespmem:v2+s13+$0x0], $0xffff  }
0x351: {  	v2 =	vand.u32 $0x7F, v35  }
0x352: {  	v2 =	vor.u32 v2, v36;
	_ =	sdelay $0x3  }
0x353: {  	[tilespmem:s28+$0x19A80] =	vst v1  }
0x354: {  	v1 =	vld.idx.msk [tilespmem:v2+s13+$0x0], $0xffff  }
0x355: {  	v2 =	vand.u32 $0x7F, v32  }
0x356: {  	v2 =	vor.u32 v2, v34;
	_ =	sdelay $0x3  }
0x357: {  	[tilespmem:s28+$0x19B00] =	vst v1  }
0x358: {  	v1 =	vld.idx.msk [tilespmem:v2+s13+$0x0], $0xffff  }
0x359: {  	v2 =	vand.u32 $0x7F, v30  }
0x35a: {  	v2 =	vor.u32 v2, v33;
	_ =	sdelay $0x3  }
0x35b: {  	[tilespmem:s28+$0x19B80] =	vst v1  }
0x35c: {  	v1 =	vld.idx.msk [tilespmem:v2+s13+$0x0], $0xffff  }
0x35d: {  	v2 =	vand.u32 $0x7F, v29  }
0x35e: {  	v2 =	vor.u32 v2, v31;
	_ =	sdelay $0x3  }
0x35f: {  	[tilespmem:s28+$0x1A000] =	vst v1  }
0x360: {  	v1 =	vld.idx.msk [tilespmem:v2+s13+$0x0], $0xffff  }
0x361: {  	v2 =	vand.u32 $0x7F, v25  }
0x362: {  	v2 =	vor.u32 v2, v28;
	_ =	sdelay $0x3  }
0x363: {  	[tilespmem:s28+$0x1A080] =	vst v1  }
0x364: {  	v1 =	vld.idx.msk [tilespmem:v2+s13+$0x0], $0xffff  }
0x365: {  	v2 =	vand.u32 $0x7F, v26  }
0x366: {  	v2 =	vor.u32 v2, v27;
	_ =	sdelay $0x3  }
0x367: {  	[tilespmem:s28+$0x1A100] =	vst v1  }
0x368: {  	v1 =	vld.idx.msk [tilespmem:v2+s13+$0x0], $0xffff  }
0x369: {  	v2 =	vand.u32 $0x7F, v23  }
0x36a: {  	v2 =	vor.u32 v2, v24;
	_ =	sdelay $0x3  }
0x36b: {  	[tilespmem:s28+$0x1A180] =	vst v1  }
0x36c: {  	v1 =	vld.idx.msk [tilespmem:v2+s13+$0x0], $0xffff  }
0x36d: {  	v2 =	vand.u32 $0x7F, v20  }
0x36e: {  	v2 =	vor.u32 v2, v22;
	_ =	sdelay $0x3  }
0x36f: {  	[tilespmem:s28+$0x1A200] =	vst v1  }
0x370: {  	v1 =	vld.idx.msk [tilespmem:v2+s13+$0x0], $0xffff  }
0x371: {  	v2 =	vand.u32 $0x7F, v19  }
0x372: {  	v2 =	vor.u32 v2, v21;
	_ =	sdelay $0x3  }
0x373: {  	[tilespmem:s28+$0x1A280] =	vst v1  }
0x374: {  	v1 =	vld.idx.msk [tilespmem:v2+s13+$0x0], $0xffff  }
0x375: {  	v2 =	vand.u32 $0x7F, v17  }
0x376: {  	v2 =	vor.u32 v2, v18  }
.Ltmp4:
0x377: {  	(pc) =	sbr.rel @p0 .LBB2_9-.Ltmp4, $3  }
0x378: {  	_ =	sdelay $0x1  }
0x379: {  	[tilespmem:s28+$0x1A300] =	vst v1  }
0x37a: {  	v1 =	vld.idx.msk [tilespmem:v2+s13+$0x0], $0xffff  }
0x37b: {  	s23 =	sadd.s32 $0x1, s23  }
0x37c: {  	p0 =	sne.s32 s23, $0x32  }
.Ltmp5:
0x37d: {  	_ = 	snop;
	(pc) =	sbr.rel @p0 .LBB2_2-.Ltmp5, $3  }
0x37e: {  	_ =	sdelay $0x1  }
0x37f: {  	s24 =	sadd.s32 s24, s6;
	[tilespmem:s28+$0x1A380] =	vst v1  }
0x380: {  	[hbm4b:s24+s15] =	stream.strided.scatter [tilespmem:s20], [sflag:$0x4], $0x2000, s16, s15, $0x38;
	[tilespmem:$0x1A800] =	vst v63  }
0x381: {  	s22 =	sadd.s32 $0x1, s22  }
0x382: {  	_ =	swait.ge [sflag:s21], $0x2000;
	p0 =	sne.s32 s22, s7  }
.Ltmp6:
0x383: {  	[sflag:s21] =	ssyncset.done $0x0;
	(pc) =	sbr.rel @p0 .LBB2_1-.Ltmp6, $4  }
0x384: {  	[sflag:s21] =	ssyncadd.s32 $0xFFFFE000  }
0x385: {  	_ =	swait.ge [sflag:s19], $0x2000  }
0x386: {  	[sflag:s19] =	ssyncset.done $0x0  }
0x387: {  	[sflag:s19] =	ssyncadd.s32 $0xFFFFE000  }
0x388: {  	_ =	sfence.sel $0x180000  }
0x389: {  	[bflag:$0x0] =	sbarrier.arrive $0xFFFF  }
0x38a: {  	p0 =	sne.s32 s0, $0x0;
	_ =	strace $0x90000047  }
0x38b: {  	s0 =	sadd.s32 @!p0 $0x100000, s1;
	[bflag:$0x2] =	sbarrier.arrive $0xFFFF  }
0x38c: {  	[sflag:s0] =	ssyncadd.tile.s32 @!p0 $0x1;
	_ =	shalt  }
.Lfunc_end2:
_tile_overlayer_lowered:
.L_overlay_start_2:
0x38d: {  	(tag) =	ssettag $0x2  }
0x38e: {  	s0 =	rddreg [dreg:$0x0];
	s2 =	stileid.u32  }
0x38f: {  	s1 =	rddreg [dreg:$0x1];
	p0 =	sne.s32 s2, $0x0  }
0x390: {  	s3 =	rddreg [dreg:$0x2];
	[bflag:$0x3] =	sbarrier.arrive $0xFFFF;
	s2 =	simm.s32 @!p0 $0x1C05  }
0x391: {  	[timem:s3], [sflag:s2] =	dma.local @!p0 [hbm:s0], s1  }
0x392: {  	s0 =	simm.s32 @!p0 $0x5  }
0x393: {  	_ =	swait.ge @!p0 [sflag:s0], s1  }
0x394: {  	s1 =	ssub.s32 @!p0 $0x0, s1;
	[sflag:s0] =	ssyncset.done @!p0 $0x0  }
0x395: {  	[sflag:s0] =	ssyncadd.s32 @!p0 s1  }
0x396: {  	[bflag:$0x3] =	sbarrier.arrive $0xFFFF  }
0x397: {  	_ =	shalt  }

</sc_bundles>
